<compile_context>
chip_gen: v7x
topology: tpu7x:2x2x1
jax: 0.10.2.dev20260603
libtpu: 0.0.44.dev20260713+nightly
codegen_flags: <defaults>
</compile_context>

<pallas_src>
import jax
import jax.numpy as jnp
from jax import lax
from jax.experimental import pallas as pl
from jax.experimental.pallas import tpu as pltpu
from jax.experimental.pallas import tpu_sc as plsc

B, L, V, D, H, NB = 4096, 200, 1000000, 64, 256, 4
NC, NS = 2, 16
NW = NC * NS
ROWS_W = B // NW
CHUNK = 100
CPR = L // CHUNK
NCH = ROWS_W * CPR
NLANE = 16
NVEC = D // NLANE



TBLK = 12800
TGRID = (V + TBLK - 1) // TBLK


def _tct_body(in_ref, out_ref):
    iot_r = lax.broadcasted_iota(jnp.int32, (128, 256), 0)
    iot_c = lax.broadcasted_iota(jnp.int32, (128, 256), 1)
    ee = (iot_c == 2 * iot_r).astype(jnp.float32)
    eo = (iot_c == 2 * iot_r + 1).astype(jnp.float32)
    dn = (((1,), (1,)), ((), ()))
    for b in range(TBLK // 256):
        xb = in_ref[:, pl.ds(b * 256, 256)]
        te = lax.dot_general(ee, xb, dn, preferred_element_type=jnp.float32)
        to = lax.dot_general(eo, xb, dn, preferred_element_type=jnp.float32)
        out_ref[pl.ds(b * 128, 128), pl.ds(0, D)] = te
        out_ref[pl.ds(b * 128, 128), pl.ds(D, D)] = to


def _tc_transpose(tblT):
    return pl.pallas_call(
        _tct_body,
        grid=(TGRID,),
        in_specs=[pl.BlockSpec((D, TBLK), lambda i: (0, i))],
        out_specs=pl.BlockSpec((TBLK // 2, 128), lambda i: (i, 0)),
        out_shape=jax.ShapeDtypeStruct((V // 2, 128), jnp.float32),
    )(tblT)


def _sc_gather_mean_body(ids_hbm, table_hbm, out_hbm, idx_v, rows_v, acc_v, sem0, sem1, sem2, sem3):
    wid = lax.axis_index("s") * NC + lax.axis_index("c")
    pltpu.sync_copy(ids_hbm.at[wid], idx_v)
    sems = (sem0, sem1, sem2, sem3)

    def fetch(r, p):
        for c in range(CPR):
            pltpu.async_copy(
                table_hbm.at[idx_v.at[CPR * r + c]], rows_v.at[p, c], sems[p]
            )

    for p in range(4):
        fetch(p, p)

    def pair_body(g, _):
        for p in range(4):
            r = 4 * g + p
            for c in range(CPR):
                pltpu.make_async_copy(
                    table_hbm.at[pl.ds(0, CHUNK)], rows_v.at[p, c], sems[p]
                ).wait()

            def acc_body(l, accs):
                accs = list(accs)
                for u in range(2):
                    for c in range(CPR):
                        for k in range(NVEC):
                            accs[c * NVEC + k] = accs[c * NVEC + k] + rows_v[
                                p, c, 2 * l + u, pl.ds(k * NLANE, NLANE)
                            ]
                return tuple(accs)

            accs = lax.fori_loop(
                0,
                CHUNK // 2,
                acc_body,
                tuple(jnp.zeros((NLANE,), jnp.float32) for _ in range(CPR * NVEC)),
            )
            scale = jnp.float32(1.0 / L)
            for k in range(NVEC):
                tot = accs[k]
                for c in range(1, CPR):
                    tot = tot + accs[c * NVEC + k]
                acc_v[r, pl.ds(k * NLANE, NLANE)] = tot * scale

            nr = r + 4

            @pl.when(nr < ROWS_W)
            def _():
                fetch(nr, p)

        return 0

    lax.fori_loop(0, ROWS_W // 4, pair_body, 0)
    pltpu.sync_copy(acc_v, out_hbm.at[pl.ds(wid * ROWS_W, ROWS_W)])


def _sc_gather_mean(ids3, table):
    mesh = plsc.VectorSubcoreMesh(core_axis_name="c", subcore_axis_name="s")
    return pl.kernel(
        _sc_gather_mean_body,
        out_type=jax.ShapeDtypeStruct((B, D), jnp.float32),
        mesh=mesh,
        scratch_types=[
            pltpu.VMEM((NCH, CHUNK), jnp.int32),
            pltpu.VMEM((4, CPR, CHUNK, D), jnp.float32),
            pltpu.VMEM((ROWS_W, D), jnp.float32),
            pltpu.SemaphoreType.DMA,
            pltpu.SemaphoreType.DMA,
            pltpu.SemaphoreType.DMA,
            pltpu.SemaphoreType.DMA,
        ],
        compiler_params=pltpu.CompilerParams(use_tc_tiling_on_sc=False),
    )(ids3, table)


def _mlp_body(cur_ref, ctx_ref, w1a_ref, w1b_ref, b1_ref, w2_ref, b2_ref, out_ref):
    cur = cur_ref[...]
    ctx = ctx_ref[...]
    for i in range(NB):
        h = (
            jnp.dot(cur, w1a_ref[i], preferred_element_type=jnp.float32)
            + jnp.dot(ctx, w1b_ref[i], preferred_element_type=jnp.float32)
            + b1_ref[i][None, :]
        )
        h = jnp.maximum(h, 0.0)
        cur = cur + jnp.dot(h, w2_ref[i], preferred_element_type=jnp.float32) + b2_ref[i][None, :]
    out_ref[...] = cur


def _tc_mlp(cur0, ctx, W1, b1, W2, b2):
    w1a = W1[:, :D, :]
    w1b = W1[:, D:, :]
    bm = 512
    grid = B // bm
    return pl.pallas_call(
        _mlp_body,
        grid=(grid,),
        in_specs=[
            pl.BlockSpec((bm, D), lambda i: (i, 0)),
            pl.BlockSpec((bm, D), lambda i: (i, 0)),
            pl.BlockSpec((NB, D, H), lambda i: (0, 0, 0)),
            pl.BlockSpec((NB, D, H), lambda i: (0, 0, 0)),
            pl.BlockSpec((NB, H), lambda i: (0, 0)),
            pl.BlockSpec((NB, H, D), lambda i: (0, 0, 0)),
            pl.BlockSpec((NB, D), lambda i: (0, 0)),
        ],
        out_specs=pl.BlockSpec((bm, D), lambda i: (i, 0)),
        out_shape=jax.ShapeDtypeStruct((B, D), jnp.float32),
    )(cur0, ctx, w1a, w1b, b1, W2, b2)


def kernel(initial_noisy_embedding, context_ids, embedding_table, W1, b1, W2, b2):
    ids3 = context_ids.astype(jnp.int32).reshape(NW, NCH, CHUNK)
    table_lin = _tc_transpose(embedding_table.T).reshape(V, D)
    ctx = _sc_gather_mean(ids3, table_lin)
    return _tc_mlp(initial_noisy_embedding, ctx, W1, b1, W2, b2)

# --- scband reference (transcript-rebuilt; emitter-appended) ---
"""Pipeline reference for scband-language-model-60765197304543 (READ-ONLY COPY).

The authoritative reference and input builder live on the scoring server;
editing this copy changes nothing except your own understanding.
"""

import jax, jax.numpy as jnp
import numpy as np

B, L, V, D, H, NB = 4096, 200, 1000000, 64, 256, 4

def setup_inputs(seed: int = 0) -> dict:
    key = jax.random.key(seed)
    ks = jax.random.split(key, 6)
    initial_noisy_embedding = jax.random.normal(ks[0], (B, D), dtype=jnp.float32)
    context_ids = jax.random.randint(ks[1], (B, L), 0, V)
    embedding_table = jax.random.normal(ks[2], (V, D), dtype=jnp.float32) * 0.02
    W1 = jax.random.normal(ks[3], (NB, 2 * D, H), dtype=jnp.float32) * (1.0 / np.sqrt(2 * D))
    b1 = jnp.zeros((NB, H), dtype=jnp.float32)
    W2 = jax.random.normal(ks[4], (NB, H, D), dtype=jnp.float32) * (1.0 / np.sqrt(H))
    b2 = jnp.zeros((NB, D), dtype=jnp.float32)
    return {
        'initial_noisy_embedding': initial_noisy_embedding,
        'context_ids': context_ids,
        'embedding_table': embedding_table,
        'W1': W1, 'b1': b1, 'W2': W2, 'b2': b2,
    }


def reference(initial_noisy_embedding, context_ids, embedding_table, W1, b1, W2, b2):
    # full_denoising_chain: context embeds are computed under torch.no_grad()
    context_embeds = jnp.take(embedding_table, context_ids, axis=0)  # [B, L, D]
    context_embeds = jax.lax.stop_gradient(context_embeds)
    ctx = jnp.mean(context_embeds, axis=1)  # [B, D] pooled context
    cur = initial_noisy_embedding
    n_blocks = W1.shape[0]
    for i in range(n_blocks):
        h = jnp.concatenate([cur, ctx], axis=-1)  # [B, 2D]
        h = jax.nn.relu(h @ W1[i] + b1[i])        # [B, H]
        cur = cur + (h @ W2[i] + b2[i])           # residual denoising step
    return cur

if __name__ == "__main__":
    import jax
    _d = setup_inputs()
    print(jax.jit(kernel)(*tuple(_d.values())))

</pallas_src>

<mosaic_0001>
#map = affine_map<(d0, d1) -> (0, 0, 0)>
#map1 = affine_map<(d0, d1) -> (0, 0)>
module attributes {stable_mosaic.version = 14 : i64} {
  func.func @_sc_gather_mean_body(%arg0: i32, %arg1: i32, %arg2: memref<32x256x100xi32, #tpu.memory_space<hbm>>, %arg3: memref<1000000x64xf32, #tpu.memory_space<hbm>>, %arg4: memref<4096x64xf32, #tpu.memory_space<hbm>>, %arg5: memref<256x100xi32, #tpu.memory_space<vmem>>, %arg6: memref<4x2x100x64xf32, #tpu.memory_space<vmem>>, %arg7: memref<128x64xf32, #tpu.memory_space<vmem>>, %arg8: memref<!tpu.dma_semaphore, #tpu.memory_space<semaphore_mem>>, %arg9: memref<!tpu.dma_semaphore, #tpu.memory_space<semaphore_mem>>, %arg10: memref<!tpu.dma_semaphore, #tpu.memory_space<semaphore_mem>>, %arg11: memref<!tpu.dma_semaphore, #tpu.memory_space<semaphore_mem>>) attributes {dimension_semantics = [#tpu.dimension_semantics<core_parallel>, #tpu.dimension_semantics<subcore_parallel>], iteration_bounds = array<i64: 2, 16>, scalar_prefetch = 0 : i64, scratch_operands = 7 : i64, tpu.core_type = #tpu.core_type<sc_vector_subcore>, window_params = [{transform_indices = #map}, {transform_indices = #map1}, {transform_indices = #map1}]} {
    %mul3A = arith.constant 2 : i32
    %mul3A_0 = arith.muli %arg1, %mul3A : i32
    %add3A = arith.addi %mul3A_0, %arg0 : i32
    "tpu.region"() ({
      %run_scoped3A = tpu.sem_alloc : memref<!tpu.dma_semaphore, #tpu.memory_space<semaphore_mem>>
      %dma_start3A_112 = arith.constant 0 : i32
      %dma_start3A_113 = arith.constant 0 : i32
      %dma_start3A_114 = tpu.memref_slice %arg2[%add3A, %dma_start3A_112, %dma_start3A_113] : memref<32x256x100xi32, #tpu.memory_space<hbm>> -> memref<1x256x100xi32, #tpu.memory_space<hbm>>
      %dma_start3A_115 = tpu.memref_squeeze %dma_start3A_114 : memref<1x256x100xi32, #tpu.memory_space<hbm>> -> memref<256x100xi32, #tpu.memory_space<hbm>>
      %dma_start3A_116 = arith.constant 0 : i32
      %dma_start3A_117 = arith.constant 0 : i32
      %dma_start3A_118 = tpu.memref_slice %arg2[%add3A, %dma_start3A_116, %dma_start3A_117] : memref<32x256x100xi32, #tpu.memory_space<hbm>> -> memref<1x256x100xi32, #tpu.memory_space<hbm>>
      %dma_start3A_119 = tpu.memref_squeeze %dma_start3A_118 : memref<1x256x100xi32, #tpu.memory_space<hbm>> -> memref<256x100xi32, #tpu.memory_space<hbm>>
      tpu.enqueue_dma source(%dma_start3A_119 : memref<256x100xi32, #tpu.memory_space<hbm>>) target(%arg5 : memref<256x100xi32, #tpu.memory_space<vmem>>) target_semaphore(%run_scoped3A : memref<!tpu.dma_semaphore, #tpu.memory_space<semaphore_mem>>)
      %dma_wait3A = arith.constant 0 : i32
      %dma_wait3A_120 = arith.constant 0 : i32
      %dma_wait3A_121 = tpu.memref_slice %arg2[%add3A, %dma_wait3A, %dma_wait3A_120] : memref<32x256x100xi32, #tpu.memory_space<hbm>> -> memref<1x256x100xi32, #tpu.memory_space<hbm>>
      %dma_wait3A_122 = tpu.memref_squeeze %dma_wait3A_121 : memref<1x256x100xi32, #tpu.memory_space<hbm>> -> memref<256x100xi32, #tpu.memory_space<hbm>>
      %dma_wait3A_123 = arith.constant 0 : i32
      %dma_wait3A_124 = arith.constant 0 : i32
      %dma_wait3A_125 = tpu.memref_slice %arg2[%add3A, %dma_wait3A_123, %dma_wait3A_124] : memref<32x256x100xi32, #tpu.memory_space<hbm>> -> memref<1x256x100xi32, #tpu.memory_space<hbm>>
      %dma_wait3A_126 = tpu.memref_squeeze %dma_wait3A_125 : memref<1x256x100xi32, #tpu.memory_space<hbm>> -> memref<256x100xi32, #tpu.memory_space<hbm>>
      tpu.wait_dma2 semaphore(%run_scoped3A : memref<!tpu.dma_semaphore, #tpu.memory_space<semaphore_mem>>) src(%dma_wait3A_126 : memref<256x100xi32, #tpu.memory_space<hbm>>) dst(%arg5 : memref<256x100xi32, #tpu.memory_space<vmem>>)
      tpu.yield
    }) : () -> ()
    %dma_start3A = arith.constant 0 : i32
    %dma_start3A_1 = arith.constant 0 : i32
    %dma_start3A_2 = arith.constant 0 : i32
    %dma_start3A_3 = arith.constant 0 : i32
    %dma_start3A_4 = arith.constant 0 : i32
    %dma_start3A_5 = tpu.memref_slice %arg6[%dma_start3A_1, %dma_start3A_2, %dma_start3A_3, %dma_start3A_4] : memref<4x2x100x64xf32, #tpu.memory_space<vmem>> -> memref<1x1x100x64xf32, #tpu.memory_space<vmem>>
    %dma_start3A_6 = tpu.memref_squeeze %dma_start3A_5 : memref<1x1x100x64xf32, #tpu.memory_space<vmem>> -> memref<100x64xf32, #tpu.memory_space<vmem>>
    %dma_start3A_7 = arith.constant 0 : i32
    %dma_start3A_8 = tpu.memref_slice %arg5[%dma_start3A, %dma_start3A_7] : memref<256x100xi32, #tpu.memory_space<vmem>> -> memref<1x100xi32, #tpu.memory_space<vmem>>
    %dma_start3A_9 = tpu.memref_squeeze %dma_start3A_8 : memref<1x100xi32, #tpu.memory_space<vmem>> -> memref<100xi32, #tpu.memory_space<vmem>>
    %dma_start3A_10 = arith.constant 0 : i32
    %dma_start3A_11 = arith.constant 0 : i32
    %dma_start3A_12 = tpu.memref_slice %arg3[%dma_start3A_10, %dma_start3A_11] : memref<1000000x64xf32, #tpu.memory_space<hbm>> -> memref<1000000x64xf32, #tpu.memory_space<hbm>>
    tpu.enqueue_indirect_dma source(%dma_start3A_12 : memref<1000000x64xf32, #tpu.memory_space<hbm>>) target(%dma_start3A_6 : memref<100x64xf32, #tpu.memory_space<vmem>>) offsets(%dma_start3A_9 : memref<100xi32, #tpu.memory_space<vmem>>) semaphore(%arg8 : memref<!tpu.dma_semaphore, #tpu.memory_space<semaphore_mem>>)
    %dma_start3A_13 = arith.constant 1 : i32
    %dma_start3A_14 = arith.constant 0 : i32
    %dma_start3A_15 = arith.constant 1 : i32
    %dma_start3A_16 = arith.constant 0 : i32
    %dma_start3A_17 = arith.constant 0 : i32
    %dma_start3A_18 = tpu.memref_slice %arg6[%dma_start3A_14, %dma_start3A_15, %dma_start3A_16, %dma_start3A_17] : memref<4x2x100x64xf32, #tpu.memory_space<vmem>> -> memref<1x1x100x64xf32, #tpu.memory_space<vmem>>
    %dma_start3A_19 = tpu.memref_squeeze %dma_start3A_18 : memref<1x1x100x64xf32, #tpu.memory_space<vmem>> -> memref<100x64xf32, #tpu.memory_space<vmem>>
    %dma_start3A_20 = arith.constant 0 : i32
    %dma_start3A_21 = tpu.memref_slice %arg5[%dma_start3A_13, %dma_start3A_20] : memref<256x100xi32, #tpu.memory_space<vmem>> -> memref<1x100xi32, #tpu.memory_space<vmem>>
    %dma_start3A_22 = tpu.memref_squeeze %dma_start3A_21 : memref<1x100xi32, #tpu.memory_space<vmem>> -> memref<100xi32, #tpu.memory_space<vmem>>
    %dma_start3A_23 = arith.constant 0 : i32
    %dma_start3A_24 = arith.constant 0 : i32
    %dma_start3A_25 = tpu.memref_slice %arg3[%dma_start3A_23, %dma_start3A_24] : memref<1000000x64xf32, #tpu.memory_space<hbm>> -> memref<1000000x64xf32, #tpu.memory_space<hbm>>
    tpu.enqueue_indirect_dma source(%dma_start3A_25 : memref<1000000x64xf32, #tpu.memory_space<hbm>>) target(%dma_start3A_19 : memref<100x64xf32, #tpu.memory_space<vmem>>) offsets(%dma_start3A_22 : memref<100xi32, #tpu.memory_space<vmem>>) semaphore(%arg8 : memref<!tpu.dma_semaphore, #tpu.memory_space<semaphore_mem>>)
    %dma_start3A_26 = arith.constant 2 : i32
    %dma_start3A_27 = arith.constant 1 : i32
    %dma_start3A_28 = arith.constant 0 : i32
    %dma_start3A_29 = arith.constant 0 : i32
    %dma_start3A_30 = arith.constant 0 : i32
    %dma_start3A_31 = tpu.memref_slice %arg6[%dma_start3A_27, %dma_start3A_28, %dma_start3A_29, %dma_start3A_30] : memref<4x2x100x64xf32, #tpu.memory_space<vmem>> -> memref<1x1x100x64xf32, #tpu.memory_space<vmem>>
    %dma_start3A_32 = tpu.memref_squeeze %dma_start3A_31 : memref<1x1x100x64xf32, #tpu.memory_space<vmem>> -> memref<100x64xf32, #tpu.memory_space<vmem>>
    %dma_start3A_33 = arith.constant 0 : i32
    %dma_start3A_34 = tpu.memref_slice %arg5[%dma_start3A_26, %dma_start3A_33] : memref<256x100xi32, #tpu.memory_space<vmem>> -> memref<1x100xi32, #tpu.memory_space<vmem>>
    %dma_start3A_35 = tpu.memref_squeeze %dma_start3A_34 : memref<1x100xi32, #tpu.memory_space<vmem>> -> memref<100xi32, #tpu.memory_space<vmem>>
    %dma_start3A_36 = arith.constant 0 : i32
    %dma_start3A_37 = arith.constant 0 : i32
    %dma_start3A_38 = tpu.memref_slice %arg3[%dma_start3A_36, %dma_start3A_37] : memref<1000000x64xf32, #tpu.memory_space<hbm>> -> memref<1000000x64xf32, #tpu.memory_space<hbm>>
    tpu.enqueue_indirect_dma source(%dma_start3A_38 : memref<1000000x64xf32, #tpu.memory_space<hbm>>) target(%dma_start3A_32 : memref<100x64xf32, #tpu.memory_space<vmem>>) offsets(%dma_start3A_35 : memref<100xi32, #tpu.memory_space<vmem>>) semaphore(%arg9 : memref<!tpu.dma_semaphore, #tpu.memory_space<semaphore_mem>>)
    %dma_start3A_39 = arith.constant 3 : i32
    %dma_start3A_40 = arith.constant 1 : i32
    %dma_start3A_41 = arith.constant 1 : i32
    %dma_start3A_42 = arith.constant 0 : i32
    %dma_start3A_43 = arith.constant 0 : i32
    %dma_start3A_44 = tpu.memref_slice %arg6[%dma_start3A_40, %dma_start3A_41, %dma_start3A_42, %dma_start3A_43] : memref<4x2x100x64xf32, #tpu.memory_space<vmem>> -> memref<1x1x100x64xf32, #tpu.memory_space<vmem>>
    %dma_start3A_45 = tpu.memref_squeeze %dma_start3A_44 : memref<1x1x100x64xf32, #tpu.memory_space<vmem>> -> memref<100x64xf32, #tpu.memory_space<vmem>>
    %dma_start3A_46 = arith.constant 0 : i32
    %dma_start3A_47 = tpu.memref_slice %arg5[%dma_start3A_39, %dma_start3A_46] : memref<256x100xi32, #tpu.memory_space<vmem>> -> memref<1x100xi32, #tpu.memory_space<vmem>>
    %dma_start3A_48 = tpu.memref_squeeze %dma_start3A_47 : memref<1x100xi32, #tpu.memory_space<vmem>> -> memref<100xi32, #tpu.memory_space<vmem>>
    %dma_start3A_49 = arith.constant 0 : i32
    %dma_start3A_50 = arith.constant 0 : i32
    %dma_start3A_51 = tpu.memref_slice %arg3[%dma_start3A_49, %dma_start3A_50] : memref<1000000x64xf32, #tpu.memory_space<hbm>> -> memref<1000000x64xf32, #tpu.memory_space<hbm>>
    tpu.enqueue_indirect_dma source(%dma_start3A_51 : memref<1000000x64xf32, #tpu.memory_space<hbm>>) target(%dma_start3A_45 : memref<100x64xf32, #tpu.memory_space<vmem>>) offsets(%dma_start3A_48 : memref<100xi32, #tpu.memory_space<vmem>>) semaphore(%arg9 : memref<!tpu.dma_semaphore, #tpu.memory_space<semaphore_mem>>)
    %dma_start3A_52 = arith.constant 4 : i32
    %dma_start3A_53 = arith.constant 2 : i32
    %dma_start3A_54 = arith.constant 0 : i32
    %dma_start3A_55 = arith.constant 0 : i32
    %dma_start3A_56 = arith.constant 0 : i32
    %dma_start3A_57 = tpu.memref_slice %arg6[%dma_start3A_53, %dma_start3A_54, %dma_start3A_55, %dma_start3A_56] : memref<4x2x100x64xf32, #tpu.memory_space<vmem>> -> memref<1x1x100x64xf32, #tpu.memory_space<vmem>>
    %dma_start3A_58 = tpu.memref_squeeze %dma_start3A_57 : memref<1x1x100x64xf32, #tpu.memory_space<vmem>> -> memref<100x64xf32, #tpu.memory_space<vmem>>
    %dma_start3A_59 = arith.constant 0 : i32
    %dma_start3A_60 = tpu.memref_slice %arg5[%dma_start3A_52, %dma_start3A_59] : memref<256x100xi32, #tpu.memory_space<vmem>> -> memref<1x100xi32, #tpu.memory_space<vmem>>
    %dma_start3A_61 = tpu.memref_squeeze %dma_start3A_60 : memref<1x100xi32, #tpu.memory_space<vmem>> -> memref<100xi32, #tpu.memory_space<vmem>>
    %dma_start3A_62 = arith.constant 0 : i32
    %dma_start3A_63 = arith.constant 0 : i32
    %dma_start3A_64 = tpu.memref_slice %arg3[%dma_start3A_62, %dma_start3A_63] : memref<1000000x64xf32, #tpu.memory_space<hbm>> -> memref<1000000x64xf32, #tpu.memory_space<hbm>>
    tpu.enqueue_indirect_dma source(%dma_start3A_64 : memref<1000000x64xf32, #tpu.memory_space<hbm>>) target(%dma_start3A_58 : memref<100x64xf32, #tpu.memory_space<vmem>>) offsets(%dma_start3A_61 : memref<100xi32, #tpu.memory_space<vmem>>) semaphore(%arg10 : memref<!tpu.dma_semaphore, #tpu.memory_space<semaphore_mem>>)
    %dma_start3A_65 = arith.constant 5 : i32
    %dma_start3A_66 = arith.constant 2 : i32
    %dma_start3A_67 = arith.constant 1 : i32
    %dma_start3A_68 = arith.constant 0 : i32
    %dma_start3A_69 = arith.constant 0 : i32
    %dma_start3A_70 = tpu.memref_slice %arg6[%dma_start3A_66, %dma_start3A_67, %dma_start3A_68, %dma_start3A_69] : memref<4x2x100x64xf32, #tpu.memory_space<vmem>> -> memref<1x1x100x64xf32, #tpu.memory_space<vmem>>
    %dma_start3A_71 = tpu.memref_squeeze %dma_start3A_70 : memref<1x1x100x64xf32, #tpu.memory_space<vmem>> -> memref<100x64xf32, #tpu.memory_space<vmem>>
    %dma_start3A_72 = arith.constant 0 : i32
    %dma_start3A_73 = tpu.memref_slice %arg5[%dma_start3A_65, %dma_start3A_72] : memref<256x100xi32, #tpu.memory_space<vmem>> -> memref<1x100xi32, #tpu.memory_space<vmem>>
    %dma_start3A_74 = tpu.memref_squeeze %dma_start3A_73 : memref<1x100xi32, #tpu.memory_space<vmem>> -> memref<100xi32, #tpu.memory_space<vmem>>
    %dma_start3A_75 = arith.constant 0 : i32
    %dma_start3A_76 = arith.constant 0 : i32
    %dma_start3A_77 = tpu.memref_slice %arg3[%dma_start3A_75, %dma_start3A_76] : memref<1000000x64xf32, #tpu.memory_space<hbm>> -> memref<1000000x64xf32, #tpu.memory_space<hbm>>
    tpu.enqueue_indirect_dma source(%dma_start3A_77 : memref<1000000x64xf32, #tpu.memory_space<hbm>>) target(%dma_start3A_71 : memref<100x64xf32, #tpu.memory_space<vmem>>) offsets(%dma_start3A_74 : memref<100xi32, #tpu.memory_space<vmem>>) semaphore(%arg10 : memref<!tpu.dma_semaphore, #tpu.memory_space<semaphore_mem>>)
    %dma_start3A_78 = arith.constant 6 : i32
    %dma_start3A_79 = arith.constant 3 : i32
    %dma_start3A_80 = arith.constant 0 : i32
    %dma_start3A_81 = arith.constant 0 : i32
    %dma_start3A_82 = arith.constant 0 : i32
    %dma_start3A_83 = tpu.memref_slice %arg6[%dma_start3A_79, %dma_start3A_80, %dma_start3A_81, %dma_start3A_82] : memref<4x2x100x64xf32, #tpu.memory_space<vmem>> -> memref<1x1x100x64xf32, #tpu.memory_space<vmem>>
    %dma_start3A_84 = tpu.memref_squeeze %dma_start3A_83 : memref<1x1x100x64xf32, #tpu.memory_space<vmem>> -> memref<100x64xf32, #tpu.memory_space<vmem>>
    %dma_start3A_85 = arith.constant 0 : i32
    %dma_start3A_86 = tpu.memref_slice %arg5[%dma_start3A_78, %dma_start3A_85] : memref<256x100xi32, #tpu.memory_space<vmem>> -> memref<1x100xi32, #tpu.memory_space<vmem>>
    %dma_start3A_87 = tpu.memref_squeeze %dma_start3A_86 : memref<1x100xi32, #tpu.memory_space<vmem>> -> memref<100xi32, #tpu.memory_space<vmem>>
    %dma_start3A_88 = arith.constant 0 : i32
    %dma_start3A_89 = arith.constant 0 : i32
    %dma_start3A_90 = tpu.memref_slice %arg3[%dma_start3A_88, %dma_start3A_89] : memref<1000000x64xf32, #tpu.memory_space<hbm>> -> memref<1000000x64xf32, #tpu.memory_space<hbm>>
    tpu.enqueue_indirect_dma source(%dma_start3A_90 : memref<1000000x64xf32, #tpu.memory_space<hbm>>) target(%dma_start3A_84 : memref<100x64xf32, #tpu.memory_space<vmem>>) offsets(%dma_start3A_87 : memref<100xi32, #tpu.memory_space<vmem>>) semaphore(%arg11 : memref<!tpu.dma_semaphore, #tpu.memory_space<semaphore_mem>>)
    %dma_start3A_91 = arith.constant 7 : i32
    %dma_start3A_92 = arith.constant 3 : i32
    %dma_start3A_93 = arith.constant 1 : i32
    %dma_start3A_94 = arith.constant 0 : i32
    %dma_start3A_95 = arith.constant 0 : i32
    %dma_start3A_96 = tpu.memref_slice %arg6[%dma_start3A_92, %dma_start3A_93, %dma_start3A_94, %dma_start3A_95] : memref<4x2x100x64xf32, #tpu.memory_space<vmem>> -> memref<1x1x100x64xf32, #tpu.memory_space<vmem>>
    %dma_start3A_97 = tpu.memref_squeeze %dma_start3A_96 : memref<1x1x100x64xf32, #tpu.memory_space<vmem>> -> memref<100x64xf32, #tpu.memory_space<vmem>>
    %dma_start3A_98 = arith.constant 0 : i32
    %dma_start3A_99 = tpu.memref_slice %arg5[%dma_start3A_91, %dma_start3A_98] : memref<256x100xi32, #tpu.memory_space<vmem>> -> memref<1x100xi32, #tpu.memory_space<vmem>>
    %dma_start3A_100 = tpu.memref_squeeze %dma_start3A_99 : memref<1x100xi32, #tpu.memory_space<vmem>> -> memref<100xi32, #tpu.memory_space<vmem>>
    %dma_start3A_101 = arith.constant 0 : i32
    %dma_start3A_102 = arith.constant 0 : i32
    %dma_start3A_103 = tpu.memref_slice %arg3[%dma_start3A_101, %dma_start3A_102] : memref<1000000x64xf32, #tpu.memory_space<hbm>> -> memref<1000000x64xf32, #tpu.memory_space<hbm>>
    tpu.enqueue_indirect_dma source(%dma_start3A_103 : memref<1000000x64xf32, #tpu.memory_space<hbm>>) target(%dma_start3A_97 : memref<100x64xf32, #tpu.memory_space<vmem>>) offsets(%dma_start3A_100 : memref<100xi32, #tpu.memory_space<vmem>>) semaphore(%arg11 : memref<!tpu.dma_semaphore, #tpu.memory_space<semaphore_mem>>)
    %scan3A = arith.constant 0 : i32
    %scan3A_104 = arith.constant 0 : i32
    %scan3A_105 = arith.constant 32 : i32
    %scan3A_106 = arith.addi %scan3A_104, %scan3A_105 : i32
    %scan3A_107 = arith.constant 1 : i32
    %scan3A_108 = scf.for %scan3A_112 = %scan3A_104 to %scan3A_106 step %scan3A_107 iter_args(%scan3A_113 = %scan3A) -> (i32)  : i32 {
      %mul3A_114 = arith.constant 4 : i32
      %mul3A_115 = arith.muli %mul3A_114, %scan3A_112 : i32
      %add3A_116 = arith.constant 0 : i32
      %add3A_117 = arith.addi %mul3A_115, %add3A_116 : i32
      %dma_wait3A = arith.constant 0 : i32
      %dma_wait3A_118 = arith.constant 0 : i32
      %dma_wait3A_119 = arith.constant 0 : i32
      %dma_wait3A_120 = arith.constant 0 : i32
      %dma_wait3A_121 = tpu.memref_slice %arg6[%dma_wait3A, %dma_wait3A_118, %dma_wait3A_119, %dma_wait3A_120] : memref<4x2x100x64xf32, #tpu.memory_space<vmem>> -> memref<1x1x100x64xf32, #tpu.memory_space<vmem>>
      %dma_wait3A_122 = tpu.memref_squeeze %dma_wait3A_121 : memref<1x1x100x64xf32, #tpu.memory_space<vmem>> -> memref<100x64xf32, #tpu.memory_space<vmem>>
      %dma_wait3A_123 = arith.constant 0 : i32
      %dma_wait3A_124 = arith.constant 0 : i32
      %dma_wait3A_125 = tpu.memref_slice %arg3[%dma_wait3A_123, %dma_wait3A_124] : memref<1000000x64xf32, #tpu.memory_space<hbm>> -> memref<100x64xf32, #tpu.memory_space<hbm>>
      %dma_wait3A_126 = arith.constant 0 : i32
      %dma_wait3A_127 = arith.constant 0 : i32
      %dma_wait3A_128 = tpu.memref_slice %arg6[%dma_wait3A, %dma_wait3A_118, %dma_wait3A_126, %dma_wait3A_127] : memref<4x2x100x64xf32, #tpu.memory_space<vmem>> -> memref<1x1x100x64xf32, #tpu.memory_space<vmem>>
      %dma_wait3A_129 = tpu.memref_squeeze %dma_wait3A_128 : memref<1x1x100x64xf32, #tpu.memory_space<vmem>> -> memref<100x64xf32, #tpu.memory_space<vmem>>
      %dma_wait3A_130 = arith.constant 0 : i32
      %dma_wait3A_131 = arith.constant 0 : i32
      %dma_wait3A_132 = tpu.memref_slice %arg3[%dma_wait3A_130, %dma_wait3A_131] : memref<1000000x64xf32, #tpu.memory_space<hbm>> -> memref<100x64xf32, #tpu.memory_space<hbm>>
      tpu.wait_dma2 semaphore(%arg8 : memref<!tpu.dma_semaphore, #tpu.memory_space<semaphore_mem>>) src(%dma_wait3A_132 : memref<100x64xf32, #tpu.memory_space<hbm>>) dst(%dma_wait3A_129 : memref<100x64xf32, #tpu.memory_space<vmem>>)
      %dma_wait3A_133 = arith.constant 0 : i32
      %dma_wait3A_134 = arith.constant 1 : i32
      %dma_wait3A_135 = arith.constant 0 : i32
      %dma_wait3A_136 = arith.constant 0 : i32
      %dma_wait3A_137 = tpu.memref_slice %arg6[%dma_wait3A_133, %dma_wait3A_134, %dma_wait3A_135, %dma_wait3A_136] : memref<4x2x100x64xf32, #tpu.memory_space<vmem>> -> memref<1x1x100x64xf32, #tpu.memory_space<vmem>>
      %dma_wait3A_138 = tpu.memref_squeeze %dma_wait3A_137 : memref<1x1x100x64xf32, #tpu.memory_space<vmem>> -> memref<100x64xf32, #tpu.memory_space<vmem>>
      %dma_wait3A_139 = arith.constant 0 : i32
      %dma_wait3A_140 = arith.constant 0 : i32
      %dma_wait3A_141 = tpu.memref_slice %arg3[%dma_wait3A_139, %dma_wait3A_140] : memref<1000000x64xf32, #tpu.memory_space<hbm>> -> memref<100x64xf32, #tpu.memory_space<hbm>>
      %dma_wait3A_142 = arith.constant 0 : i32
      %dma_wait3A_143 = arith.constant 0 : i32
      %dma_wait3A_144 = tpu.memref_slice %arg6[%dma_wait3A_133, %dma_wait3A_134, %dma_wait3A_142, %dma_wait3A_143] : memref<4x2x100x64xf32, #tpu.memory_space<vmem>> -> memref<1x1x100x64xf32, #tpu.memory_space<vmem>>
      %dma_wait3A_145 = tpu.memref_squeeze %dma_wait3A_144 : memref<1x1x100x64xf32, #tpu.memory_space<vmem>> -> memref<100x64xf32, #tpu.memory_space<vmem>>
      %dma_wait3A_146 = arith.constant 0 : i32
      %dma_wait3A_147 = arith.constant 0 : i32
      %dma_wait3A_148 = tpu.memref_slice %arg3[%dma_wait3A_146, %dma_wait3A_147] : memref<1000000x64xf32, #tpu.memory_space<hbm>> -> memref<100x64xf32, #tpu.memory_space<hbm>>
      tpu.wait_dma2 semaphore(%arg8 : memref<!tpu.dma_semaphore, #tpu.memory_space<semaphore_mem>>) src(%dma_wait3A_148 : memref<100x64xf32, #tpu.memory_space<hbm>>) dst(%dma_wait3A_145 : memref<100x64xf32, #tpu.memory_space<vmem>>)
      %broadcast_in_dim3A = arith.constant 0.000000e+00 : f32
      %broadcast_in_dim3A_149 = vector.broadcast %broadcast_in_dim3A : f32 to vector<16xf32>
      %broadcast_in_dim3A_150 = arith.constant 0.000000e+00 : f32
      %broadcast_in_dim3A_151 = vector.broadcast %broadcast_in_dim3A_150 : f32 to vector<16xf32>
      %broadcast_in_dim3A_152 = arith.constant 0.000000e+00 : f32
      %broadcast_in_dim3A_153 = vector.broadcast %broadcast_in_dim3A_152 : f32 to vector<16xf32>
      %broadcast_in_dim3A_154 = arith.constant 0.000000e+00 : f32
      %broadcast_in_dim3A_155 = vector.broadcast %broadcast_in_dim3A_154 : f32 to vector<16xf32>
      %broadcast_in_dim3A_156 = arith.constant 0.000000e+00 : f32
      %broadcast_in_dim3A_157 = vector.broadcast %broadcast_in_dim3A_156 : f32 to vector<16xf32>
      %broadcast_in_dim3A_158 = arith.constant 0.000000e+00 : f32
      %broadcast_in_dim3A_159 = vector.broadcast %broadcast_in_dim3A_158 : f32 to vector<16xf32>
      %broadcast_in_dim3A_160 = arith.constant 0.000000e+00 : f32
      %broadcast_in_dim3A_161 = vector.broadcast %broadcast_in_dim3A_160 : f32 to vector<16xf32>
      %broadcast_in_dim3A_162 = arith.constant 0.000000e+00 : f32
      %broadcast_in_dim3A_163 = vector.broadcast %broadcast_in_dim3A_162 : f32 to vector<16xf32>
      %scan3A_164 = arith.constant 0 : i32
      %scan3A_165 = arith.constant 50 : i32
      %scan3A_166 = arith.addi %scan3A_164, %scan3A_165 : i32
      %scan3A_167 = arith.constant 1 : i32
      %scan3A_168:8 = scf.for %scan3A_513 = %scan3A_164 to %scan3A_166 step %scan3A_167 iter_args(%scan3A_514 = %broadcast_in_dim3A_149, %scan3A_515 = %broadcast_in_dim3A_151, %scan3A_516 = %broadcast_in_dim3A_153, %scan3A_517 = %broadcast_in_dim3A_155, %scan3A_518 = %broadcast_in_dim3A_157, %scan3A_519 = %broadcast_in_dim3A_159, %scan3A_520 = %broadcast_in_dim3A_161, %scan3A_521 = %broadcast_in_dim3A_163) -> (vector<16xf32>, vector<16xf32>, vector<16xf32>, vector<16xf32>, vector<16xf32>, vector<16xf32>, vector<16xf32>, vector<16xf32>)  : i32 {
        %mul3A_522 = arith.constant 2 : i32
        %mul3A_523 = arith.muli %mul3A_522, %scan3A_513 : i32
        %add3A_524 = arith.constant 0 : i32
        %add3A_525 = arith.addi %mul3A_523, %add3A_524 : i32
        %get3A = arith.constant 0 : i32
        %get3A_526 = arith.constant 0 : i32
        %get3A_527 = arith.index_cast %get3A : i32 to index
        %get3A_528 = arith.index_cast %get3A_526 : i32 to index
        %get3A_529 = arith.index_cast %add3A_525 : i32 to index
        %get3A_530 = arith.constant 0 : index
        %get3A_531 = tpu.vector_load %arg6[%get3A_527, %get3A_528, %get3A_529, %get3A_530] {strides = array<i32>} : memref<4x2x100x64xf32, #tpu.memory_space<vmem>>, vector<1x1x1x16xf32>,
        %get3A_532 = vector.shape_cast %get3A_531 : vector<1x1x1x16xf32> to vector<16xf32>
        %add3A_533 = arith.addf %scan3A_514, %get3A_532 : vector<16xf32>
        %mul3A_534 = arith.constant 2 : i32
        %mul3A_535 = arith.muli %mul3A_534, %scan3A_513 : i32
        %add3A_536 = arith.constant 0 : i32
        %add3A_537 = arith.addi %mul3A_535, %add3A_536 : i32
        %get3A_538 = arith.constant 0 : i32
        %get3A_539 = arith.constant 0 : i32
        %get3A_540 = arith.index_cast %get3A_538 : i32 to index
        %get3A_541 = arith.index_cast %get3A_539 : i32 to index
        %get3A_542 = arith.index_cast %add3A_537 : i32 to index
        %get3A_543 = arith.constant 16 : index
        %get3A_544 = tpu.vector_load %arg6[%get3A_540, %get3A_541, %get3A_542, %get3A_543] {strides = array<i32>} : memref<4x2x100x64xf32, #tpu.memory_space<vmem>>, vector<1x1x1x16xf32>,
        %get3A_545 = vector.shape_cast %get3A_544 : vector<1x1x1x16xf32> to vector<16xf32>
        %add3A_546 = arith.addf %scan3A_515, %get3A_545 : vector<16xf32>
        %mul3A_547 = arith.constant 2 : i32
        %mul3A_548 = arith.muli %mul3A_547, %scan3A_513 : i32
        %add3A_549 = arith.constant 0 : i32
        %add3A_550 = arith.addi %mul3A_548, %add3A_549 : i32
        %get3A_551 = arith.constant 0 : i32
        %get3A_552 = arith.constant 0 : i32
        %get3A_553 = arith.index_cast %get3A_551 : i32 to index
        %get3A_554 = arith.index_cast %get3A_552 : i32 to index
        %get3A_555 = arith.index_cast %add3A_550 : i32 to index
        %get3A_556 = arith.constant 32 : index
        %get3A_557 = tpu.vector_load %arg6[%get3A_553, %get3A_554, %get3A_555, %get3A_556] {strides = array<i32>} : memref<4x2x100x64xf32, #tpu.memory_space<vmem>>, vector<1x1x1x16xf32>,
        %get3A_558 = vector.shape_cast %get3A_557 : vector<1x1x1x16xf32> to vector<16xf32>
        %add3A_559 = arith.addf %scan3A_516, %get3A_558 : vector<16xf32>
        %mul3A_560 = arith.constant 2 : i32
        %mul3A_561 = arith.muli %mul3A_560, %scan3A_513 : i32
        %add3A_562 = arith.constant 0 : i32
        %add3A_563 = arith.addi %mul3A_561, %add3A_562 : i32
        %get3A_564 = arith.constant 0 : i32
        %get3A_565 = arith.constant 0 : i32
        %get3A_566 = arith.index_cast %get3A_564 : i32 to index
        %get3A_567 = arith.index_cast %get3A_565 : i32 to index
        %get3A_568 = arith.index_cast %add3A_563 : i32 to index
        %get3A_569 = arith.constant 48 : index
        %get3A_570 = tpu.vector_load %arg6[%get3A_566, %get3A_567, %get3A_568, %get3A_569] {strides = array<i32>} : memref<4x2x100x64xf32, #tpu.memory_space<vmem>>, vector<1x1x1x16xf32>,
        %get3A_571 = vector.shape_cast %get3A_570 : vector<1x1x1x16xf32> to vector<16xf32>
        %add3A_572 = arith.addf %scan3A_517, %get3A_571 : vector<16xf32>
        %mul3A_573 = arith.constant 2 : i32
        %mul3A_574 = arith.muli %mul3A_573, %scan3A_513 : i32
        %add3A_575 = arith.constant 0 : i32
        %add3A_576 = arith.addi %mul3A_574, %add3A_575 : i32
        %get3A_577 = arith.constant 0 : i32
        %get3A_578 = arith.constant 1 : i32
        %get3A_579 = arith.index_cast %get3A_577 : i32 to index
        %get3A_580 = arith.index_cast %get3A_578 : i32 to index
        %get3A_581 = arith.index_cast %add3A_576 : i32 to index
        %get3A_582 = arith.constant 0 : index
        %get3A_583 = tpu.vector_load %arg6[%get3A_579, %get3A_580, %get3A_581, %get3A_582] {strides = array<i32>} : memref<4x2x100x64xf32, #tpu.memory_space<vmem>>, vector<1x1x1x16xf32>,
        %get3A_584 = vector.shape_cast %get3A_583 : vector<1x1x1x16xf32> to vector<16xf32>
        %add3A_585 = arith.addf %scan3A_518, %get3A_584 : vector<16xf32>
        %mul3A_586 = arith.constant 2 : i32
        %mul3A_587 = arith.muli %mul3A_586, %scan3A_513 : i32
        %add3A_588 = arith.constant 0 : i32
        %add3A_589 = arith.addi %mul3A_587, %add3A_588 : i32
        %get3A_590 = arith.constant 0 : i32
        %get3A_591 = arith.constant 1 : i32
        %get3A_592 = arith.index_cast %get3A_590 : i32 to index
        %get3A_593 = arith.index_cast %get3A_591 : i32 to index
        %get3A_594 = arith.index_cast %add3A_589 : i32 to index
        %get3A_595 = arith.constant 16 : index
        %get3A_596 = tpu.vector_load %arg6[%get3A_592, %get3A_593, %get3A_594, %get3A_595] {strides = array<i32>} : memref<4x2x100x64xf32, #tpu.memory_space<vmem>>, vector<1x1x1x16xf32>,
        %get3A_597 = vector.shape_cast %get3A_596 : vector<1x1x1x16xf32> to vector<16xf32>
        %add3A_598 = arith.addf %scan3A_519, %get3A_597 : vector<16xf32>
        %mul3A_599 = arith.constant 2 : i32
        %mul3A_600 = arith.muli %mul3A_599, %scan3A_513 : i32
        %add3A_601 = arith.constant 0 : i32
        %add3A_602 = arith.addi %mul3A_600, %add3A_601 : i32
        %get3A_603 = arith.constant 0 : i32
        %get3A_604 = arith.constant 1 : i32
        %get3A_605 = arith.index_cast %get3A_603 : i32 to index
        %get3A_606 = arith.index_cast %get3A_604 : i32 to index
        %get3A_607 = arith.index_cast %add3A_602 : i32 to index
        %get3A_608 = arith.constant 32 : index
        %get3A_609 = tpu.vector_load %arg6[%get3A_605, %get3A_606, %get3A_607, %get3A_608] {strides = array<i32>} : memref<4x2x100x64xf32, #tpu.memory_space<vmem>>, vector<1x1x1x16xf32>,
        %get3A_610 = vector.shape_cast %get3A_609 : vector<1x1x1x16xf32> to vector<16xf32>
        %add3A_611 = arith.addf %scan3A_520, %get3A_610 : vector<16xf32>
        %mul3A_612 = arith.constant 2 : i32
        %mul3A_613 = arith.muli %mul3A_612, %scan3A_513 : i32
        %add3A_614 = arith.constant 0 : i32
        %add3A_615 = arith.addi %mul3A_613, %add3A_614 : i32
        %get3A_616 = arith.constant 0 : i32
        %get3A_617 = arith.constant 1 : i32
        %get3A_618 = arith.index_cast %get3A_616 : i32 to index
        %get3A_619 = arith.index_cast %get3A_617 : i32 to index
        %get3A_620 = arith.index_cast %add3A_615 : i32 to index
        %get3A_621 = arith.constant 48 : index
        %get3A_622 = tpu.vector_load %arg6[%get3A_618, %get3A_619, %get3A_620, %get3A_621] {strides = array<i32>} : memref<4x2x100x64xf32, #tpu.memory_space<vmem>>, vector<1x1x1x16xf32>,
        %get3A_623 = vector.shape_cast %get3A_622 : vector<1x1x1x16xf32> to vector<16xf32>
        %add3A_624 = arith.addf %scan3A_521, %get3A_623 : vector<16xf32>
        %mul3A_625 = arith.constant 2 : i32
        %mul3A_626 = arith.muli %mul3A_625, %scan3A_513 : i32
        %add3A_627 = arith.constant 1 : i32
        %add3A_628 = arith.addi %mul3A_626, %add3A_627 : i32
        %get3A_629 = arith.constant 0 : i32
        %get3A_630 = arith.constant 0 : i32
        %get3A_631 = arith.index_cast %get3A_629 : i32 to index
        %get3A_632 = arith.index_cast %get3A_630 : i32 to index
        %get3A_633 = arith.index_cast %add3A_628 : i32 to index
        %get3A_634 = arith.constant 0 : index
        %get3A_635 = tpu.vector_load %arg6[%get3A_631, %get3A_632, %get3A_633, %get3A_634] {strides = array<i32>} : memref<4x2x100x64xf32, #tpu.memory_space<vmem>>, vector<1x1x1x16xf32>,
        %get3A_636 = vector.shape_cast %get3A_635 : vector<1x1x1x16xf32> to vector<16xf32>
        %add3A_637 = arith.addf %add3A_533, %get3A_636 : vector<16xf32>
        %mul3A_638 = arith.constant 2 : i32
        %mul3A_639 = arith.muli %mul3A_638, %scan3A_513 : i32
        %add3A_640 = arith.constant 1 : i32
        %add3A_641 = arith.addi %mul3A_639, %add3A_640 : i32
        %get3A_642 = arith.constant 0 : i32
        %get3A_643 = arith.constant 0 : i32
        %get3A_644 = arith.index_cast %get3A_642 : i32 to index
        %get3A_645 = arith.index_cast %get3A_643 : i32 to index
        %get3A_646 = arith.index_cast %add3A_641 : i32 to index
        %get3A_647 = arith.constant 16 : index
        %get3A_648 = tpu.vector_load %arg6[%get3A_644, %get3A_645, %get3A_646, %get3A_647] {strides = array<i32>} : memref<4x2x100x64xf32, #tpu.memory_space<vmem>>, vector<1x1x1x16xf32>,
        %get3A_649 = vector.shape_cast %get3A_648 : vector<1x1x1x16xf32> to vector<16xf32>
        %add3A_650 = arith.addf %add3A_546, %get3A_649 : vector<16xf32>
        %mul3A_651 = arith.constant 2 : i32
        %mul3A_652 = arith.muli %mul3A_651, %scan3A_513 : i32
        %add3A_653 = arith.constant 1 : i32
        %add3A_654 = arith.addi %mul3A_652, %add3A_653 : i32
        %get3A_655 = arith.constant 0 : i32
        %get3A_656 = arith.constant 0 : i32
        %get3A_657 = arith.index_cast %get3A_655 : i32 to index
        %get3A_658 = arith.index_cast %get3A_656 : i32 to index
        %get3A_659 = arith.index_cast %add3A_654 : i32 to index
        %get3A_660 = arith.constant 32 : index
        %get3A_661 = tpu.vector_load %arg6[%get3A_657, %get3A_658, %get3A_659, %get3A_660] {strides = array<i32>} : memref<4x2x100x64xf32, #tpu.memory_space<vmem>>, vector<1x1x1x16xf32>,
        %get3A_662 = vector.shape_cast %get3A_661 : vector<1x1x1x16xf32> to vector<16xf32>
        %add3A_663 = arith.addf %add3A_559, %get3A_662 : vector<16xf32>
        %mul3A_664 = arith.constant 2 : i32
        %mul3A_665 = arith.muli %mul3A_664, %scan3A_513 : i32
        %add3A_666 = arith.constant 1 : i32
        %add3A_667 = arith.addi %mul3A_665, %add3A_666 : i32
        %get3A_668 = arith.constant 0 : i32
        %get3A_669 = arith.constant 0 : i32
        %get3A_670 = arith.index_cast %get3A_668 : i32 to index
        %get3A_671 = arith.index_cast %get3A_669 : i32 to index
        %get3A_672 = arith.index_cast %add3A_667 : i32 to index
        %get3A_673 = arith.constant 48 : index
        %get3A_674 = tpu.vector_load %arg6[%get3A_670, %get3A_671, %get3A_672, %get3A_673] {strides = array<i32>} : memref<4x2x100x64xf32, #tpu.memory_space<vmem>>, vector<1x1x1x16xf32>,
        %get3A_675 = vector.shape_cast %get3A_674 : vector<1x1x1x16xf32> to vector<16xf32>
        %add3A_676 = arith.addf %add3A_572, %get3A_675 : vector<16xf32>
        %mul3A_677 = arith.constant 2 : i32
        %mul3A_678 = arith.muli %mul3A_677, %scan3A_513 : i32
        %add3A_679 = arith.constant 1 : i32
        %add3A_680 = arith.addi %mul3A_678, %add3A_679 : i32
        %get3A_681 = arith.constant 0 : i32
        %get3A_682 = arith.constant 1 : i32
        %get3A_683 = arith.index_cast %get3A_681 : i32 to index
        %get3A_684 = arith.index_cast %get3A_682 : i32 to index
        %get3A_685 = arith.index_cast %add3A_680 : i32 to index
        %get3A_686 = arith.constant 0 : index
        %get3A_687 = tpu.vector_load %arg6[%get3A_683, %get3A_684, %get3A_685, %get3A_686] {strides = array<i32>} : memref<4x2x100x64xf32, #tpu.memory_space<vmem>>, vector<1x1x1x16xf32>,
        %get3A_688 = vector.shape_cast %get3A_687 : vector<1x1x1x16xf32> to vector<16xf32>
        %add3A_689 = arith.addf %add3A_585, %get3A_688 : vector<16xf32>
        %mul3A_690 = arith.constant 2 : i32
        %mul3A_691 = arith.muli %mul3A_690, %scan3A_513 : i32
        %add3A_692 = arith.constant 1 : i32
        %add3A_693 = arith.addi %mul3A_691, %add3A_692 : i32
        %get3A_694 = arith.constant 0 : i32
        %get3A_695 = arith.constant 1 : i32
        %get3A_696 = arith.index_cast %get3A_694 : i32 to index
        %get3A_697 = arith.index_cast %get3A_695 : i32 to index
        %get3A_698 = arith.index_cast %add3A_693 : i32 to index
        %get3A_699 = arith.constant 16 : index
        %get3A_700 = tpu.vector_load %arg6[%get3A_696, %get3A_697, %get3A_698, %get3A_699] {strides = array<i32>} : memref<4x2x100x64xf32, #tpu.memory_space<vmem>>, vector<1x1x1x16xf32>,
        %get3A_701 = vector.shape_cast %get3A_700 : vector<1x1x1x16xf32> to vector<16xf32>
        %add3A_702 = arith.addf %add3A_598, %get3A_701 : vector<16xf32>
        %mul3A_703 = arith.constant 2 : i32
        %mul3A_704 = arith.muli %mul3A_703, %scan3A_513 : i32
        %add3A_705 = arith.constant 1 : i32
        %add3A_706 = arith.addi %mul3A_704, %add3A_705 : i32
        %get3A_707 = arith.constant 0 : i32
        %get3A_708 = arith.constant 1 : i32
        %get3A_709 = arith.index_cast %get3A_707 : i32 to index
        %get3A_710 = arith.index_cast %get3A_708 : i32 to index
        %get3A_711 = arith.index_cast %add3A_706 : i32 to index
        %get3A_712 = arith.constant 32 : index
        %get3A_713 = tpu.vector_load %arg6[%get3A_709, %get3A_710, %get3A_711, %get3A_712] {strides = array<i32>} : memref<4x2x100x64xf32, #tpu.memory_space<vmem>>, vector<1x1x1x16xf32>,
        %get3A_714 = vector.shape_cast %get3A_713 : vector<1x1x1x16xf32> to vector<16xf32>
        %add3A_715 = arith.addf %add3A_611, %get3A_714 : vector<16xf32>
        %mul3A_716 = arith.constant 2 : i32
        %mul3A_717 = arith.muli %mul3A_716, %scan3A_513 : i32
        %add3A_718 = arith.constant 1 : i32
        %add3A_719 = arith.addi %mul3A_717, %add3A_718 : i32
        %get3A_720 = arith.constant 0 : i32
        %get3A_721 = arith.constant 1 : i32
        %get3A_722 = arith.index_cast %get3A_720 : i32 to index
        %get3A_723 = arith.index_cast %get3A_721 : i32 to index
        %get3A_724 = arith.index_cast %add3A_719 : i32 to index
        %get3A_725 = arith.constant 48 : index
        %get3A_726 = tpu.vector_load %arg6[%get3A_722, %get3A_723, %get3A_724, %get3A_725] {strides = array<i32>} : memref<4x2x100x64xf32, #tpu.memory_space<vmem>>, vector<1x1x1x16xf32>,
        %get3A_727 = vector.shape_cast %get3A_726 : vector<1x1x1x16xf32> to vector<16xf32>
        %add3A_728 = arith.addf %add3A_624, %get3A_727 : vector<16xf32>
        scf.yield %add3A_637, %add3A_650, %add3A_663, %add3A_676, %add3A_689, %add3A_702, %add3A_715, %add3A_728 : vector<16xf32>, vector<16xf32>, vector<16xf32>, vector<16xf32>, vector<16xf32>, vector<16xf32>, vector<16xf32>, vector<16xf32>
      }
      %scan3A_169 = arith.constant 50 : i32
      %add3A_170 = arith.addf %scan3A_168#0, %scan3A_168#4 : vector<16xf32>
      %mul3A_171 = arith.constant 5.000000e-03 : f32
      %mul3A_172 = vector.broadcast %mul3A_171 : f32 to vector<16xf32>
      %mul3A_173 = arith.mulf %add3A_170, %mul3A_172 : vector<16xf32>
      %swap3A = arith.index_cast %add3A_117 : i32 to index
      %swap3A_174 = arith.constant 0 : index
      %swap3A_175 = tpu.vector_load %arg7[%swap3A, %swap3A_174] {strides = array<i32>} : memref<128x64xf32, #tpu.memory_space<vmem>>, vector<1x16xf32>,
      %swap3A_176 = vector.shape_cast %swap3A_175 : vector<1x16xf32> to vector<16xf32>
      %swap3A_177 = vector.shape_cast %mul3A_173 : vector<16xf32> to vector<1x16xf32>
      tpu.vector_store %arg7[%swap3A, %swap3A_174], %swap3A_177 {strides = array<i32>} : memref<128x64xf32, #tpu.memory_space<vmem>>, vector<1x16xf32>,
      %add3A_178 = arith.addf %scan3A_168#1, %scan3A_168#5 : vector<16xf32>
      %mul3A_179 = arith.constant 5.000000e-03 : f32
      %mul3A_180 = vector.broadcast %mul3A_179 : f32 to vector<16xf32>
      %mul3A_181 = arith.mulf %add3A_178, %mul3A_180 : vector<16xf32>
      %swap3A_182 = arith.index_cast %add3A_117 : i32 to index
      %swap3A_183 = arith.constant 16 : index
      %swap3A_184 = tpu.vector_load %arg7[%swap3A_182, %swap3A_183] {strides = array<i32>} : memref<128x64xf32, #tpu.memory_space<vmem>>, vector<1x16xf32>,
      %swap3A_185 = vector.shape_cast %swap3A_184 : vector<1x16xf32> to vector<16xf32>
      %swap3A_186 = vector.shape_cast %mul3A_181 : vector<16xf32> to vector<1x16xf32>
      tpu.vector_store %arg7[%swap3A_182, %swap3A_183], %swap3A_186 {strides = array<i32>} : memref<128x64xf32, #tpu.memory_space<vmem>>, vector<1x16xf32>,
      %add3A_187 = arith.addf %scan3A_168#2, %scan3A_168#6 : vector<16xf32>
      %mul3A_188 = arith.constant 5.000000e-03 : f32
      %mul3A_189 = vector.broadcast %mul3A_188 : f32 to vector<16xf32>
      %mul3A_190 = arith.mulf %add3A_187, %mul3A_189 : vector<16xf32>
      %swap3A_191 = arith.index_cast %add3A_117 : i32 to index
      %swap3A_192 = arith.constant 32 : index
      %swap3A_193 = tpu.vector_load %arg7[%swap3A_191, %swap3A_192] {strides = array<i32>} : memref<128x64xf32, #tpu.memory_space<vmem>>, vector<1x16xf32>,
      %swap3A_194 = vector.shape_cast %swap3A_193 : vector<1x16xf32> to vector<16xf32>
      %swap3A_195 = vector.shape_cast %mul3A_190 : vector<16xf32> to vector<1x16xf32>
      tpu.vector_store %arg7[%swap3A_191, %swap3A_192], %swap3A_195 {strides = array<i32>} : memref<128x64xf32, #tpu.memory_space<vmem>>, vector<1x16xf32>,
      %add3A_196 = arith.addf %scan3A_168#3, %scan3A_168#7 : vector<16xf32>
      %mul3A_197 = arith.constant 5.000000e-03 : f32
      %mul3A_198 = vector.broadcast %mul3A_197 : f32 to vector<16xf32>
      %mul3A_199 = arith.mulf %add3A_196, %mul3A_198 : vector<16xf32>
      %swap3A_200 = arith.index_cast %add3A_117 : i32 to index
      %swap3A_201 = arith.constant 48 : index
      %swap3A_202 = tpu.vector_load %arg7[%swap3A_200, %swap3A_201] {strides = array<i32>} : memref<128x64xf32, #tpu.memory_space<vmem>>, vector<1x16xf32>,
      %swap3A_203 = vector.shape_cast %swap3A_202 : vector<1x16xf32> to vector<16xf32>
      %swap3A_204 = vector.shape_cast %mul3A_199 : vector<16xf32> to vector<1x16xf32>
      tpu.vector_store %arg7[%swap3A_200, %swap3A_201], %swap3A_204 {strides = array<i32>} : memref<128x64xf32, #tpu.memory_space<vmem>>, vector<1x16xf32>,
      %add3A_205 = arith.constant 4 : i32
      %add3A_206 = arith.addi %add3A_117, %add3A_205 : i32
      %lt3A = arith.constant 128 : i32
      %lt3A_207 = arith.cmpi slt, %add3A_206, %lt3A : i32
      %convert_element_type3A = arith.extui %lt3A_207 : i1 to i32
      %cond3A = arith.constant 0 : i32
      %cond3A_208 = arith.cmpi ne, %convert_element_type3A, %cond3A : i32
      scf.if %cond3A_208 {
        %mul3A_513 = arith.constant 2 : i32
        %mul3A_514 = arith.muli %mul3A_513, %add3A_206 : i32
        %add3A_515 = arith.constant 0 : i32
        %add3A_516 = arith.addi %mul3A_514, %add3A_515 : i32
        %dma_start3A_517 = arith.constant 0 : i32
        %dma_start3A_518 = arith.constant 0 : i32
        %dma_start3A_519 = arith.constant 0 : i32
        %dma_start3A_520 = arith.constant 0 : i32
        %dma_start3A_521 = tpu.memref_slice %arg6[%dma_start3A_517, %dma_start3A_518, %dma_start3A_519, %dma_start3A_520] : memref<4x2x100x64xf32, #tpu.memory_space<vmem>> -> memref<1x1x100x64xf32, #tpu.memory_space<vmem>>
        %dma_start3A_522 = tpu.memref_squeeze %dma_start3A_521 : memref<1x1x100x64xf32, #tpu.memory_space<vmem>> -> memref<100x64xf32, #tpu.memory_space<vmem>>
        %dma_start3A_523 = arith.constant 0 : i32
        %dma_start3A_524 = tpu.memref_slice %arg5[%add3A_516, %dma_start3A_523] : memref<256x100xi32, #tpu.memory_space<vmem>> -> memref<1x100xi32, #tpu.memory_space<vmem>>
        %dma_start3A_525 = tpu.memref_squeeze %dma_start3A_524 : memref<1x100xi32, #tpu.memory_space<vmem>> -> memref<100xi32, #tpu.memory_space<vmem>>
        %dma_start3A_526 = arith.constant 0 : i32
        %dma_start3A_527 = arith.constant 0 : i32
        %dma_start3A_528 = tpu.memref_slice %arg3[%dma_start3A_526, %dma_start3A_527] : memref<1000000x64xf32, #tpu.memory_space<hbm>> -> memref<1000000x64xf32, #tpu.memory_space<hbm>>
        tpu.enqueue_indirect_dma source(%dma_start3A_528 : memref<1000000x64xf32, #tpu.memory_space<hbm>>) target(%dma_start3A_522 : memref<100x64xf32, #tpu.memory_space<vmem>>) offsets(%dma_start3A_525 : memref<100xi32, #tpu.memory_space<vmem>>) semaphore(%arg8 : memref<!tpu.dma_semaphore, #tpu.memory_space<semaphore_mem>>)
        %mul3A_529 = arith.constant 2 : i32
        %mul3A_530 = arith.muli %mul3A_529, %add3A_206 : i32
        %add3A_531 = arith.constant 1 : i32
        %add3A_532 = arith.addi %mul3A_530, %add3A_531 : i32
        %dma_start3A_533 = arith.constant 0 : i32
        %dma_start3A_534 = arith.constant 1 : i32
        %dma_start3A_535 = arith.constant 0 : i32
        %dma_start3A_536 = arith.constant 0 : i32
        %dma_start3A_537 = tpu.memref_slice %arg6[%dma_start3A_533, %dma_start3A_534, %dma_start3A_535, %dma_start3A_536] : memref<4x2x100x64xf32, #tpu.memory_space<vmem>> -> memref<1x1x100x64xf32, #tpu.memory_space<vmem>>
        %dma_start3A_538 = tpu.memref_squeeze %dma_start3A_537 : memref<1x1x100x64xf32, #tpu.memory_space<vmem>> -> memref<100x64xf32, #tpu.memory_space<vmem>>
        %dma_start3A_539 = arith.constant 0 : i32
        %dma_start3A_540 = tpu.memref_slice %arg5[%add3A_532, %dma_start3A_539] : memref<256x100xi32, #tpu.memory_space<vmem>> -> memref<1x100xi32, #tpu.memory_space<vmem>>
        %dma_start3A_541 = tpu.memref_squeeze %dma_start3A_540 : memref<1x100xi32, #tpu.memory_space<vmem>> -> memref<100xi32, #tpu.memory_space<vmem>>
        %dma_start3A_542 = arith.constant 0 : i32
        %dma_start3A_543 = arith.constant 0 : i32
        %dma_start3A_544 = tpu.memref_slice %arg3[%dma_start3A_542, %dma_start3A_543] : memref<1000000x64xf32, #tpu.memory_space<hbm>> -> memref<1000000x64xf32, #tpu.memory_space<hbm>>
        tpu.enqueue_indirect_dma source(%dma_start3A_544 : memref<1000000x64xf32, #tpu.memory_space<hbm>>) target(%dma_start3A_538 : memref<100x64xf32, #tpu.memory_space<vmem>>) offsets(%dma_start3A_541 : memref<100xi32, #tpu.memory_space<vmem>>) semaphore(%arg8 : memref<!tpu.dma_semaphore, #tpu.memory_space<semaphore_mem>>)
      } else {
      }
      %mul3A_209 = arith.constant 4 : i32
      %mul3A_210 = arith.muli %mul3A_209, %scan3A_112 : i32
      %add3A_211 = arith.constant 1 : i32
      %add3A_212 = arith.addi %mul3A_210, %add3A_211 : i32
      %dma_wait3A_213 = arith.constant 1 : i32
      %dma_wait3A_214 = arith.constant 0 : i32
      %dma_wait3A_215 = arith.constant 0 : i32
      %dma_wait3A_216 = arith.constant 0 : i32
      %dma_wait3A_217 = tpu.memref_slice %arg6[%dma_wait3A_213, %dma_wait3A_214, %dma_wait3A_215, %dma_wait3A_216] : memref<4x2x100x64xf32, #tpu.memory_space<vmem>> -> memref<1x1x100x64xf32, #tpu.memory_space<vmem>>
      %dma_wait3A_218 = tpu.memref_squeeze %dma_wait3A_217 : memref<1x1x100x64xf32, #tpu.memory_space<vmem>> -> memref<100x64xf32, #tpu.memory_space<vmem>>
      %dma_wait3A_219 = arith.constant 0 : i32
      %dma_wait3A_220 = arith.constant 0 : i32
      %dma_wait3A_221 = tpu.memref_slice %arg3[%dma_wait3A_219, %dma_wait3A_220] : memref<1000000x64xf32, #tpu.memory_space<hbm>> -> memref<100x64xf32, #tpu.memory_space<hbm>>
      %dma_wait3A_222 = arith.constant 0 : i32
      %dma_wait3A_223 = arith.constant 0 : i32
      %dma_wait3A_224 = tpu.memref_slice %arg6[%dma_wait3A_213, %dma_wait3A_214, %dma_wait3A_222, %dma_wait3A_223] : memref<4x2x100x64xf32, #tpu.memory_space<vmem>> -> memref<1x1x100x64xf32, #tpu.memory_space<vmem>>
      %dma_wait3A_225 = tpu.memref_squeeze %dma_wait3A_224 : memref<1x1x100x64xf32, #tpu.memory_space<vmem>> -> memref<100x64xf32, #tpu.memory_space<vmem>>
      %dma_wait3A_226 = arith.constant 0 : i32
      %dma_wait3A_227 = arith.constant 0 : i32
      %dma_wait3A_228 = tpu.memref_slice %arg3[%dma_wait3A_226, %dma_wait3A_227] : memref<1000000x64xf32, #tpu.memory_space<hbm>> -> memref<100x64xf32, #tpu.memory_space<hbm>>
      tpu.wait_dma2 semaphore(%arg9 : memref<!tpu.dma_semaphore, #tpu.memory_space<semaphore_mem>>) src(%dma_wait3A_228 : memref<100x64xf32, #tpu.memory_space<hbm>>) dst(%dma_wait3A_225 : memref<100x64xf32, #tpu.memory_space<vmem>>)
      %dma_wait3A_229 = arith.constant 1 : i32
      %dma_wait3A_230 = arith.constant 1 : i32
      %dma_wait3A_231 = arith.constant 0 : i32
      %dma_wait3A_232 = arith.constant 0 : i32
      %dma_wait3A_233 = tpu.memref_slice %arg6[%dma_wait3A_229, %dma_wait3A_230, %dma_wait3A_231, %dma_wait3A_232] : memref<4x2x100x64xf32, #tpu.memory_space<vmem>> -> memref<1x1x100x64xf32, #tpu.memory_space<vmem>>
      %dma_wait3A_234 = tpu.memref_squeeze %dma_wait3A_233 : memref<1x1x100x64xf32, #tpu.memory_space<vmem>> -> memref<100x64xf32, #tpu.memory_space<vmem>>
      %dma_wait3A_235 = arith.constant 0 : i32
      %dma_wait3A_236 = arith.constant 0 : i32
      %dma_wait3A_237 = tpu.memref_slice %arg3[%dma_wait3A_235, %dma_wait3A_236] : memref<1000000x64xf32, #tpu.memory_space<hbm>> -> memref<100x64xf32, #tpu.memory_space<hbm>>
      %dma_wait3A_238 = arith.constant 0 : i32
      %dma_wait3A_239 = arith.constant 0 : i32
      %dma_wait3A_240 = tpu.memref_slice %arg6[%dma_wait3A_229, %dma_wait3A_230, %dma_wait3A_238, %dma_wait3A_239] : memref<4x2x100x64xf32, #tpu.memory_space<vmem>> -> memref<1x1x100x64xf32, #tpu.memory_space<vmem>>
      %dma_wait3A_241 = tpu.memref_squeeze %dma_wait3A_240 : memref<1x1x100x64xf32, #tpu.memory_space<vmem>> -> memref<100x64xf32, #tpu.memory_space<vmem>>
      %dma_wait3A_242 = arith.constant 0 : i32
      %dma_wait3A_243 = arith.constant 0 : i32
      %dma_wait3A_244 = tpu.memref_slice %arg3[%dma_wait3A_242, %dma_wait3A_243] : memref<1000000x64xf32, #tpu.memory_space<hbm>> -> memref<100x64xf32, #tpu.memory_space<hbm>>
      tpu.wait_dma2 semaphore(%arg9 : memref<!tpu.dma_semaphore, #tpu.memory_space<semaphore_mem>>) src(%dma_wait3A_244 : memref<100x64xf32, #tpu.memory_space<hbm>>) dst(%dma_wait3A_241 : memref<100x64xf32, #tpu.memory_space<vmem>>)
      %broadcast_in_dim3A_245 = arith.constant 0.000000e+00 : f32
      %broadcast_in_dim3A_246 = vector.broadcast %broadcast_in_dim3A_245 : f32 to vector<16xf32>
      %broadcast_in_dim3A_247 = arith.constant 0.000000e+00 : f32
      %broadcast_in_dim3A_248 = vector.broadcast %broadcast_in_dim3A_247 : f32 to vector<16xf32>
      %broadcast_in_dim3A_249 = arith.constant 0.000000e+00 : f32
      %broadcast_in_dim3A_250 = vector.broadcast %broadcast_in_dim3A_249 : f32 to vector<16xf32>
      %broadcast_in_dim3A_251 = arith.constant 0.000000e+00 : f32
      %broadcast_in_dim3A_252 = vector.broadcast %broadcast_in_dim3A_251 : f32 to vector<16xf32>
      %broadcast_in_dim3A_253 = arith.constant 0.000000e+00 : f32
      %broadcast_in_dim3A_254 = vector.broadcast %broadcast_in_dim3A_253 : f32 to vector<16xf32>
      %broadcast_in_dim3A_255 = arith.constant 0.000000e+00 : f32
      %broadcast_in_dim3A_256 = vector.broadcast %broadcast_in_dim3A_255 : f32 to vector<16xf32>
      %broadcast_in_dim3A_257 = arith.constant 0.000000e+00 : f32
      %broadcast_in_dim3A_258 = vector.broadcast %broadcast_in_dim3A_257 : f32 to vector<16xf32>
      %broadcast_in_dim3A_259 = arith.constant 0.000000e+00 : f32
      %broadcast_in_dim3A_260 = vector.broadcast %broadcast_in_dim3A_259 : f32 to vector<16xf32>
      %scan3A_261 = arith.constant 0 : i32
      %scan3A_262 = arith.constant 50 : i32
      %scan3A_263 = arith.addi %scan3A_261, %scan3A_262 : i32
      %scan3A_264 = arith.constant 1 : i32
      %scan3A_265:8 = scf.for %scan3A_513 = %scan3A_261 to %scan3A_263 step %scan3A_264 iter_args(%scan3A_514 = %broadcast_in_dim3A_246, %scan3A_515 = %broadcast_in_dim3A_248, %scan3A_516 = %broadcast_in_dim3A_250, %scan3A_517 = %broadcast_in_dim3A_252, %scan3A_518 = %broadcast_in_dim3A_254, %scan3A_519 = %broadcast_in_dim3A_256, %scan3A_520 = %broadcast_in_dim3A_258, %scan3A_521 = %broadcast_in_dim3A_260) -> (vector<16xf32>, vector<16xf32>, vector<16xf32>, vector<16xf32>, vector<16xf32>, vector<16xf32>, vector<16xf32>, vector<16xf32>)  : i32 {
        %mul3A_522 = arith.constant 2 : i32
        %mul3A_523 = arith.muli %mul3A_522, %scan3A_513 : i32
        %add3A_524 = arith.constant 0 : i32
        %add3A_525 = arith.addi %mul3A_523, %add3A_524 : i32
        %get3A = arith.constant 1 : i32
        %get3A_526 = arith.constant 0 : i32
        %get3A_527 = arith.index_cast %get3A : i32 to index
        %get3A_528 = arith.index_cast %get3A_526 : i32 to index
        %get3A_529 = arith.index_cast %add3A_525 : i32 to index
        %get3A_530 = arith.constant 0 : index
        %get3A_531 = tpu.vector_load %arg6[%get3A_527, %get3A_528, %get3A_529, %get3A_530] {strides = array<i32>} : memref<4x2x100x64xf32, #tpu.memory_space<vmem>>, vector<1x1x1x16xf32>,
        %get3A_532 = vector.shape_cast %get3A_531 : vector<1x1x1x16xf32> to vector<16xf32>
        %add3A_533 = arith.addf %scan3A_514, %get3A_532 : vector<16xf32>
        %mul3A_534 = arith.constant 2 : i32
        %mul3A_535 = arith.muli %mul3A_534, %scan3A_513 : i32
        %add3A_536 = arith.constant 0 : i32
        %add3A_537 = arith.addi %mul3A_535, %add3A_536 : i32
        %get3A_538 = arith.constant 1 : i32
        %get3A_539 = arith.constant 0 : i32
        %get3A_540 = arith.index_cast %get3A_538 : i32 to index
        %get3A_541 = arith.index_cast %get3A_539 : i32 to index
        %get3A_542 = arith.index_cast %add3A_537 : i32 to index
        %get3A_543 = arith.constant 16 : index
        %get3A_544 = tpu.vector_load %arg6[%get3A_540, %get3A_541, %get3A_542, %get3A_543] {strides = array<i32>} : memref<4x2x100x64xf32, #tpu.memory_space<vmem>>, vector<1x1x1x16xf32>,
        %get3A_545 = vector.shape_cast %get3A_544 : vector<1x1x1x16xf32> to vector<16xf32>
        %add3A_546 = arith.addf %scan3A_515, %get3A_545 : vector<16xf32>
        %mul3A_547 = arith.constant 2 : i32
        %mul3A_548 = arith.muli %mul3A_547, %scan3A_513 : i32
        %add3A_549 = arith.constant 0 : i32
        %add3A_550 = arith.addi %mul3A_548, %add3A_549 : i32
        %get3A_551 = arith.constant 1 : i32
        %get3A_552 = arith.constant 0 : i32
        %get3A_553 = arith.index_cast %get3A_551 : i32 to index
        %get3A_554 = arith.index_cast %get3A_552 : i32 to index
        %get3A_555 = arith.index_cast %add3A_550 : i32 to index
        %get3A_556 = arith.constant 32 : index
        %get3A_557 = tpu.vector_load %arg6[%get3A_553, %get3A_554, %get3A_555, %get3A_556] {strides = array<i32>} : memref<4x2x100x64xf32, #tpu.memory_space<vmem>>, vector<1x1x1x16xf32>,
        %get3A_558 = vector.shape_cast %get3A_557 : vector<1x1x1x16xf32> to vector<16xf32>
        %add3A_559 = arith.addf %scan3A_516, %get3A_558 : vector<16xf32>
        %mul3A_560 = arith.constant 2 : i32
        %mul3A_561 = arith.muli %mul3A_560, %scan3A_513 : i32
        %add3A_562 = arith.constant 0 : i32
        %add3A_563 = arith.addi %mul3A_561, %add3A_562 : i32
        %get3A_564 = arith.constant 1 : i32
        %get3A_565 = arith.constant 0 : i32
        %get3A_566 = arith.index_cast %get3A_564 : i32 to index
        %get3A_567 = arith.index_cast %get3A_565 : i32 to index
        %get3A_568 = arith.index_cast %add3A_563 : i32 to index
        %get3A_569 = arith.constant 48 : index
        %get3A_570 = tpu.vector_load %arg6[%get3A_566, %get3A_567, %get3A_568, %get3A_569] {strides = array<i32>} : memref<4x2x100x64xf32, #tpu.memory_space<vmem>>, vector<1x1x1x16xf32>,
        %get3A_571 = vector.shape_cast %get3A_570 : vector<1x1x1x16xf32> to vector<16xf32>
        %add3A_572 = arith.addf %scan3A_517, %get3A_571 : vector<16xf32>
        %mul3A_573 = arith.constant 2 : i32
        %mul3A_574 = arith.muli %mul3A_573, %scan3A_513 : i32
        %add3A_575 = arith.constant 0 : i32
        %add3A_576 = arith.addi %mul3A_574, %add3A_575 : i32
        %get3A_577 = arith.constant 1 : i32
        %get3A_578 = arith.constant 1 : i32
        %get3A_579 = arith.index_cast %get3A_577 : i32 to index
        %get3A_580 = arith.index_cast %get3A_578 : i32 to index
        %get3A_581 = arith.index_cast %add3A_576 : i32 to index
        %get3A_582 = arith.constant 0 : index
        %get3A_583 = tpu.vector_load %arg6[%get3A_579, %get3A_580, %get3A_581, %get3A_582] {strides = array<i32>} : memref<4x2x100x64xf32, #tpu.memory_space<vmem>>, vector<1x1x1x16xf32>,
        %get3A_584 = vector.shape_cast %get3A_583 : vector<1x1x1x16xf32> to vector<16xf32>
        %add3A_585 = arith.addf %scan3A_518, %get3A_584 : vector<16xf32>
        %mul3A_586 = arith.constant 2 : i32
        %mul3A_587 = arith.muli %mul3A_586, %scan3A_513 : i32
        %add3A_588 = arith.constant 0 : i32
        %add3A_589 = arith.addi %mul3A_587, %add3A_588 : i32
        %get3A_590 = arith.constant 1 : i32
        %get3A_591 = arith.constant 1 : i32
        %get3A_592 = arith.index_cast %get3A_590 : i32 to index
        %get3A_593 = arith.index_cast %get3A_591 : i32 to index
        %get3A_594 = arith.index_cast %add3A_589 : i32 to index
        %get3A_595 = arith.constant 16 : index
        %get3A_596 = tpu.vector_load %arg6[%get3A_592, %get3A_593, %get3A_594, %get3A_595] {strides = array<i32>} : memref<4x2x100x64xf32, #tpu.memory_space<vmem>>, vector<1x1x1x16xf32>,
        %get3A_597 = vector.shape_cast %get3A_596 : vector<1x1x1x16xf32> to vector<16xf32>
        %add3A_598 = arith.addf %scan3A_519, %get3A_597 : vector<16xf32>
        %mul3A_599 = arith.constant 2 : i32
        %mul3A_600 = arith.muli %mul3A_599, %scan3A_513 : i32
        %add3A_601 = arith.constant 0 : i32
        %add3A_602 = arith.addi %mul3A_600, %add3A_601 : i32
        %get3A_603 = arith.constant 1 : i32
        %get3A_604 = arith.constant 1 : i32
        %get3A_605 = arith.index_cast %get3A_603 : i32 to index
        %get3A_606 = arith.index_cast %get3A_604 : i32 to index
        %get3A_607 = arith.index_cast %add3A_602 : i32 to index
        %get3A_608 = arith.constant 32 : index
        %get3A_609 = tpu.vector_load %arg6[%get3A_605, %get3A_606, %get3A_607, %get3A_608] {strides = array<i32>} : memref<4x2x100x64xf32, #tpu.memory_space<vmem>>, vector<1x1x1x16xf32>,
        %get3A_610 = vector.shape_cast %get3A_609 : vector<1x1x1x16xf32> to vector<16xf32>
        %add3A_611 = arith.addf %scan3A_520, %get3A_610 : vector<16xf32>
        %mul3A_612 = arith.constant 2 : i32
        %mul3A_613 = arith.muli %mul3A_612, %scan3A_513 : i32
        %add3A_614 = arith.constant 0 : i32
        %add3A_615 = arith.addi %mul3A_613, %add3A_614 : i32
        %get3A_616 = arith.constant 1 : i32
        %get3A_617 = arith.constant 1 : i32
        %get3A_618 = arith.index_cast %get3A_616 : i32 to index
        %get3A_619 = arith.index_cast %get3A_617 : i32 to index
        %get3A_620 = arith.index_cast %add3A_615 : i32 to index
        %get3A_621 = arith.constant 48 : index
        %get3A_622 = tpu.vector_load %arg6[%get3A_618, %get3A_619, %get3A_620, %get3A_621] {strides = array<i32>} : memref<4x2x100x64xf32, #tpu.memory_space<vmem>>, vector<1x1x1x16xf32>,
        %get3A_623 = vector.shape_cast %get3A_622 : vector<1x1x1x16xf32> to vector<16xf32>
        %add3A_624 = arith.addf %scan3A_521, %get3A_623 : vector<16xf32>
        %mul3A_625 = arith.constant 2 : i32
        %mul3A_626 = arith.muli %mul3A_625, %scan3A_513 : i32
        %add3A_627 = arith.constant 1 : i32
        %add3A_628 = arith.addi %mul3A_626, %add3A_627 : i32
        %get3A_629 = arith.constant 1 : i32
        %get3A_630 = arith.constant 0 : i32
        %get3A_631 = arith.index_cast %get3A_629 : i32 to index
        %get3A_632 = arith.index_cast %get3A_630 : i32 to index
        %get3A_633 = arith.index_cast %add3A_628 : i32 to index
        %get3A_634 = arith.constant 0 : index
        %get3A_635 = tpu.vector_load %arg6[%get3A_631, %get3A_632, %get3A_633, %get3A_634] {strides = array<i32>} : memref<4x2x100x64xf32, #tpu.memory_space<vmem>>, vector<1x1x1x16xf32>,
        %get3A_636 = vector.shape_cast %get3A_635 : vector<1x1x1x16xf32> to vector<16xf32>
        %add3A_637 = arith.addf %add3A_533, %get3A_636 : vector<16xf32>
        %mul3A_638 = arith.constant 2 : i32
        %mul3A_639 = arith.muli %mul3A_638, %scan3A_513 : i32
        %add3A_640 = arith.constant 1 : i32
        %add3A_641 = arith.addi %mul3A_639, %add3A_640 : i32
        %get3A_642 = arith.constant 1 : i32
        %get3A_643 = arith.constant 0 : i32
        %get3A_644 = arith.index_cast %get3A_642 : i32 to index
        %get3A_645 = arith.index_cast %get3A_643 : i32 to index
        %get3A_646 = arith.index_cast %add3A_641 : i32 to index
        %get3A_647 = arith.constant 16 : index
        %get3A_648 = tpu.vector_load %arg6[%get3A_644, %get3A_645, %get3A_646, %get3A_647] {strides = array<i32>} : memref<4x2x100x64xf32, #tpu.memory_space<vmem>>, vector<1x1x1x16xf32>,
        %get3A_649 = vector.shape_cast %get3A_648 : vector<1x1x1x16xf32> to vector<16xf32>
        %add3A_650 = arith.addf %add3A_546, %get3A_649 : vector<16xf32>
        %mul3A_651 = arith.constant 2 : i32
        %mul3A_652 = arith.muli %mul3A_651, %scan3A_513 : i32
        %add3A_653 = arith.constant 1 : i32
        %add3A_654 = arith.addi %mul3A_652, %add3A_653 : i32
        %get3A_655 = arith.constant 1 : i32
        %get3A_656 = arith.constant 0 : i32
        %get3A_657 = arith.index_cast %get3A_655 : i32 to index
        %get3A_658 = arith.index_cast %get3A_656 : i32 to index
        %get3A_659 = arith.index_cast %add3A_654 : i32 to index
        %get3A_660 = arith.constant 32 : index
        %get3A_661 = tpu.vector_load %arg6[%get3A_657, %get3A_658, %get3A_659, %get3A_660] {strides = array<i32>} : memref<4x2x100x64xf32, #tpu.memory_space<vmem>>, vector<1x1x1x16xf32>,
        %get3A_662 = vector.shape_cast %get3A_661 : vector<1x1x1x16xf32> to vector<16xf32>
        %add3A_663 = arith.addf %add3A_559, %get3A_662 : vector<16xf32>
        %mul3A_664 = arith.constant 2 : i32
        %mul3A_665 = arith.muli %mul3A_664, %scan3A_513 : i32
        %add3A_666 = arith.constant 1 : i32
        %add3A_667 = arith.addi %mul3A_665, %add3A_666 : i32
        %get3A_668 = arith.constant 1 : i32
        %get3A_669 = arith.constant 0 : i32
        %get3A_670 = arith.index_cast %get3A_668 : i32 to index
        %get3A_671 = arith.index_cast %get3A_669 : i32 to index
        %get3A_672 = arith.index_cast %add3A_667 : i32 to index
        %get3A_673 = arith.constant 48 : index
        %get3A_674 = tpu.vector_load %arg6[%get3A_670, %get3A_671, %get3A_672, %get3A_673] {strides = array<i32>} : memref<4x2x100x64xf32, #tpu.memory_space<vmem>>, vector<1x1x1x16xf32>,
        %get3A_675 = vector.shape_cast %get3A_674 : vector<1x1x1x16xf32> to vector<16xf32>
        %add3A_676 = arith.addf %add3A_572, %get3A_675 : vector<16xf32>
        %mul3A_677 = arith.constant 2 : i32
        %mul3A_678 = arith.muli %mul3A_677, %scan3A_513 : i32
        %add3A_679 = arith.constant 1 : i32
        %add3A_680 = arith.addi %mul3A_678, %add3A_679 : i32
        %get3A_681 = arith.constant 1 : i32
        %get3A_682 = arith.constant 1 : i32
        %get3A_683 = arith.index_cast %get3A_681 : i32 to index
        %get3A_684 = arith.index_cast %get3A_682 : i32 to index
        %get3A_685 = arith.index_cast %add3A_680 : i32 to index
        %get3A_686 = arith.constant 0 : index
        %get3A_687 = tpu.vector_load %arg6[%get3A_683, %get3A_684, %get3A_685, %get3A_686] {strides = array<i32>} : memref<4x2x100x64xf32, #tpu.memory_space<vmem>>, vector<1x1x1x16xf32>,
        %get3A_688 = vector.shape_cast %get3A_687 : vector<1x1x1x16xf32> to vector<16xf32>
        %add3A_689 = arith.addf %add3A_585, %get3A_688 : vector<16xf32>
        %mul3A_690 = arith.constant 2 : i32
        %mul3A_691 = arith.muli %mul3A_690, %scan3A_513 : i32
        %add3A_692 = arith.constant 1 : i32
        %add3A_693 = arith.addi %mul3A_691, %add3A_692 : i32
        %get3A_694 = arith.constant 1 : i32
        %get3A_695 = arith.constant 1 : i32
        %get3A_696 = arith.index_cast %get3A_694 : i32 to index
        %get3A_697 = arith.index_cast %get3A_695 : i32 to index
        %get3A_698 = arith.index_cast %add3A_693 : i32 to index
        %get3A_699 = arith.constant 16 : index
        %get3A_700 = tpu.vector_load %arg6[%get3A_696, %get3A_697, %get3A_698, %get3A_699] {strides = array<i32>} : memref<4x2x100x64xf32, #tpu.memory_space<vmem>>, vector<1x1x1x16xf32>,
        %get3A_701 = vector.shape_cast %get3A_700 : vector<1x1x1x16xf32> to vector<16xf32>
        %add3A_702 = arith.addf %add3A_598, %get3A_701 : vector<16xf32>
        %mul3A_703 = arith.constant 2 : i32
        %mul3A_704 = arith.muli %mul3A_703, %scan3A_513 : i32
        %add3A_705 = arith.constant 1 : i32
        %add3A_706 = arith.addi %mul3A_704, %add3A_705 : i32
        %get3A_707 = arith.constant 1 : i32
        %get3A_708 = arith.constant 1 : i32
        %get3A_709 = arith.index_cast %get3A_707 : i32 to index
        %get3A_710 = arith.index_cast %get3A_708 : i32 to index
        %get3A_711 = arith.index_cast %add3A_706 : i32 to index
        %get3A_712 = arith.constant 32 : index
        %get3A_713 = tpu.vector_load %arg6[%get3A_709, %get3A_710, %get3A_711, %get3A_712] {strides = array<i32>} : memref<4x2x100x64xf32, #tpu.memory_space<vmem>>, vector<1x1x1x16xf32>,
        %get3A_714 = vector.shape_cast %get3A_713 : vector<1x1x1x16xf32> to vector<16xf32>
        %add3A_715 = arith.addf %add3A_611, %get3A_714 : vector<16xf32>
        %mul3A_716 = arith.constant 2 : i32
        %mul3A_717 = arith.muli %mul3A_716, %scan3A_513 : i32
        %add3A_718 = arith.constant 1 : i32
        %add3A_719 = arith.addi %mul3A_717, %add3A_718 : i32
        %get3A_720 = arith.constant 1 : i32
        %get3A_721 = arith.constant 1 : i32
        %get3A_722 = arith.index_cast %get3A_720 : i32 to index
        %get3A_723 = arith.index_cast %get3A_721 : i32 to index
        %get3A_724 = arith.index_cast %add3A_719 : i32 to index
        %get3A_725 = arith.constant 48 : index
        %get3A_726 = tpu.vector_load %arg6[%get3A_722, %get3A_723, %get3A_724, %get3A_725] {strides = array<i32>} : memref<4x2x100x64xf32, #tpu.memory_space<vmem>>, vector<1x1x1x16xf32>,
        %get3A_727 = vector.shape_cast %get3A_726 : vector<1x1x1x16xf32> to vector<16xf32>
        %add3A_728 = arith.addf %add3A_624, %get3A_727 : vector<16xf32>
        scf.yield %add3A_637, %add3A_650, %add3A_663, %add3A_676, %add3A_689, %add3A_702, %add3A_715, %add3A_728 : vector<16xf32>, vector<16xf32>, vector<16xf32>, vector<16xf32>, vector<16xf32>, vector<16xf32>, vector<16xf32>, vector<16xf32>
      }
      %scan3A_266 = arith.constant 50 : i32
      %add3A_267 = arith.addf %scan3A_265#0, %scan3A_265#4 : vector<16xf32>
      %mul3A_268 = arith.constant 5.000000e-03 : f32
      %mul3A_269 = vector.broadcast %mul3A_268 : f32 to vector<16xf32>
      %mul3A_270 = arith.mulf %add3A_267, %mul3A_269 : vector<16xf32>
      %swap3A_271 = arith.index_cast %add3A_212 : i32 to index
      %swap3A_272 = arith.constant 0 : index
      %swap3A_273 = tpu.vector_load %arg7[%swap3A_271, %swap3A_272] {strides = array<i32>} : memref<128x64xf32, #tpu.memory_space<vmem>>, vector<1x16xf32>,
      %swap3A_274 = vector.shape_cast %swap3A_273 : vector<1x16xf32> to vector<16xf32>
      %swap3A_275 = vector.shape_cast %mul3A_270 : vector<16xf32> to vector<1x16xf32>
      tpu.vector_store %arg7[%swap3A_271, %swap3A_272], %swap3A_275 {strides = array<i32>} : memref<128x64xf32, #tpu.memory_space<vmem>>, vector<1x16xf32>,
      %add3A_276 = arith.addf %scan3A_265#1, %scan3A_265#5 : vector<16xf32>
      %mul3A_277 = arith.constant 5.000000e-03 : f32
      %mul3A_278 = vector.broadcast %mul3A_277 : f32 to vector<16xf32>
      %mul3A_279 = arith.mulf %add3A_276, %mul3A_278 : vector<16xf32>
      %swap3A_280 = arith.index_cast %add3A_212 : i32 to index
      %swap3A_281 = arith.constant 16 : index
      %swap3A_282 = tpu.vector_load %arg7[%swap3A_280, %swap3A_281] {strides = array<i32>} : memref<128x64xf32, #tpu.memory_space<vmem>>, vector<1x16xf32>,
      %swap3A_283 = vector.shape_cast %swap3A_282 : vector<1x16xf32> to vector<16xf32>
      %swap3A_284 = vector.shape_cast %mul3A_279 : vector<16xf32> to vector<1x16xf32>
      tpu.vector_store %arg7[%swap3A_280, %swap3A_281], %swap3A_284 {strides = array<i32>} : memref<128x64xf32, #tpu.memory_space<vmem>>, vector<1x16xf32>,
      %add3A_285 = arith.addf %scan3A_265#2, %scan3A_265#6 : vector<16xf32>
      %mul3A_286 = arith.constant 5.000000e-03 : f32
      %mul3A_287 = vector.broadcast %mul3A_286 : f32 to vector<16xf32>
      %mul3A_288 = arith.mulf %add3A_285, %mul3A_287 : vector<16xf32>
      %swap3A_289 = arith.index_cast %add3A_212 : i32 to index
      %swap3A_290 = arith.constant 32 : index
      %swap3A_291 = tpu.vector_load %arg7[%swap3A_289, %swap3A_290] {strides = array<i32>} : memref<128x64xf32, #tpu.memory_space<vmem>>, vector<1x16xf32>,
      %swap3A_292 = vector.shape_cast %swap3A_291 : vector<1x16xf32> to vector<16xf32>
      %swap3A_293 = vector.shape_cast %mul3A_288 : vector<16xf32> to vector<1x16xf32>
      tpu.vector_store %arg7[%swap3A_289, %swap3A_290], %swap3A_293 {strides = array<i32>} : memref<128x64xf32, #tpu.memory_space<vmem>>, vector<1x16xf32>,
      %add3A_294 = arith.addf %scan3A_265#3, %scan3A_265#7 : vector<16xf32>
      %mul3A_295 = arith.constant 5.000000e-03 : f32
      %mul3A_296 = vector.broadcast %mul3A_295 : f32 to vector<16xf32>
      %mul3A_297 = arith.mulf %add3A_294, %mul3A_296 : vector<16xf32>
      %swap3A_298 = arith.index_cast %add3A_212 : i32 to index
      %swap3A_299 = arith.constant 48 : index
      %swap3A_300 = tpu.vector_load %arg7[%swap3A_298, %swap3A_299] {strides = array<i32>} : memref<128x64xf32, #tpu.memory_space<vmem>>, vector<1x16xf32>,
      %swap3A_301 = vector.shape_cast %swap3A_300 : vector<1x16xf32> to vector<16xf32>
      %swap3A_302 = vector.shape_cast %mul3A_297 : vector<16xf32> to vector<1x16xf32>
      tpu.vector_store %arg7[%swap3A_298, %swap3A_299], %swap3A_302 {strides = array<i32>} : memref<128x64xf32, #tpu.memory_space<vmem>>, vector<1x16xf32>,
      %add3A_303 = arith.constant 4 : i32
      %add3A_304 = arith.addi %add3A_212, %add3A_303 : i32
      %lt3A_305 = arith.constant 128 : i32
      %lt3A_306 = arith.cmpi slt, %add3A_304, %lt3A_305 : i32
      %convert_element_type3A_307 = arith.extui %lt3A_306 : i1 to i32
      %cond3A_308 = arith.constant 0 : i32
      %cond3A_309 = arith.cmpi ne, %convert_element_type3A_307, %cond3A_308 : i32
      scf.if %cond3A_309 {
        %mul3A_513 = arith.constant 2 : i32
        %mul3A_514 = arith.muli %mul3A_513, %add3A_304 : i32
        %add3A_515 = arith.constant 0 : i32
        %add3A_516 = arith.addi %mul3A_514, %add3A_515 : i32
        %dma_start3A_517 = arith.constant 1 : i32
        %dma_start3A_518 = arith.constant 0 : i32
        %dma_start3A_519 = arith.constant 0 : i32
        %dma_start3A_520 = arith.constant 0 : i32
        %dma_start3A_521 = tpu.memref_slice %arg6[%dma_start3A_517, %dma_start3A_518, %dma_start3A_519, %dma_start3A_520] : memref<4x2x100x64xf32, #tpu.memory_space<vmem>> -> memref<1x1x100x64xf32, #tpu.memory_space<vmem>>
        %dma_start3A_522 = tpu.memref_squeeze %dma_start3A_521 : memref<1x1x100x64xf32, #tpu.memory_space<vmem>> -> memref<100x64xf32, #tpu.memory_space<vmem>>
        %dma_start3A_523 = arith.constant 0 : i32
        %dma_start3A_524 = tpu.memref_slice %arg5[%add3A_516, %dma_start3A_523] : memref<256x100xi32, #tpu.memory_space<vmem>> -> memref<1x100xi32, #tpu.memory_space<vmem>>
        %dma_start3A_525 = tpu.memref_squeeze %dma_start3A_524 : memref<1x100xi32, #tpu.memory_space<vmem>> -> memref<100xi32, #tpu.memory_space<vmem>>
        %dma_start3A_526 = arith.constant 0 : i32
        %dma_start3A_527 = arith.constant 0 : i32
        %dma_start3A_528 = tpu.memref_slice %arg3[%dma_start3A_526, %dma_start3A_527] : memref<1000000x64xf32, #tpu.memory_space<hbm>> -> memref<1000000x64xf32, #tpu.memory_space<hbm>>
        tpu.enqueue_indirect_dma source(%dma_start3A_528 : memref<1000000x64xf32, #tpu.memory_space<hbm>>) target(%dma_start3A_522 : memref<100x64xf32, #tpu.memory_space<vmem>>) offsets(%dma_start3A_525 : memref<100xi32, #tpu.memory_space<vmem>>) semaphore(%arg9 : memref<!tpu.dma_semaphore, #tpu.memory_space<semaphore_mem>>)
        %mul3A_529 = arith.constant 2 : i32
        %mul3A_530 = arith.muli %mul3A_529, %add3A_304 : i32
        %add3A_531 = arith.constant 1 : i32
        %add3A_532 = arith.addi %mul3A_530, %add3A_531 : i32
        %dma_start3A_533 = arith.constant 1 : i32
        %dma_start3A_534 = arith.constant 1 : i32
        %dma_start3A_535 = arith.constant 0 : i32
        %dma_start3A_536 = arith.constant 0 : i32
        %dma_start3A_537 = tpu.memref_slice %arg6[%dma_start3A_533, %dma_start3A_534, %dma_start3A_535, %dma_start3A_536] : memref<4x2x100x64xf32, #tpu.memory_space<vmem>> -> memref<1x1x100x64xf32, #tpu.memory_space<vmem>>
        %dma_start3A_538 = tpu.memref_squeeze %dma_start3A_537 : memref<1x1x100x64xf32, #tpu.memory_space<vmem>> -> memref<100x64xf32, #tpu.memory_space<vmem>>
        %dma_start3A_539 = arith.constant 0 : i32
        %dma_start3A_540 = tpu.memref_slice %arg5[%add3A_532, %dma_start3A_539] : memref<256x100xi32, #tpu.memory_space<vmem>> -> memref<1x100xi32, #tpu.memory_space<vmem>>
        %dma_start3A_541 = tpu.memref_squeeze %dma_start3A_540 : memref<1x100xi32, #tpu.memory_space<vmem>> -> memref<100xi32, #tpu.memory_space<vmem>>
        %dma_start3A_542 = arith.constant 0 : i32
        %dma_start3A_543 = arith.constant 0 : i32
        %dma_start3A_544 = tpu.memref_slice %arg3[%dma_start3A_542, %dma_start3A_543] : memref<1000000x64xf32, #tpu.memory_space<hbm>> -> memref<1000000x64xf32, #tpu.memory_space<hbm>>
        tpu.enqueue_indirect_dma source(%dma_start3A_544 : memref<1000000x64xf32, #tpu.memory_space<hbm>>) target(%dma_start3A_538 : memref<100x64xf32, #tpu.memory_space<vmem>>) offsets(%dma_start3A_541 : memref<100xi32, #tpu.memory_space<vmem>>) semaphore(%arg9 : memref<!tpu.dma_semaphore, #tpu.memory_space<semaphore_mem>>)
      } else {
      }
      %mul3A_310 = arith.constant 4 : i32
      %mul3A_311 = arith.muli %mul3A_310, %scan3A_112 : i32
      %add3A_312 = arith.constant 2 : i32
      %add3A_313 = arith.addi %mul3A_311, %add3A_312 : i32
      %dma_wait3A_314 = arith.constant 2 : i32
      %dma_wait3A_315 = arith.constant 0 : i32
      %dma_wait3A_316 = arith.constant 0 : i32
      %dma_wait3A_317 = arith.constant 0 : i32
      %dma_wait3A_318 = tpu.memref_slice %arg6[%dma_wait3A_314, %dma_wait3A_315, %dma_wait3A_316, %dma_wait3A_317] : memref<4x2x100x64xf32, #tpu.memory_space<vmem>> -> memref<1x1x100x64xf32, #tpu.memory_space<vmem>>
      %dma_wait3A_319 = tpu.memref_squeeze %dma_wait3A_318 : memref<1x1x100x64xf32, #tpu.memory_space<vmem>> -> memref<100x64xf32, #tpu.memory_space<vmem>>
      %dma_wait3A_320 = arith.constant 0 : i32
      %dma_wait3A_321 = arith.constant 0 : i32
      %dma_wait3A_322 = tpu.memref_slice %arg3[%dma_wait3A_320, %dma_wait3A_321] : memref<1000000x64xf32, #tpu.memory_space<hbm>> -> memref<100x64xf32, #tpu.memory_space<hbm>>
      %dma_wait3A_323 = arith.constant 0 : i32
      %dma_wait3A_324 = arith.constant 0 : i32
      %dma_wait3A_325 = tpu.memref_slice %arg6[%dma_wait3A_314, %dma_wait3A_315, %dma_wait3A_323, %dma_wait3A_324] : memref<4x2x100x64xf32, #tpu.memory_space<vmem>> -> memref<1x1x100x64xf32, #tpu.memory_space<vmem>>
      %dma_wait3A_326 = tpu.memref_squeeze %dma_wait3A_325 : memref<1x1x100x64xf32, #tpu.memory_space<vmem>> -> memref<100x64xf32, #tpu.memory_space<vmem>>
      %dma_wait3A_327 = arith.constant 0 : i32
      %dma_wait3A_328 = arith.constant 0 : i32
      %dma_wait3A_329 = tpu.memref_slice %arg3[%dma_wait3A_327, %dma_wait3A_328] : memref<1000000x64xf32, #tpu.memory_space<hbm>> -> memref<100x64xf32, #tpu.memory_space<hbm>>
      tpu.wait_dma2 semaphore(%arg10 : memref<!tpu.dma_semaphore, #tpu.memory_space<semaphore_mem>>) src(%dma_wait3A_329 : memref<100x64xf32, #tpu.memory_space<hbm>>) dst(%dma_wait3A_326 : memref<100x64xf32, #tpu.memory_space<vmem>>)
      %dma_wait3A_330 = arith.constant 2 : i32
      %dma_wait3A_331 = arith.constant 1 : i32
      %dma_wait3A_332 = arith.constant 0 : i32
      %dma_wait3A_333 = arith.constant 0 : i32
      %dma_wait3A_334 = tpu.memref_slice %arg6[%dma_wait3A_330, %dma_wait3A_331, %dma_wait3A_332, %dma_wait3A_333] : memref<4x2x100x64xf32, #tpu.memory_space<vmem>> -> memref<1x1x100x64xf32, #tpu.memory_space<vmem>>
      %dma_wait3A_335 = tpu.memref_squeeze %dma_wait3A_334 : memref<1x1x100x64xf32, #tpu.memory_space<vmem>> -> memref<100x64xf32, #tpu.memory_space<vmem>>
      %dma_wait3A_336 = arith.constant 0 : i32
      %dma_wait3A_337 = arith.constant 0 : i32
      %dma_wait3A_338 = tpu.memref_slice %arg3[%dma_wait3A_336, %dma_wait3A_337] : memref<1000000x64xf32, #tpu.memory_space<hbm>> -> memref<100x64xf32, #tpu.memory_space<hbm>>
      %dma_wait3A_339 = arith.constant 0 : i32
      %dma_wait3A_340 = arith.constant 0 : i32
      %dma_wait3A_341 = tpu.memref_slice %arg6[%dma_wait3A_330, %dma_wait3A_331, %dma_wait3A_339, %dma_wait3A_340] : memref<4x2x100x64xf32, #tpu.memory_space<vmem>> -> memref<1x1x100x64xf32, #tpu.memory_space<vmem>>
      %dma_wait3A_342 = tpu.memref_squeeze %dma_wait3A_341 : memref<1x1x100x64xf32, #tpu.memory_space<vmem>> -> memref<100x64xf32, #tpu.memory_space<vmem>>
      %dma_wait3A_343 = arith.constant 0 : i32
      %dma_wait3A_344 = arith.constant 0 : i32
      %dma_wait3A_345 = tpu.memref_slice %arg3[%dma_wait3A_343, %dma_wait3A_344] : memref<1000000x64xf32, #tpu.memory_space<hbm>> -> memref<100x64xf32, #tpu.memory_space<hbm>>
      tpu.wait_dma2 semaphore(%arg10 : memref<!tpu.dma_semaphore, #tpu.memory_space<semaphore_mem>>) src(%dma_wait3A_345 : memref<100x64xf32, #tpu.memory_space<hbm>>) dst(%dma_wait3A_342 : memref<100x64xf32, #tpu.memory_space<vmem>>)
      %broadcast_in_dim3A_346 = arith.constant 0.000000e+00 : f32
      %broadcast_in_dim3A_347 = vector.broadcast %broadcast_in_dim3A_346 : f32 to vector<16xf32>
      %broadcast_in_dim3A_348 = arith.constant 0.000000e+00 : f32
      %broadcast_in_dim3A_349 = vector.broadcast %broadcast_in_dim3A_348 : f32 to vector<16xf32>
      %broadcast_in_dim3A_350 = arith.constant 0.000000e+00 : f32
      %broadcast_in_dim3A_351 = vector.broadcast %broadcast_in_dim3A_350 : f32 to vector<16xf32>
      %broadcast_in_dim3A_352 = arith.constant 0.000000e+00 : f32
      %broadcast_in_dim3A_353 = vector.broadcast %broadcast_in_dim3A_352 : f32 to vector<16xf32>
      %broadcast_in_dim3A_354 = arith.constant 0.000000e+00 : f32
      %broadcast_in_dim3A_355 = vector.broadcast %broadcast_in_dim3A_354 : f32 to vector<16xf32>
      %broadcast_in_dim3A_356 = arith.constant 0.000000e+00 : f32
      %broadcast_in_dim3A_357 = vector.broadcast %broadcast_in_dim3A_356 : f32 to vector<16xf32>
      %broadcast_in_dim3A_358 = arith.constant 0.000000e+00 : f32
      %broadcast_in_dim3A_359 = vector.broadcast %broadcast_in_dim3A_358 : f32 to vector<16xf32>
      %broadcast_in_dim3A_360 = arith.constant 0.000000e+00 : f32
      %broadcast_in_dim3A_361 = vector.broadcast %broadcast_in_dim3A_360 : f32 to vector<16xf32>
      %scan3A_362 = arith.constant 0 : i32
      %scan3A_363 = arith.constant 50 : i32
      %scan3A_364 = arith.addi %scan3A_362, %scan3A_363 : i32
      %scan3A_365 = arith.constant 1 : i32
      %scan3A_366:8 = scf.for %scan3A_513 = %scan3A_362 to %scan3A_364 step %scan3A_365 iter_args(%scan3A_514 = %broadcast_in_dim3A_347, %scan3A_515 = %broadcast_in_dim3A_349, %scan3A_516 = %broadcast_in_dim3A_351, %scan3A_517 = %broadcast_in_dim3A_353, %scan3A_518 = %broadcast_in_dim3A_355, %scan3A_519 = %broadcast_in_dim3A_357, %scan3A_520 = %broadcast_in_dim3A_359, %scan3A_521 = %broadcast_in_dim3A_361) -> (vector<16xf32>, vector<16xf32>, vector<16xf32>, vector<16xf32>, vector<16xf32>, vector<16xf32>, vector<16xf32>, vector<16xf32>)  : i32 {
        %mul3A_522 = arith.constant 2 : i32
        %mul3A_523 = arith.muli %mul3A_522, %scan3A_513 : i32
        %add3A_524 = arith.constant 0 : i32
        %add3A_525 = arith.addi %mul3A_523, %add3A_524 : i32
        %get3A = arith.constant 2 : i32
        %get3A_526 = arith.constant 0 : i32
        %get3A_527 = arith.index_cast %get3A : i32 to index
        %get3A_528 = arith.index_cast %get3A_526 : i32 to index
        %get3A_529 = arith.index_cast %add3A_525 : i32 to index
        %get3A_530 = arith.constant 0 : index
        %get3A_531 = tpu.vector_load %arg6[%get3A_527, %get3A_528, %get3A_529, %get3A_530] {strides = array<i32>} : memref<4x2x100x64xf32, #tpu.memory_space<vmem>>, vector<1x1x1x16xf32>,
        %get3A_532 = vector.shape_cast %get3A_531 : vector<1x1x1x16xf32> to vector<16xf32>
        %add3A_533 = arith.addf %scan3A_514, %get3A_532 : vector<16xf32>
        %mul3A_534 = arith.constant 2 : i32
        %mul3A_535 = arith.muli %mul3A_534, %scan3A_513 : i32
        %add3A_536 = arith.constant 0 : i32
        %add3A_537 = arith.addi %mul3A_535, %add3A_536 : i32
        %get3A_538 = arith.constant 2 : i32
        %get3A_539 = arith.constant 0 : i32
        %get3A_540 = arith.index_cast %get3A_538 : i32 to index
        %get3A_541 = arith.index_cast %get3A_539 : i32 to index
        %get3A_542 = arith.index_cast %add3A_537 : i32 to index
        %get3A_543 = arith.constant 16 : index
        %get3A_544 = tpu.vector_load %arg6[%get3A_540, %get3A_541, %get3A_542, %get3A_543] {strides = array<i32>} : memref<4x2x100x64xf32, #tpu.memory_space<vmem>>, vector<1x1x1x16xf32>,
        %get3A_545 = vector.shape_cast %get3A_544 : vector<1x1x1x16xf32> to vector<16xf32>
        %add3A_546 = arith.addf %scan3A_515, %get3A_545 : vector<16xf32>
        %mul3A_547 = arith.constant 2 : i32
        %mul3A_548 = arith.muli %mul3A_547, %scan3A_513 : i32
        %add3A_549 = arith.constant 0 : i32
        %add3A_550 = arith.addi %mul3A_548, %add3A_549 : i32
        %get3A_551 = arith.constant 2 : i32
        %get3A_552 = arith.constant 0 : i32
        %get3A_553 = arith.index_cast %get3A_551 : i32 to index
        %get3A_554 = arith.index_cast %get3A_552 : i32 to index
        %get3A_555 = arith.index_cast %add3A_550 : i32 to index
        %get3A_556 = arith.constant 32 : index
        %get3A_557 = tpu.vector_load %arg6[%get3A_553, %get3A_554, %get3A_555, %get3A_556] {strides = array<i32>} : memref<4x2x100x64xf32, #tpu.memory_space<vmem>>, vector<1x1x1x16xf32>,
        %get3A_558 = vector.shape_cast %get3A_557 : vector<1x1x1x16xf32> to vector<16xf32>
        %add3A_559 = arith.addf %scan3A_516, %get3A_558 : vector<16xf32>
        %mul3A_560 = arith.constant 2 : i32
        %mul3A_561 = arith.muli %mul3A_560, %scan3A_513 : i32
        %add3A_562 = arith.constant 0 : i32
        %add3A_563 = arith.addi %mul3A_561, %add3A_562 : i32
        %get3A_564 = arith.constant 2 : i32
        %get3A_565 = arith.constant 0 : i32
        %get3A_566 = arith.index_cast %get3A_564 : i32 to index
        %get3A_567 = arith.index_cast %get3A_565 : i32 to index
        %get3A_568 = arith.index_cast %add3A_563 : i32 to index
        %get3A_569 = arith.constant 48 : index
        %get3A_570 = tpu.vector_load %arg6[%get3A_566, %get3A_567, %get3A_568, %get3A_569] {strides = array<i32>} : memref<4x2x100x64xf32, #tpu.memory_space<vmem>>, vector<1x1x1x16xf32>,
        %get3A_571 = vector.shape_cast %get3A_570 : vector<1x1x1x16xf32> to vector<16xf32>
        %add3A_572 = arith.addf %scan3A_517, %get3A_571 : vector<16xf32>
        %mul3A_573 = arith.constant 2 : i32
        %mul3A_574 = arith.muli %mul3A_573, %scan3A_513 : i32
        %add3A_575 = arith.constant 0 : i32
        %add3A_576 = arith.addi %mul3A_574, %add3A_575 : i32
        %get3A_577 = arith.constant 2 : i32
        %get3A_578 = arith.constant 1 : i32
        %get3A_579 = arith.index_cast %get3A_577 : i32 to index
        %get3A_580 = arith.index_cast %get3A_578 : i32 to index
        %get3A_581 = arith.index_cast %add3A_576 : i32 to index
        %get3A_582 = arith.constant 0 : index
        %get3A_583 = tpu.vector_load %arg6[%get3A_579, %get3A_580, %get3A_581, %get3A_582] {strides = array<i32>} : memref<4x2x100x64xf32, #tpu.memory_space<vmem>>, vector<1x1x1x16xf32>,
        %get3A_584 = vector.shape_cast %get3A_583 : vector<1x1x1x16xf32> to vector<16xf32>
        %add3A_585 = arith.addf %scan3A_518, %get3A_584 : vector<16xf32>
        %mul3A_586 = arith.constant 2 : i32
        %mul3A_587 = arith.muli %mul3A_586, %scan3A_513 : i32
        %add3A_588 = arith.constant 0 : i32
        %add3A_589 = arith.addi %mul3A_587, %add3A_588 : i32
        %get3A_590 = arith.constant 2 : i32
        %get3A_591 = arith.constant 1 : i32
        %get3A_592 = arith.index_cast %get3A_590 : i32 to index
        %get3A_593 = arith.index_cast %get3A_591 : i32 to index
        %get3A_594 = arith.index_cast %add3A_589 : i32 to index
        %get3A_595 = arith.constant 16 : index
        %get3A_596 = tpu.vector_load %arg6[%get3A_592, %get3A_593, %get3A_594, %get3A_595] {strides = array<i32>} : memref<4x2x100x64xf32, #tpu.memory_space<vmem>>, vector<1x1x1x16xf32>,
        %get3A_597 = vector.shape_cast %get3A_596 : vector<1x1x1x16xf32> to vector<16xf32>
        %add3A_598 = arith.addf %scan3A_519, %get3A_597 : vector<16xf32>
        %mul3A_599 = arith.constant 2 : i32
        %mul3A_600 = arith.muli %mul3A_599, %scan3A_513 : i32
        %add3A_601 = arith.constant 0 : i32
        %add3A_602 = arith.addi %mul3A_600, %add3A_601 : i32
        %get3A_603 = arith.constant 2 : i32
        %get3A_604 = arith.constant 1 : i32
        %get3A_605 = arith.index_cast %get3A_603 : i32 to index
        %get3A_606 = arith.index_cast %get3A_604 : i32 to index
        %get3A_607 = arith.index_cast %add3A_602 : i32 to index
        %get3A_608 = arith.constant 32 : index
        %get3A_609 = tpu.vector_load %arg6[%get3A_605, %get3A_606, %get3A_607, %get3A_608] {strides = array<i32>} : memref<4x2x100x64xf32, #tpu.memory_space<vmem>>, vector<1x1x1x16xf32>,
        %get3A_610 = vector.shape_cast %get3A_609 : vector<1x1x1x16xf32> to vector<16xf32>
        %add3A_611 = arith.addf %scan3A_520, %get3A_610 : vector<16xf32>
        %mul3A_612 = arith.constant 2 : i32
        %mul3A_613 = arith.muli %mul3A_612, %scan3A_513 : i32
        %add3A_614 = arith.constant 0 : i32
        %add3A_615 = arith.addi %mul3A_613, %add3A_614 : i32
        %get3A_616 = arith.constant 2 : i32
        %get3A_617 = arith.constant 1 : i32
        %get3A_618 = arith.index_cast %get3A_616 : i32 to index
        %get3A_619 = arith.index_cast %get3A_617 : i32 to index
        %get3A_620 = arith.index_cast %add3A_615 : i32 to index
        %get3A_621 = arith.constant 48 : index
        %get3A_622 = tpu.vector_load %arg6[%get3A_618, %get3A_619, %get3A_620, %get3A_621] {strides = array<i32>} : memref<4x2x100x64xf32, #tpu.memory_space<vmem>>, vector<1x1x1x16xf32>,
        %get3A_623 = vector.shape_cast %get3A_622 : vector<1x1x1x16xf32> to vector<16xf32>
        %add3A_624 = arith.addf %scan3A_521, %get3A_623 : vector<16xf32>
        %mul3A_625 = arith.constant 2 : i32
        %mul3A_626 = arith.muli %mul3A_625, %scan3A_513 : i32
        %add3A_627 = arith.constant 1 : i32
        %add3A_628 = arith.addi %mul3A_626, %add3A_627 : i32
        %get3A_629 = arith.constant 2 : i32
        %get3A_630 = arith.constant 0 : i32
        %get3A_631 = arith.index_cast %get3A_629 : i32 to index
        %get3A_632 = arith.index_cast %get3A_630 : i32 to index
        %get3A_633 = arith.index_cast %add3A_628 : i32 to index
        %get3A_634 = arith.constant 0 : index
        %get3A_635 = tpu.vector_load %arg6[%get3A_631, %get3A_632, %get3A_633, %get3A_634] {strides = array<i32>} : memref<4x2x100x64xf32, #tpu.memory_space<vmem>>, vector<1x1x1x16xf32>,
        %get3A_636 = vector.shape_cast %get3A_635 : vector<1x1x1x16xf32> to vector<16xf32>
        %add3A_637 = arith.addf %add3A_533, %get3A_636 : vector<16xf32>
        %mul3A_638 = arith.constant 2 : i32
        %mul3A_639 = arith.muli %mul3A_638, %scan3A_513 : i32
        %add3A_640 = arith.constant 1 : i32
        %add3A_641 = arith.addi %mul3A_639, %add3A_640 : i32
        %get3A_642 = arith.constant 2 : i32
        %get3A_643 = arith.constant 0 : i32
        %get3A_644 = arith.index_cast %get3A_642 : i32 to index
        %get3A_645 = arith.index_cast %get3A_643 : i32 to index
        %get3A_646 = arith.index_cast %add3A_641 : i32 to index
        %get3A_647 = arith.constant 16 : index
        %get3A_648 = tpu.vector_load %arg6[%get3A_644, %get3A_645, %get3A_646, %get3A_647] {strides = array<i32>} : memref<4x2x100x64xf32, #tpu.memory_space<vmem>>, vector<1x1x1x16xf32>,
        %get3A_649 = vector.shape_cast %get3A_648 : vector<1x1x1x16xf32> to vector<16xf32>
        %add3A_650 = arith.addf %add3A_546, %get3A_649 : vector<16xf32>
        %mul3A_651 = arith.constant 2 : i32
        %mul3A_652 = arith.muli %mul3A_651, %scan3A_513 : i32
        %add3A_653 = arith.constant 1 : i32
        %add3A_654 = arith.addi %mul3A_652, %add3A_653 : i32
        %get3A_655 = arith.constant 2 : i32
        %get3A_656 = arith.constant 0 : i32
        %get3A_657 = arith.index_cast %get3A_655 : i32 to index
        %get3A_658 = arith.index_cast %get3A_656 : i32 to index
        %get3A_659 = arith.index_cast %add3A_654 : i32 to index
        %get3A_660 = arith.constant 32 : index
        %get3A_661 = tpu.vector_load %arg6[%get3A_657, %get3A_658, %get3A_659, %get3A_660] {strides = array<i32>} : memref<4x2x100x64xf32, #tpu.memory_space<vmem>>, vector<1x1x1x16xf32>,
        %get3A_662 = vector.shape_cast %get3A_661 : vector<1x1x1x16xf32> to vector<16xf32>
        %add3A_663 = arith.addf %add3A_559, %get3A_662 : vector<16xf32>
        %mul3A_664 = arith.constant 2 : i32
        %mul3A_665 = arith.muli %mul3A_664, %scan3A_513 : i32
        %add3A_666 = arith.constant 1 : i32
        %add3A_667 = arith.addi %mul3A_665, %add3A_666 : i32
        %get3A_668 = arith.constant 2 : i32
        %get3A_669 = arith.constant 0 : i32
        %get3A_670 = arith.index_cast %get3A_668 : i32 to index
        %get3A_671 = arith.index_cast %get3A_669 : i32 to index
        %get3A_672 = arith.index_cast %add3A_667 : i32 to index
        %get3A_673 = arith.constant 48 : index
        %get3A_674 = tpu.vector_load %arg6[%get3A_670, %get3A_671, %get3A_672, %get3A_673] {strides = array<i32>} : memref<4x2x100x64xf32, #tpu.memory_space<vmem>>, vector<1x1x1x16xf32>,
        %get3A_675 = vector.shape_cast %get3A_674 : vector<1x1x1x16xf32> to vector<16xf32>
        %add3A_676 = arith.addf %add3A_572, %get3A_675 : vector<16xf32>
        %mul3A_677 = arith.constant 2 : i32
        %mul3A_678 = arith.muli %mul3A_677, %scan3A_513 : i32
        %add3A_679 = arith.constant 1 : i32
        %add3A_680 = arith.addi %mul3A_678, %add3A_679 : i32
        %get3A_681 = arith.constant 2 : i32
        %get3A_682 = arith.constant 1 : i32
        %get3A_683 = arith.index_cast %get3A_681 : i32 to index
        %get3A_684 = arith.index_cast %get3A_682 : i32 to index
        %get3A_685 = arith.index_cast %add3A_680 : i32 to index
        %get3A_686 = arith.constant 0 : index
        %get3A_687 = tpu.vector_load %arg6[%get3A_683, %get3A_684, %get3A_685, %get3A_686] {strides = array<i32>} : memref<4x2x100x64xf32, #tpu.memory_space<vmem>>, vector<1x1x1x16xf32>,
        %get3A_688 = vector.shape_cast %get3A_687 : vector<1x1x1x16xf32> to vector<16xf32>
        %add3A_689 = arith.addf %add3A_585, %get3A_688 : vector<16xf32>
        %mul3A_690 = arith.constant 2 : i32
        %mul3A_691 = arith.muli %mul3A_690, %scan3A_513 : i32
        %add3A_692 = arith.constant 1 : i32
        %add3A_693 = arith.addi %mul3A_691, %add3A_692 : i32
        %get3A_694 = arith.constant 2 : i32
        %get3A_695 = arith.constant 1 : i32
        %get3A_696 = arith.index_cast %get3A_694 : i32 to index
        %get3A_697 = arith.index_cast %get3A_695 : i32 to index
        %get3A_698 = arith.index_cast %add3A_693 : i32 to index
        %get3A_699 = arith.constant 16 : index
        %get3A_700 = tpu.vector_load %arg6[%get3A_696, %get3A_697, %get3A_698, %get3A_699] {strides = array<i32>} : memref<4x2x100x64xf32, #tpu.memory_space<vmem>>, vector<1x1x1x16xf32>,
        %get3A_701 = vector.shape_cast %get3A_700 : vector<1x1x1x16xf32> to vector<16xf32>
        %add3A_702 = arith.addf %add3A_598, %get3A_701 : vector<16xf32>
        %mul3A_703 = arith.constant 2 : i32
        %mul3A_704 = arith.muli %mul3A_703, %scan3A_513 : i32
        %add3A_705 = arith.constant 1 : i32
        %add3A_706 = arith.addi %mul3A_704, %add3A_705 : i32
        %get3A_707 = arith.constant 2 : i32
        %get3A_708 = arith.constant 1 : i32
        %get3A_709 = arith.index_cast %get3A_707 : i32 to index
        %get3A_710 = arith.index_cast %get3A_708 : i32 to index
        %get3A_711 = arith.index_cast %add3A_706 : i32 to index
        %get3A_712 = arith.constant 32 : index
        %get3A_713 = tpu.vector_load %arg6[%get3A_709, %get3A_710, %get3A_711, %get3A_712] {strides = array<i32>} : memref<4x2x100x64xf32, #tpu.memory_space<vmem>>, vector<1x1x1x16xf32>,
        %get3A_714 = vector.shape_cast %get3A_713 : vector<1x1x1x16xf32> to vector<16xf32>
        %add3A_715 = arith.addf %add3A_611, %get3A_714 : vector<16xf32>
        %mul3A_716 = arith.constant 2 : i32
        %mul3A_717 = arith.muli %mul3A_716, %scan3A_513 : i32
        %add3A_718 = arith.constant 1 : i32
        %add3A_719 = arith.addi %mul3A_717, %add3A_718 : i32
        %get3A_720 = arith.constant 2 : i32
        %get3A_721 = arith.constant 1 : i32
        %get3A_722 = arith.index_cast %get3A_720 : i32 to index
        %get3A_723 = arith.index_cast %get3A_721 : i32 to index
        %get3A_724 = arith.index_cast %add3A_719 : i32 to index
        %get3A_725 = arith.constant 48 : index
        %get3A_726 = tpu.vector_load %arg6[%get3A_722, %get3A_723, %get3A_724, %get3A_725] {strides = array<i32>} : memref<4x2x100x64xf32, #tpu.memory_space<vmem>>, vector<1x1x1x16xf32>,
        %get3A_727 = vector.shape_cast %get3A_726 : vector<1x1x1x16xf32> to vector<16xf32>
        %add3A_728 = arith.addf %add3A_624, %get3A_727 : vector<16xf32>
        scf.yield %add3A_637, %add3A_650, %add3A_663, %add3A_676, %add3A_689, %add3A_702, %add3A_715, %add3A_728 : vector<16xf32>, vector<16xf32>, vector<16xf32>, vector<16xf32>, vector<16xf32>, vector<16xf32>, vector<16xf32>, vector<16xf32>
      }
      %scan3A_367 = arith.constant 50 : i32
      %add3A_368 = arith.addf %scan3A_366#0, %scan3A_366#4 : vector<16xf32>
      %mul3A_369 = arith.constant 5.000000e-03 : f32
      %mul3A_370 = vector.broadcast %mul3A_369 : f32 to vector<16xf32>
      %mul3A_371 = arith.mulf %add3A_368, %mul3A_370 : vector<16xf32>
      %swap3A_372 = arith.index_cast %add3A_313 : i32 to index
      %swap3A_373 = arith.constant 0 : index
      %swap3A_374 = tpu.vector_load %arg7[%swap3A_372, %swap3A_373] {strides = array<i32>} : memref<128x64xf32, #tpu.memory_space<vmem>>, vector<1x16xf32>,
      %swap3A_375 = vector.shape_cast %swap3A_374 : vector<1x16xf32> to vector<16xf32>
      %swap3A_376 = vector.shape_cast %mul3A_371 : vector<16xf32> to vector<1x16xf32>
      tpu.vector_store %arg7[%swap3A_372, %swap3A_373], %swap3A_376 {strides = array<i32>} : memref<128x64xf32, #tpu.memory_space<vmem>>, vector<1x16xf32>,
      %add3A_377 = arith.addf %scan3A_366#1, %scan3A_366#5 : vector<16xf32>
      %mul3A_378 = arith.constant 5.000000e-03 : f32
      %mul3A_379 = vector.broadcast %mul3A_378 : f32 to vector<16xf32>
      %mul3A_380 = arith.mulf %add3A_377, %mul3A_379 : vector<16xf32>
      %swap3A_381 = arith.index_cast %add3A_313 : i32 to index
      %swap3A_382 = arith.constant 16 : index
      %swap3A_383 = tpu.vector_load %arg7[%swap3A_381, %swap3A_382] {strides = array<i32>} : memref<128x64xf32, #tpu.memory_space<vmem>>, vector<1x16xf32>,
      %swap3A_384 = vector.shape_cast %swap3A_383 : vector<1x16xf32> to vector<16xf32>
      %swap3A_385 = vector.shape_cast %mul3A_380 : vector<16xf32> to vector<1x16xf32>
      tpu.vector_store %arg7[%swap3A_381, %swap3A_382], %swap3A_385 {strides = array<i32>} : memref<128x64xf32, #tpu.memory_space<vmem>>, vector<1x16xf32>,
      %add3A_386 = arith.addf %scan3A_366#2, %scan3A_366#6 : vector<16xf32>
      %mul3A_387 = arith.constant 5.000000e-03 : f32
      %mul3A_388 = vector.broadcast %mul3A_387 : f32 to vector<16xf32>
      %mul3A_389 = arith.mulf %add3A_386, %mul3A_388 : vector<16xf32>
      %swap3A_390 = arith.index_cast %add3A_313 : i32 to index
      %swap3A_391 = arith.constant 32 : index
      %swap3A_392 = tpu.vector_load %arg7[%swap3A_390, %swap3A_391] {strides = array<i32>} : memref<128x64xf32, #tpu.memory_space<vmem>>, vector<1x16xf32>,
      %swap3A_393 = vector.shape_cast %swap3A_392 : vector<1x16xf32> to vector<16xf32>
      %swap3A_394 = vector.shape_cast %mul3A_389 : vector<16xf32> to vector<1x16xf32>
      tpu.vector_store %arg7[%swap3A_390, %swap3A_391], %swap3A_394 {strides = array<i32>} : memref<128x64xf32, #tpu.memory_space<vmem>>, vector<1x16xf32>,
      %add3A_395 = arith.addf %scan3A_366#3, %scan3A_366#7 : vector<16xf32>
      %mul3A_396 = arith.constant 5.000000e-03 : f32
      %mul3A_397 = vector.broadcast %mul3A_396 : f32 to vector<16xf32>
      %mul3A_398 = arith.mulf %add3A_395, %mul3A_397 : vector<16xf32>
      %swap3A_399 = arith.index_cast %add3A_313 : i32 to index
      %swap3A_400 = arith.constant 48 : index
      %swap3A_401 = tpu.vector_load %arg7[%swap3A_399, %swap3A_400] {strides = array<i32>} : memref<128x64xf32, #tpu.memory_space<vmem>>, vector<1x16xf32>,
      %swap3A_402 = vector.shape_cast %swap3A_401 : vector<1x16xf32> to vector<16xf32>
      %swap3A_403 = vector.shape_cast %mul3A_398 : vector<16xf32> to vector<1x16xf32>
      tpu.vector_store %arg7[%swap3A_399, %swap3A_400], %swap3A_403 {strides = array<i32>} : memref<128x64xf32, #tpu.memory_space<vmem>>, vector<1x16xf32>,
      %add3A_404 = arith.constant 4 : i32
      %add3A_405 = arith.addi %add3A_313, %add3A_404 : i32
      %lt3A_406 = arith.constant 128 : i32
      %lt3A_407 = arith.cmpi slt, %add3A_405, %lt3A_406 : i32
      %convert_element_type3A_408 = arith.extui %lt3A_407 : i1 to i32
      %cond3A_409 = arith.constant 0 : i32
      %cond3A_410 = arith.cmpi ne, %convert_element_type3A_408, %cond3A_409 : i32
      scf.if %cond3A_410 {
        %mul3A_513 = arith.constant 2 : i32
        %mul3A_514 = arith.muli %mul3A_513, %add3A_405 : i32
        %add3A_515 = arith.constant 0 : i32
        %add3A_516 = arith.addi %mul3A_514, %add3A_515 : i32
        %dma_start3A_517 = arith.constant 2 : i32
        %dma_start3A_518 = arith.constant 0 : i32
        %dma_start3A_519 = arith.constant 0 : i32
        %dma_start3A_520 = arith.constant 0 : i32
        %dma_start3A_521 = tpu.memref_slice %arg6[%dma_start3A_517, %dma_start3A_518, %dma_start3A_519, %dma_start3A_520] : memref<4x2x100x64xf32, #tpu.memory_space<vmem>> -> memref<1x1x100x64xf32, #tpu.memory_space<vmem>>
        %dma_start3A_522 = tpu.memref_squeeze %dma_start3A_521 : memref<1x1x100x64xf32, #tpu.memory_space<vmem>> -> memref<100x64xf32, #tpu.memory_space<vmem>>
        %dma_start3A_523 = arith.constant 0 : i32
        %dma_start3A_524 = tpu.memref_slice %arg5[%add3A_516, %dma_start3A_523] : memref<256x100xi32, #tpu.memory_space<vmem>> -> memref<1x100xi32, #tpu.memory_space<vmem>>
        %dma_start3A_525 = tpu.memref_squeeze %dma_start3A_524 : memref<1x100xi32, #tpu.memory_space<vmem>> -> memref<100xi32, #tpu.memory_space<vmem>>
        %dma_start3A_526 = arith.constant 0 : i32
        %dma_start3A_527 = arith.constant 0 : i32
        %dma_start3A_528 = tpu.memref_slice %arg3[%dma_start3A_526, %dma_start3A_527] : memref<1000000x64xf32, #tpu.memory_space<hbm>> -> memref<1000000x64xf32, #tpu.memory_space<hbm>>
        tpu.enqueue_indirect_dma source(%dma_start3A_528 : memref<1000000x64xf32, #tpu.memory_space<hbm>>) target(%dma_start3A_522 : memref<100x64xf32, #tpu.memory_space<vmem>>) offsets(%dma_start3A_525 : memref<100xi32, #tpu.memory_space<vmem>>) semaphore(%arg10 : memref<!tpu.dma_semaphore, #tpu.memory_space<semaphore_mem>>)
        %mul3A_529 = arith.constant 2 : i32
        %mul3A_530 = arith.muli %mul3A_529, %add3A_405 : i32
        %add3A_531 = arith.constant 1 : i32
        %add3A_532 = arith.addi %mul3A_530, %add3A_531 : i32
        %dma_start3A_533 = arith.constant 2 : i32
        %dma_start3A_534 = arith.constant 1 : i32
        %dma_start3A_535 = arith.constant 0 : i32
        %dma_start3A_536 = arith.constant 0 : i32
        %dma_start3A_537 = tpu.memref_slice %arg6[%dma_start3A_533, %dma_start3A_534, %dma_start3A_535, %dma_start3A_536] : memref<4x2x100x64xf32, #tpu.memory_space<vmem>> -> memref<1x1x100x64xf32, #tpu.memory_space<vmem>>
        %dma_start3A_538 = tpu.memref_squeeze %dma_start3A_537 : memref<1x1x100x64xf32, #tpu.memory_space<vmem>> -> memref<100x64xf32, #tpu.memory_space<vmem>>
        %dma_start3A_539 = arith.constant 0 : i32
        %dma_start3A_540 = tpu.memref_slice %arg5[%add3A_532, %dma_start3A_539] : memref<256x100xi32, #tpu.memory_space<vmem>> -> memref<1x100xi32, #tpu.memory_space<vmem>>
        %dma_start3A_541 = tpu.memref_squeeze %dma_start3A_540 : memref<1x100xi32, #tpu.memory_space<vmem>> -> memref<100xi32, #tpu.memory_space<vmem>>
        %dma_start3A_542 = arith.constant 0 : i32
        %dma_start3A_543 = arith.constant 0 : i32
        %dma_start3A_544 = tpu.memref_slice %arg3[%dma_start3A_542, %dma_start3A_543] : memref<1000000x64xf32, #tpu.memory_space<hbm>> -> memref<1000000x64xf32, #tpu.memory_space<hbm>>
        tpu.enqueue_indirect_dma source(%dma_start3A_544 : memref<1000000x64xf32, #tpu.memory_space<hbm>>) target(%dma_start3A_538 : memref<100x64xf32, #tpu.memory_space<vmem>>) offsets(%dma_start3A_541 : memref<100xi32, #tpu.memory_space<vmem>>) semaphore(%arg10 : memref<!tpu.dma_semaphore, #tpu.memory_space<semaphore_mem>>)
      } else {
      }
      %mul3A_411 = arith.constant 4 : i32
      %mul3A_412 = arith.muli %mul3A_411, %scan3A_112 : i32
      %add3A_413 = arith.constant 3 : i32
      %add3A_414 = arith.addi %mul3A_412, %add3A_413 : i32
      %dma_wait3A_415 = arith.constant 3 : i32
      %dma_wait3A_416 = arith.constant 0 : i32
      %dma_wait3A_417 = arith.constant 0 : i32
      %dma_wait3A_418 = arith.constant 0 : i32
      %dma_wait3A_419 = tpu.memref_slice %arg6[%dma_wait3A_415, %dma_wait3A_416, %dma_wait3A_417, %dma_wait3A_418] : memref<4x2x100x64xf32, #tpu.memory_space<vmem>> -> memref<1x1x100x64xf32, #tpu.memory_space<vmem>>
      %dma_wait3A_420 = tpu.memref_squeeze %dma_wait3A_419 : memref<1x1x100x64xf32, #tpu.memory_space<vmem>> -> memref<100x64xf32, #tpu.memory_space<vmem>>
      %dma_wait3A_421 = arith.constant 0 : i32
      %dma_wait3A_422 = arith.constant 0 : i32
      %dma_wait3A_423 = tpu.memref_slice %arg3[%dma_wait3A_421, %dma_wait3A_422] : memref<1000000x64xf32, #tpu.memory_space<hbm>> -> memref<100x64xf32, #tpu.memory_space<hbm>>
      %dma_wait3A_424 = arith.constant 0 : i32
      %dma_wait3A_425 = arith.constant 0 : i32
      %dma_wait3A_426 = tpu.memref_slice %arg6[%dma_wait3A_415, %dma_wait3A_416, %dma_wait3A_424, %dma_wait3A_425] : memref<4x2x100x64xf32, #tpu.memory_space<vmem>> -> memref<1x1x100x64xf32, #tpu.memory_space<vmem>>
      %dma_wait3A_427 = tpu.memref_squeeze %dma_wait3A_426 : memref<1x1x100x64xf32, #tpu.memory_space<vmem>> -> memref<100x64xf32, #tpu.memory_space<vmem>>
      %dma_wait3A_428 = arith.constant 0 : i32
      %dma_wait3A_429 = arith.constant 0 : i32
      %dma_wait3A_430 = tpu.memref_slice %arg3[%dma_wait3A_428, %dma_wait3A_429] : memref<1000000x64xf32, #tpu.memory_space<hbm>> -> memref<100x64xf32, #tpu.memory_space<hbm>>
      tpu.wait_dma2 semaphore(%arg11 : memref<!tpu.dma_semaphore, #tpu.memory_space<semaphore_mem>>) src(%dma_wait3A_430 : memref<100x64xf32, #tpu.memory_space<hbm>>) dst(%dma_wait3A_427 : memref<100x64xf32, #tpu.memory_space<vmem>>)
      %dma_wait3A_431 = arith.constant 3 : i32
      %dma_wait3A_432 = arith.constant 1 : i32
      %dma_wait3A_433 = arith.constant 0 : i32
      %dma_wait3A_434 = arith.constant 0 : i32
      %dma_wait3A_435 = tpu.memref_slice %arg6[%dma_wait3A_431, %dma_wait3A_432, %dma_wait3A_433, %dma_wait3A_434] : memref<4x2x100x64xf32, #tpu.memory_space<vmem>> -> memref<1x1x100x64xf32, #tpu.memory_space<vmem>>
      %dma_wait3A_436 = tpu.memref_squeeze %dma_wait3A_435 : memref<1x1x100x64xf32, #tpu.memory_space<vmem>> -> memref<100x64xf32, #tpu.memory_space<vmem>>
      %dma_wait3A_437 = arith.constant 0 : i32
      %dma_wait3A_438 = arith.constant 0 : i32
      %dma_wait3A_439 = tpu.memref_slice %arg3[%dma_wait3A_437, %dma_wait3A_438] : memref<1000000x64xf32, #tpu.memory_space<hbm>> -> memref<100x64xf32, #tpu.memory_space<hbm>>
      %dma_wait3A_440 = arith.constant 0 : i32
      %dma_wait3A_441 = arith.constant 0 : i32
      %dma_wait3A_442 = tpu.memref_slice %arg6[%dma_wait3A_431, %dma_wait3A_432, %dma_wait3A_440, %dma_wait3A_441] : memref<4x2x100x64xf32, #tpu.memory_space<vmem>> -> memref<1x1x100x64xf32, #tpu.memory_space<vmem>>
      %dma_wait3A_443 = tpu.memref_squeeze %dma_wait3A_442 : memref<1x1x100x64xf32, #tpu.memory_space<vmem>> -> memref<100x64xf32, #tpu.memory_space<vmem>>
      %dma_wait3A_444 = arith.constant 0 : i32
      %dma_wait3A_445 = arith.constant 0 : i32
      %dma_wait3A_446 = tpu.memref_slice %arg3[%dma_wait3A_444, %dma_wait3A_445] : memref<1000000x64xf32, #tpu.memory_space<hbm>> -> memref<100x64xf32, #tpu.memory_space<hbm>>
      tpu.wait_dma2 semaphore(%arg11 : memref<!tpu.dma_semaphore, #tpu.memory_space<semaphore_mem>>) src(%dma_wait3A_446 : memref<100x64xf32, #tpu.memory_space<hbm>>) dst(%dma_wait3A_443 : memref<100x64xf32, #tpu.memory_space<vmem>>)
      %broadcast_in_dim3A_447 = arith.constant 0.000000e+00 : f32
      %broadcast_in_dim3A_448 = vector.broadcast %broadcast_in_dim3A_447 : f32 to vector<16xf32>
      %broadcast_in_dim3A_449 = arith.constant 0.000000e+00 : f32
      %broadcast_in_dim3A_450 = vector.broadcast %broadcast_in_dim3A_449 : f32 to vector<16xf32>
      %broadcast_in_dim3A_451 = arith.constant 0.000000e+00 : f32
      %broadcast_in_dim3A_452 = vector.broadcast %broadcast_in_dim3A_451 : f32 to vector<16xf32>
      %broadcast_in_dim3A_453 = arith.constant 0.000000e+00 : f32
      %broadcast_in_dim3A_454 = vector.broadcast %broadcast_in_dim3A_453 : f32 to vector<16xf32>
      %broadcast_in_dim3A_455 = arith.constant 0.000000e+00 : f32
      %broadcast_in_dim3A_456 = vector.broadcast %broadcast_in_dim3A_455 : f32 to vector<16xf32>
      %broadcast_in_dim3A_457 = arith.constant 0.000000e+00 : f32
      %broadcast_in_dim3A_458 = vector.broadcast %broadcast_in_dim3A_457 : f32 to vector<16xf32>
      %broadcast_in_dim3A_459 = arith.constant 0.000000e+00 : f32
      %broadcast_in_dim3A_460 = vector.broadcast %broadcast_in_dim3A_459 : f32 to vector<16xf32>
      %broadcast_in_dim3A_461 = arith.constant 0.000000e+00 : f32
      %broadcast_in_dim3A_462 = vector.broadcast %broadcast_in_dim3A_461 : f32 to vector<16xf32>
      %scan3A_463 = arith.constant 0 : i32
      %scan3A_464 = arith.constant 50 : i32
      %scan3A_465 = arith.addi %scan3A_463, %scan3A_464 : i32
      %scan3A_466 = arith.constant 1 : i32
      %scan3A_467:8 = scf.for %scan3A_513 = %scan3A_463 to %scan3A_465 step %scan3A_466 iter_args(%scan3A_514 = %broadcast_in_dim3A_448, %scan3A_515 = %broadcast_in_dim3A_450, %scan3A_516 = %broadcast_in_dim3A_452, %scan3A_517 = %broadcast_in_dim3A_454, %scan3A_518 = %broadcast_in_dim3A_456, %scan3A_519 = %broadcast_in_dim3A_458, %scan3A_520 = %broadcast_in_dim3A_460, %scan3A_521 = %broadcast_in_dim3A_462) -> (vector<16xf32>, vector<16xf32>, vector<16xf32>, vector<16xf32>, vector<16xf32>, vector<16xf32>, vector<16xf32>, vector<16xf32>)  : i32 {
        %mul3A_522 = arith.constant 2 : i32
        %mul3A_523 = arith.muli %mul3A_522, %scan3A_513 : i32
        %add3A_524 = arith.constant 0 : i32
        %add3A_525 = arith.addi %mul3A_523, %add3A_524 : i32
        %get3A = arith.constant 3 : i32
        %get3A_526 = arith.constant 0 : i32
        %get3A_527 = arith.index_cast %get3A : i32 to index
        %get3A_528 = arith.index_cast %get3A_526 : i32 to index
        %get3A_529 = arith.index_cast %add3A_525 : i32 to index
        %get3A_530 = arith.constant 0 : index
        %get3A_531 = tpu.vector_load %arg6[%get3A_527, %get3A_528, %get3A_529, %get3A_530] {strides = array<i32>} : memref<4x2x100x64xf32, #tpu.memory_space<vmem>>, vector<1x1x1x16xf32>,
        %get3A_532 = vector.shape_cast %get3A_531 : vector<1x1x1x16xf32> to vector<16xf32>
        %add3A_533 = arith.addf %scan3A_514, %get3A_532 : vector<16xf32>
        %mul3A_534 = arith.constant 2 : i32
        %mul3A_535 = arith.muli %mul3A_534, %scan3A_513 : i32
        %add3A_536 = arith.constant 0 : i32
        %add3A_537 = arith.addi %mul3A_535, %add3A_536 : i32
        %get3A_538 = arith.constant 3 : i32
        %get3A_539 = arith.constant 0 : i32
        %get3A_540 = arith.index_cast %get3A_538 : i32 to index
        %get3A_541 = arith.index_cast %get3A_539 : i32 to index
        %get3A_542 = arith.index_cast %add3A_537 : i32 to index
        %get3A_543 = arith.constant 16 : index
        %get3A_544 = tpu.vector_load %arg6[%get3A_540, %get3A_541, %get3A_542, %get3A_543] {strides = array<i32>} : memref<4x2x100x64xf32, #tpu.memory_space<vmem>>, vector<1x1x1x16xf32>,
        %get3A_545 = vector.shape_cast %get3A_544 : vector<1x1x1x16xf32> to vector<16xf32>
        %add3A_546 = arith.addf %scan3A_515, %get3A_545 : vector<16xf32>
        %mul3A_547 = arith.constant 2 : i32
        %mul3A_548 = arith.muli %mul3A_547, %scan3A_513 : i32
        %add3A_549 = arith.constant 0 : i32
        %add3A_550 = arith.addi %mul3A_548, %add3A_549 : i32
        %get3A_551 = arith.constant 3 : i32
        %get3A_552 = arith.constant 0 : i32
        %get3A_553 = arith.index_cast %get3A_551 : i32 to index
        %get3A_554 = arith.index_cast %get3A_552 : i32 to index
        %get3A_555 = arith.index_cast %add3A_550 : i32 to index
        %get3A_556 = arith.constant 32 : index
        %get3A_557 = tpu.vector_load %arg6[%get3A_553, %get3A_554, %get3A_555, %get3A_556] {strides = array<i32>} : memref<4x2x100x64xf32, #tpu.memory_space<vmem>>, vector<1x1x1x16xf32>,
        %get3A_558 = vector.shape_cast %get3A_557 : vector<1x1x1x16xf32> to vector<16xf32>
        %add3A_559 = arith.addf %scan3A_516, %get3A_558 : vector<16xf32>
        %mul3A_560 = arith.constant 2 : i32
        %mul3A_561 = arith.muli %mul3A_560, %scan3A_513 : i32
        %add3A_562 = arith.constant 0 : i32
        %add3A_563 = arith.addi %mul3A_561, %add3A_562 : i32
        %get3A_564 = arith.constant 3 : i32
        %get3A_565 = arith.constant 0 : i32
        %get3A_566 = arith.index_cast %get3A_564 : i32 to index
        %get3A_567 = arith.index_cast %get3A_565 : i32 to index
        %get3A_568 = arith.index_cast %add3A_563 : i32 to index
        %get3A_569 = arith.constant 48 : index
        %get3A_570 = tpu.vector_load %arg6[%get3A_566, %get3A_567, %get3A_568, %get3A_569] {strides = array<i32>} : memref<4x2x100x64xf32, #tpu.memory_space<vmem>>, vector<1x1x1x16xf32>,
        %get3A_571 = vector.shape_cast %get3A_570 : vector<1x1x1x16xf32> to vector<16xf32>
        %add3A_572 = arith.addf %scan3A_517, %get3A_571 : vector<16xf32>
        %mul3A_573 = arith.constant 2 : i32
        %mul3A_574 = arith.muli %mul3A_573, %scan3A_513 : i32
        %add3A_575 = arith.constant 0 : i32
        %add3A_576 = arith.addi %mul3A_574, %add3A_575 : i32
        %get3A_577 = arith.constant 3 : i32
        %get3A_578 = arith.constant 1 : i32
        %get3A_579 = arith.index_cast %get3A_577 : i32 to index
        %get3A_580 = arith.index_cast %get3A_578 : i32 to index
        %get3A_581 = arith.index_cast %add3A_576 : i32 to index
        %get3A_582 = arith.constant 0 : index
        %get3A_583 = tpu.vector_load %arg6[%get3A_579, %get3A_580, %get3A_581, %get3A_582] {strides = array<i32>} : memref<4x2x100x64xf32, #tpu.memory_space<vmem>>, vector<1x1x1x16xf32>,
        %get3A_584 = vector.shape_cast %get3A_583 : vector<1x1x1x16xf32> to vector<16xf32>
        %add3A_585 = arith.addf %scan3A_518, %get3A_584 : vector<16xf32>
        %mul3A_586 = arith.constant 2 : i32
        %mul3A_587 = arith.muli %mul3A_586, %scan3A_513 : i32
        %add3A_588 = arith.constant 0 : i32
        %add3A_589 = arith.addi %mul3A_587, %add3A_588 : i32
        %get3A_590 = arith.constant 3 : i32
        %get3A_591 = arith.constant 1 : i32
        %get3A_592 = arith.index_cast %get3A_590 : i32 to index
        %get3A_593 = arith.index_cast %get3A_591 : i32 to index
        %get3A_594 = arith.index_cast %add3A_589 : i32 to index
        %get3A_595 = arith.constant 16 : index
        %get3A_596 = tpu.vector_load %arg6[%get3A_592, %get3A_593, %get3A_594, %get3A_595] {strides = array<i32>} : memref<4x2x100x64xf32, #tpu.memory_space<vmem>>, vector<1x1x1x16xf32>,
        %get3A_597 = vector.shape_cast %get3A_596 : vector<1x1x1x16xf32> to vector<16xf32>
        %add3A_598 = arith.addf %scan3A_519, %get3A_597 : vector<16xf32>
        %mul3A_599 = arith.constant 2 : i32
        %mul3A_600 = arith.muli %mul3A_599, %scan3A_513 : i32
        %add3A_601 = arith.constant 0 : i32
        %add3A_602 = arith.addi %mul3A_600, %add3A_601 : i32
        %get3A_603 = arith.constant 3 : i32
        %get3A_604 = arith.constant 1 : i32
        %get3A_605 = arith.index_cast %get3A_603 : i32 to index
        %get3A_606 = arith.index_cast %get3A_604 : i32 to index
        %get3A_607 = arith.index_cast %add3A_602 : i32 to index
        %get3A_608 = arith.constant 32 : index
        %get3A_609 = tpu.vector_load %arg6[%get3A_605, %get3A_606, %get3A_607, %get3A_608] {strides = array<i32>} : memref<4x2x100x64xf32, #tpu.memory_space<vmem>>, vector<1x1x1x16xf32>,
        %get3A_610 = vector.shape_cast %get3A_609 : vector<1x1x1x16xf32> to vector<16xf32>
        %add3A_611 = arith.addf %scan3A_520, %get3A_610 : vector<16xf32>
        %mul3A_612 = arith.constant 2 : i32
        %mul3A_613 = arith.muli %mul3A_612, %scan3A_513 : i32
        %add3A_614 = arith.constant 0 : i32
        %add3A_615 = arith.addi %mul3A_613, %add3A_614 : i32
        %get3A_616 = arith.constant 3 : i32
        %get3A_617 = arith.constant 1 : i32
        %get3A_618 = arith.index_cast %get3A_616 : i32 to index
        %get3A_619 = arith.index_cast %get3A_617 : i32 to index
        %get3A_620 = arith.index_cast %add3A_615 : i32 to index
        %get3A_621 = arith.constant 48 : index
        %get3A_622 = tpu.vector_load %arg6[%get3A_618, %get3A_619, %get3A_620, %get3A_621] {strides = array<i32>} : memref<4x2x100x64xf32, #tpu.memory_space<vmem>>, vector<1x1x1x16xf32>,
        %get3A_623 = vector.shape_cast %get3A_622 : vector<1x1x1x16xf32> to vector<16xf32>
        %add3A_624 = arith.addf %scan3A_521, %get3A_623 : vector<16xf32>
        %mul3A_625 = arith.constant 2 : i32
        %mul3A_626 = arith.muli %mul3A_625, %scan3A_513 : i32
        %add3A_627 = arith.constant 1 : i32
        %add3A_628 = arith.addi %mul3A_626, %add3A_627 : i32
        %get3A_629 = arith.constant 3 : i32
        %get3A_630 = arith.constant 0 : i32
        %get3A_631 = arith.index_cast %get3A_629 : i32 to index
        %get3A_632 = arith.index_cast %get3A_630 : i32 to index
        %get3A_633 = arith.index_cast %add3A_628 : i32 to index
        %get3A_634 = arith.constant 0 : index
        %get3A_635 = tpu.vector_load %arg6[%get3A_631, %get3A_632, %get3A_633, %get3A_634] {strides = array<i32>} : memref<4x2x100x64xf32, #tpu.memory_space<vmem>>, vector<1x1x1x16xf32>,
        %get3A_636 = vector.shape_cast %get3A_635 : vector<1x1x1x16xf32> to vector<16xf32>
        %add3A_637 = arith.addf %add3A_533, %get3A_636 : vector<16xf32>
        %mul3A_638 = arith.constant 2 : i32
        %mul3A_639 = arith.muli %mul3A_638, %scan3A_513 : i32
        %add3A_640 = arith.constant 1 : i32
        %add3A_641 = arith.addi %mul3A_639, %add3A_640 : i32
        %get3A_642 = arith.constant 3 : i32
        %get3A_643 = arith.constant 0 : i32
        %get3A_644 = arith.index_cast %get3A_642 : i32 to index
        %get3A_645 = arith.index_cast %get3A_643 : i32 to index
        %get3A_646 = arith.index_cast %add3A_641 : i32 to index
        %get3A_647 = arith.constant 16 : index
        %get3A_648 = tpu.vector_load %arg6[%get3A_644, %get3A_645, %get3A_646, %get3A_647] {strides = array<i32>} : memref<4x2x100x64xf32, #tpu.memory_space<vmem>>, vector<1x1x1x16xf32>,
        %get3A_649 = vector.shape_cast %get3A_648 : vector<1x1x1x16xf32> to vector<16xf32>
        %add3A_650 = arith.addf %add3A_546, %get3A_649 : vector<16xf32>
        %mul3A_651 = arith.constant 2 : i32
        %mul3A_652 = arith.muli %mul3A_651, %scan3A_513 : i32
        %add3A_653 = arith.constant 1 : i32
        %add3A_654 = arith.addi %mul3A_652, %add3A_653 : i32
        %get3A_655 = arith.constant 3 : i32
        %get3A_656 = arith.constant 0 : i32
        %get3A_657 = arith.index_cast %get3A_655 : i32 to index
        %get3A_658 = arith.index_cast %get3A_656 : i32 to index
        %get3A_659 = arith.index_cast %add3A_654 : i32 to index
        %get3A_660 = arith.constant 32 : index
        %get3A_661 = tpu.vector_load %arg6[%get3A_657, %get3A_658, %get3A_659, %get3A_660] {strides = array<i32>} : memref<4x2x100x64xf32, #tpu.memory_space<vmem>>, vector<1x1x1x16xf32>,
        %get3A_662 = vector.shape_cast %get3A_661 : vector<1x1x1x16xf32> to vector<16xf32>
        %add3A_663 = arith.addf %add3A_559, %get3A_662 : vector<16xf32>
        %mul3A_664 = arith.constant 2 : i32
        %mul3A_665 = arith.muli %mul3A_664, %scan3A_513 : i32
        %add3A_666 = arith.constant 1 : i32
        %add3A_667 = arith.addi %mul3A_665, %add3A_666 : i32
        %get3A_668 = arith.constant 3 : i32
        %get3A_669 = arith.constant 0 : i32
        %get3A_670 = arith.index_cast %get3A_668 : i32 to index
        %get3A_671 = arith.index_cast %get3A_669 : i32 to index
        %get3A_672 = arith.index_cast %add3A_667 : i32 to index
        %get3A_673 = arith.constant 48 : index
        %get3A_674 = tpu.vector_load %arg6[%get3A_670, %get3A_671, %get3A_672, %get3A_673] {strides = array<i32>} : memref<4x2x100x64xf32, #tpu.memory_space<vmem>>, vector<1x1x1x16xf32>,
        %get3A_675 = vector.shape_cast %get3A_674 : vector<1x1x1x16xf32> to vector<16xf32>
        %add3A_676 = arith.addf %add3A_572, %get3A_675 : vector<16xf32>
        %mul3A_677 = arith.constant 2 : i32
        %mul3A_678 = arith.muli %mul3A_677, %scan3A_513 : i32
        %add3A_679 = arith.constant 1 : i32
        %add3A_680 = arith.addi %mul3A_678, %add3A_679 : i32
        %get3A_681 = arith.constant 3 : i32
        %get3A_682 = arith.constant 1 : i32
        %get3A_683 = arith.index_cast %get3A_681 : i32 to index
        %get3A_684 = arith.index_cast %get3A_682 : i32 to index
        %get3A_685 = arith.index_cast %add3A_680 : i32 to index
        %get3A_686 = arith.constant 0 : index
        %get3A_687 = tpu.vector_load %arg6[%get3A_683, %get3A_684, %get3A_685, %get3A_686] {strides = array<i32>} : memref<4x2x100x64xf32, #tpu.memory_space<vmem>>, vector<1x1x1x16xf32>,
        %get3A_688 = vector.shape_cast %get3A_687 : vector<1x1x1x16xf32> to vector<16xf32>
        %add3A_689 = arith.addf %add3A_585, %get3A_688 : vector<16xf32>
        %mul3A_690 = arith.constant 2 : i32
        %mul3A_691 = arith.muli %mul3A_690, %scan3A_513 : i32
        %add3A_692 = arith.constant 1 : i32
        %add3A_693 = arith.addi %mul3A_691, %add3A_692 : i32
        %get3A_694 = arith.constant 3 : i32
        %get3A_695 = arith.constant 1 : i32
        %get3A_696 = arith.index_cast %get3A_694 : i32 to index
        %get3A_697 = arith.index_cast %get3A_695 : i32 to index
        %get3A_698 = arith.index_cast %add3A_693 : i32 to index
        %get3A_699 = arith.constant 16 : index
        %get3A_700 = tpu.vector_load %arg6[%get3A_696, %get3A_697, %get3A_698, %get3A_699] {strides = array<i32>} : memref<4x2x100x64xf32, #tpu.memory_space<vmem>>, vector<1x1x1x16xf32>,
        %get3A_701 = vector.shape_cast %get3A_700 : vector<1x1x1x16xf32> to vector<16xf32>
        %add3A_702 = arith.addf %add3A_598, %get3A_701 : vector<16xf32>
        %mul3A_703 = arith.constant 2 : i32
        %mul3A_704 = arith.muli %mul3A_703, %scan3A_513 : i32
        %add3A_705 = arith.constant 1 : i32
        %add3A_706 = arith.addi %mul3A_704, %add3A_705 : i32
        %get3A_707 = arith.constant 3 : i32
        %get3A_708 = arith.constant 1 : i32
        %get3A_709 = arith.index_cast %get3A_707 : i32 to index
        %get3A_710 = arith.index_cast %get3A_708 : i32 to index
        %get3A_711 = arith.index_cast %add3A_706 : i32 to index
        %get3A_712 = arith.constant 32 : index
        %get3A_713 = tpu.vector_load %arg6[%get3A_709, %get3A_710, %get3A_711, %get3A_712] {strides = array<i32>} : memref<4x2x100x64xf32, #tpu.memory_space<vmem>>, vector<1x1x1x16xf32>,
        %get3A_714 = vector.shape_cast %get3A_713 : vector<1x1x1x16xf32> to vector<16xf32>
        %add3A_715 = arith.addf %add3A_611, %get3A_714 : vector<16xf32>
        %mul3A_716 = arith.constant 2 : i32
        %mul3A_717 = arith.muli %mul3A_716, %scan3A_513 : i32
        %add3A_718 = arith.constant 1 : i32
        %add3A_719 = arith.addi %mul3A_717, %add3A_718 : i32
        %get3A_720 = arith.constant 3 : i32
        %get3A_721 = arith.constant 1 : i32
        %get3A_722 = arith.index_cast %get3A_720 : i32 to index
        %get3A_723 = arith.index_cast %get3A_721 : i32 to index
        %get3A_724 = arith.index_cast %add3A_719 : i32 to index
        %get3A_725 = arith.constant 48 : index
        %get3A_726 = tpu.vector_load %arg6[%get3A_722, %get3A_723, %get3A_724, %get3A_725] {strides = array<i32>} : memref<4x2x100x64xf32, #tpu.memory_space<vmem>>, vector<1x1x1x16xf32>,
        %get3A_727 = vector.shape_cast %get3A_726 : vector<1x1x1x16xf32> to vector<16xf32>
        %add3A_728 = arith.addf %add3A_624, %get3A_727 : vector<16xf32>
        scf.yield %add3A_637, %add3A_650, %add3A_663, %add3A_676, %add3A_689, %add3A_702, %add3A_715, %add3A_728 : vector<16xf32>, vector<16xf32>, vector<16xf32>, vector<16xf32>, vector<16xf32>, vector<16xf32>, vector<16xf32>, vector<16xf32>
      }
      %scan3A_468 = arith.constant 50 : i32
      %add3A_469 = arith.addf %scan3A_467#0, %scan3A_467#4 : vector<16xf32>
      %mul3A_470 = arith.constant 5.000000e-03 : f32
      %mul3A_471 = vector.broadcast %mul3A_470 : f32 to vector<16xf32>
      %mul3A_472 = arith.mulf %add3A_469, %mul3A_471 : vector<16xf32>
      %swap3A_473 = arith.index_cast %add3A_414 : i32 to index
      %swap3A_474 = arith.constant 0 : index
      %swap3A_475 = tpu.vector_load %arg7[%swap3A_473, %swap3A_474] {strides = array<i32>} : memref<128x64xf32, #tpu.memory_space<vmem>>, vector<1x16xf32>,
      %swap3A_476 = vector.shape_cast %swap3A_475 : vector<1x16xf32> to vector<16xf32>
      %swap3A_477 = vector.shape_cast %mul3A_472 : vector<16xf32> to vector<1x16xf32>
      tpu.vector_store %arg7[%swap3A_473, %swap3A_474], %swap3A_477 {strides = array<i32>} : memref<128x64xf32, #tpu.memory_space<vmem>>, vector<1x16xf32>,
      %add3A_478 = arith.addf %scan3A_467#1, %scan3A_467#5 : vector<16xf32>
      %mul3A_479 = arith.constant 5.000000e-03 : f32
      %mul3A_480 = vector.broadcast %mul3A_479 : f32 to vector<16xf32>
      %mul3A_481 = arith.mulf %add3A_478, %mul3A_480 : vector<16xf32>
      %swap3A_482 = arith.index_cast %add3A_414 : i32 to index
      %swap3A_483 = arith.constant 16 : index
      %swap3A_484 = tpu.vector_load %arg7[%swap3A_482, %swap3A_483] {strides = array<i32>} : memref<128x64xf32, #tpu.memory_space<vmem>>, vector<1x16xf32>,
      %swap3A_485 = vector.shape_cast %swap3A_484 : vector<1x16xf32> to vector<16xf32>
      %swap3A_486 = vector.shape_cast %mul3A_481 : vector<16xf32> to vector<1x16xf32>
      tpu.vector_store %arg7[%swap3A_482, %swap3A_483], %swap3A_486 {strides = array<i32>} : memref<128x64xf32, #tpu.memory_space<vmem>>, vector<1x16xf32>,
      %add3A_487 = arith.addf %scan3A_467#2, %scan3A_467#6 : vector<16xf32>
      %mul3A_488 = arith.constant 5.000000e-03 : f32
      %mul3A_489 = vector.broadcast %mul3A_488 : f32 to vector<16xf32>
      %mul3A_490 = arith.mulf %add3A_487, %mul3A_489 : vector<16xf32>
      %swap3A_491 = arith.index_cast %add3A_414 : i32 to index
      %swap3A_492 = arith.constant 32 : index
      %swap3A_493 = tpu.vector_load %arg7[%swap3A_491, %swap3A_492] {strides = array<i32>} : memref<128x64xf32, #tpu.memory_space<vmem>>, vector<1x16xf32>,
      %swap3A_494 = vector.shape_cast %swap3A_493 : vector<1x16xf32> to vector<16xf32>
      %swap3A_495 = vector.shape_cast %mul3A_490 : vector<16xf32> to vector<1x16xf32>
      tpu.vector_store %arg7[%swap3A_491, %swap3A_492], %swap3A_495 {strides = array<i32>} : memref<128x64xf32, #tpu.memory_space<vmem>>, vector<1x16xf32>,
      %add3A_496 = arith.addf %scan3A_467#3, %scan3A_467#7 : vector<16xf32>
      %mul3A_497 = arith.constant 5.000000e-03 : f32
      %mul3A_498 = vector.broadcast %mul3A_497 : f32 to vector<16xf32>
      %mul3A_499 = arith.mulf %add3A_496, %mul3A_498 : vector<16xf32>
      %swap3A_500 = arith.index_cast %add3A_414 : i32 to index
      %swap3A_501 = arith.constant 48 : index
      %swap3A_502 = tpu.vector_load %arg7[%swap3A_500, %swap3A_501] {strides = array<i32>} : memref<128x64xf32, #tpu.memory_space<vmem>>, vector<1x16xf32>,
      %swap3A_503 = vector.shape_cast %swap3A_502 : vector<1x16xf32> to vector<16xf32>
      %swap3A_504 = vector.shape_cast %mul3A_499 : vector<16xf32> to vector<1x16xf32>
      tpu.vector_store %arg7[%swap3A_500, %swap3A_501], %swap3A_504 {strides = array<i32>} : memref<128x64xf32, #tpu.memory_space<vmem>>, vector<1x16xf32>,
      %add3A_505 = arith.constant 4 : i32
      %add3A_506 = arith.addi %add3A_414, %add3A_505 : i32
      %lt3A_507 = arith.constant 128 : i32
      %lt3A_508 = arith.cmpi slt, %add3A_506, %lt3A_507 : i32
      %convert_element_type3A_509 = arith.extui %lt3A_508 : i1 to i32
      %cond3A_510 = arith.constant 0 : i32
      %cond3A_511 = arith.cmpi ne, %convert_element_type3A_509, %cond3A_510 : i32
      scf.if %cond3A_511 {
        %mul3A_513 = arith.constant 2 : i32
        %mul3A_514 = arith.muli %mul3A_513, %add3A_506 : i32
        %add3A_515 = arith.constant 0 : i32
        %add3A_516 = arith.addi %mul3A_514, %add3A_515 : i32
        %dma_start3A_517 = arith.constant 3 : i32
        %dma_start3A_518 = arith.constant 0 : i32
        %dma_start3A_519 = arith.constant 0 : i32
        %dma_start3A_520 = arith.constant 0 : i32
        %dma_start3A_521 = tpu.memref_slice %arg6[%dma_start3A_517, %dma_start3A_518, %dma_start3A_519, %dma_start3A_520] : memref<4x2x100x64xf32, #tpu.memory_space<vmem>> -> memref<1x1x100x64xf32, #tpu.memory_space<vmem>>
        %dma_start3A_522 = tpu.memref_squeeze %dma_start3A_521 : memref<1x1x100x64xf32, #tpu.memory_space<vmem>> -> memref<100x64xf32, #tpu.memory_space<vmem>>
        %dma_start3A_523 = arith.constant 0 : i32
        %dma_start3A_524 = tpu.memref_slice %arg5[%add3A_516, %dma_start3A_523] : memref<256x100xi32, #tpu.memory_space<vmem>> -> memref<1x100xi32, #tpu.memory_space<vmem>>
        %dma_start3A_525 = tpu.memref_squeeze %dma_start3A_524 : memref<1x100xi32, #tpu.memory_space<vmem>> -> memref<100xi32, #tpu.memory_space<vmem>>
        %dma_start3A_526 = arith.constant 0 : i32
        %dma_start3A_527 = arith.constant 0 : i32
        %dma_start3A_528 = tpu.memref_slice %arg3[%dma_start3A_526, %dma_start3A_527] : memref<1000000x64xf32, #tpu.memory_space<hbm>> -> memref<1000000x64xf32, #tpu.memory_space<hbm>>
        tpu.enqueue_indirect_dma source(%dma_start3A_528 : memref<1000000x64xf32, #tpu.memory_space<hbm>>) target(%dma_start3A_522 : memref<100x64xf32, #tpu.memory_space<vmem>>) offsets(%dma_start3A_525 : memref<100xi32, #tpu.memory_space<vmem>>) semaphore(%arg11 : memref<!tpu.dma_semaphore, #tpu.memory_space<semaphore_mem>>)
        %mul3A_529 = arith.constant 2 : i32
        %mul3A_530 = arith.muli %mul3A_529, %add3A_506 : i32
        %add3A_531 = arith.constant 1 : i32
        %add3A_532 = arith.addi %mul3A_530, %add3A_531 : i32
        %dma_start3A_533 = arith.constant 3 : i32
        %dma_start3A_534 = arith.constant 1 : i32
        %dma_start3A_535 = arith.constant 0 : i32
        %dma_start3A_536 = arith.constant 0 : i32
        %dma_start3A_537 = tpu.memref_slice %arg6[%dma_start3A_533, %dma_start3A_534, %dma_start3A_535, %dma_start3A_536] : memref<4x2x100x64xf32, #tpu.memory_space<vmem>> -> memref<1x1x100x64xf32, #tpu.memory_space<vmem>>
        %dma_start3A_538 = tpu.memref_squeeze %dma_start3A_537 : memref<1x1x100x64xf32, #tpu.memory_space<vmem>> -> memref<100x64xf32, #tpu.memory_space<vmem>>
        %dma_start3A_539 = arith.constant 0 : i32
        %dma_start3A_540 = tpu.memref_slice %arg5[%add3A_532, %dma_start3A_539] : memref<256x100xi32, #tpu.memory_space<vmem>> -> memref<1x100xi32, #tpu.memory_space<vmem>>
        %dma_start3A_541 = tpu.memref_squeeze %dma_start3A_540 : memref<1x100xi32, #tpu.memory_space<vmem>> -> memref<100xi32, #tpu.memory_space<vmem>>
        %dma_start3A_542 = arith.constant 0 : i32
        %dma_start3A_543 = arith.constant 0 : i32
        %dma_start3A_544 = tpu.memref_slice %arg3[%dma_start3A_542, %dma_start3A_543] : memref<1000000x64xf32, #tpu.memory_space<hbm>> -> memref<1000000x64xf32, #tpu.memory_space<hbm>>
        tpu.enqueue_indirect_dma source(%dma_start3A_544 : memref<1000000x64xf32, #tpu.memory_space<hbm>>) target(%dma_start3A_538 : memref<100x64xf32, #tpu.memory_space<vmem>>) offsets(%dma_start3A_541 : memref<100xi32, #tpu.memory_space<vmem>>) semaphore(%arg11 : memref<!tpu.dma_semaphore, #tpu.memory_space<semaphore_mem>>)
      } else {
      }
      %scan3A_512 = arith.constant 0 : i32
      scf.yield %scan3A_512 : i32
    }
    %scan3A_109 = arith.constant 32 : i32
    %mul3A_110 = arith.constant 128 : i32
    %mul3A_111 = arith.muli %add3A, %mul3A_110 : i32
    "tpu.region"() ({
      %run_scoped3A = tpu.sem_alloc : memref<!tpu.dma_semaphore, #tpu.memory_space<semaphore_mem>>
      %dma_start3A_112 = arith.constant 0 : i32
      %dma_start3A_113 = tpu.memref_slice %arg4[%mul3A_111, %dma_start3A_112] : memref<4096x64xf32, #tpu.memory_space<hbm>> -> memref<128x64xf32, #tpu.memory_space<hbm>>
      %dma_start3A_114 = arith.constant 0 : i32
      %dma_start3A_115 = tpu.memref_slice %arg4[%mul3A_111, %dma_start3A_114] : memref<4096x64xf32, #tpu.memory_space<hbm>> -> memref<128x64xf32, #tpu.memory_space<hbm>>
      tpu.enqueue_dma source(%arg7 : memref<128x64xf32, #tpu.memory_space<vmem>>) target(%dma_start3A_115 : memref<128x64xf32, #tpu.memory_space<hbm>>) target_semaphore(%run_scoped3A : memref<!tpu.dma_semaphore, #tpu.memory_space<semaphore_mem>>)
      %dma_wait3A = arith.constant 0 : i32
      %dma_wait3A_116 = tpu.memref_slice %arg4[%mul3A_111, %dma_wait3A] : memref<4096x64xf32, #tpu.memory_space<hbm>> -> memref<128x64xf32, #tpu.memory_space<hbm>>
      %dma_wait3A_117 = arith.constant 0 : i32
      %dma_wait3A_118 = tpu.memref_slice %arg4[%mul3A_111, %dma_wait3A_117] : memref<4096x64xf32, #tpu.memory_space<hbm>> -> memref<128x64xf32, #tpu.memory_space<hbm>>
      tpu.wait_dma2 semaphore(%run_scoped3A : memref<!tpu.dma_semaphore, #tpu.memory_space<semaphore_mem>>) src(%arg7 : memref<128x64xf32, #tpu.memory_space<vmem>>) dst(%dma_wait3A_118 : memref<128x64xf32, #tpu.memory_space<hbm>>)
      tpu.yield
    }) : () -> ()
    return
  }
}

module attributes {stable_mosaic.version = 14 : i64} {
  func.func @_tct_body(%arg0: i32, %arg1: memref<64x12800xf32, #tpu.memory_space<vmem>>, %arg2: memref<6400x128xf32, #tpu.memory_space<vmem>>) attributes {dimension_semantics = [#tpu.dimension_semantics<arbitrary>], iteration_bounds = array<i64: 79>, scalar_prefetch = 0 : i64, scratch_operands = 0 : i64, tpu.core_type = #tpu.core_type<tc>, window_params = [{transform_indices = @transform_0, window_bounds = array<i64: 64, 12800>}, {transform_indices = @transform_1, window_bounds = array<i64: 6400, 128>}]} {
    %iota3A = tpu.iota {dimensions = array<i32: 0>} : vector<128x256xi32>
    %iota3A_0 = tpu.iota {dimensions = array<i32: 1>} : vector<128x256xi32>
    %mul3A = arith.constant 2 : i32
    %mul3A_1 = vector.broadcast %mul3A : i32 to vector<128x256xi32>
    %mul3A_2 = arith.muli %mul3A_1, %iota3A : vector<128x256xi32>
    %eq3A = arith.cmpi eq, %iota3A_0, %mul3A_2 : vector<128x256xi32>
    %convert_element_type3A = arith.extui %eq3A : vector<128x256xi1> to vector<128x256xi32>
    %convert_element_type3A_3 = arith.sitofp %convert_element_type3A : vector<128x256xi32> to vector<128x256xf32>
    %mul3A_4 = arith.constant 2 : i32
    %mul3A_5 = vector.broadcast %mul3A_4 : i32 to vector<128x256xi32>
    %mul3A_6 = arith.muli %mul3A_5, %iota3A : vector<128x256xi32>
    %add3A = arith.constant 1 : i32
    %add3A_7 = vector.broadcast %add3A : i32 to vector<128x256xi32>
    %add3A_8 = arith.addi %mul3A_6, %add3A_7 : vector<128x256xi32>
    %eq3A_9 = arith.cmpi eq, %iota3A_0, %add3A_8 : vector<128x256xi32>
    %convert_element_type3A_10 = arith.extui %eq3A_9 : vector<128x256xi1> to vector<128x256xi32>
    %convert_element_type3A_11 = arith.sitofp %convert_element_type3A_10 : vector<128x256xi32> to vector<128x256xf32>
    %get3A = arith.constant 0 : index
    %get3A_12 = arith.constant 0 : index
    %get3A_13 = vector.load %arg1[%get3A, %get3A_12] : memref<64x12800xf32, #tpu.memory_space<vmem>>, vector<64x256xf32>
    %dot_general3A = arith.constant dense<0.000000e+00> : vector<128x64xf32>
    %dot_general3A_14 = tpu.matmul %convert_element_type3A_3, %get3A_13, %dot_general3A {dimension_numbers = #tpu.dot_dimension_numbers<[1], [1], [0], [0], [0, 0, 1, 0], [], []>, transpose_lhs_hint = false} : vector<128x256xf32>, vector<64x256xf32>, vector<128x64xf32> -> vector<128x64xf32>
    %dot_general3A_15 = arith.constant dense<0.000000e+00> : vector<128x64xf32>
    %dot_general3A_16 = tpu.matmul %convert_element_type3A_11, %get3A_13, %dot_general3A_15 {dimension_numbers = #tpu.dot_dimension_numbers<[1], [1], [0], [0], [0, 0, 1, 0], [], []>, transpose_lhs_hint = false} : vector<128x256xf32>, vector<64x256xf32>, vector<128x64xf32> -> vector<128x64xf32>
    %swap3A = arith.constant 0 : index
    %swap3A_17 = arith.constant 0 : index
    %swap3A_18 = vector.load %arg2[%swap3A, %swap3A_17] : memref<6400x128xf32, #tpu.memory_space<vmem>>, vector<128x64xf32>
    tpu.vector_store %arg2[%swap3A, %swap3A_17], %dot_general3A_14 {strides = array<i32>} : memref<6400x128xf32, #tpu.memory_space<vmem>>, vector<128x64xf32>,
    %swap3A_19 = arith.constant 0 : index
    %swap3A_20 = arith.constant 64 : index
    %swap3A_21 = vector.load %arg2[%swap3A_19, %swap3A_20] : memref<6400x128xf32, #tpu.memory_space<vmem>>, vector<128x64xf32>
    tpu.vector_store %arg2[%swap3A_19, %swap3A_20], %dot_general3A_16 {strides = array<i32>} : memref<6400x128xf32, #tpu.memory_space<vmem>>, vector<128x64xf32>,
    %get3A_22 = arith.constant 0 : index
    %get3A_23 = arith.constant 256 : index
    %get3A_24 = vector.load %arg1[%get3A_22, %get3A_23] : memref<64x12800xf32, #tpu.memory_space<vmem>>, vector<64x256xf32>
    %dot_general3A_25 = arith.constant dense<0.000000e+00> : vector<128x64xf32>
    %dot_general3A_26 = tpu.matmul %convert_element_type3A_3, %get3A_24, %dot_general3A_25 {dimension_numbers = #tpu.dot_dimension_numbers<[1], [1], [0], [0], [0, 0, 1, 0], [], []>, transpose_lhs_hint = false} : vector<128x256xf32>, vector<64x256xf32>, vector<128x64xf32> -> vector<128x64xf32>
    %dot_general3A_27 = arith.constant dense<0.000000e+00> : vector<128x64xf32>
    %dot_general3A_28 = tpu.matmul %convert_element_type3A_11, %get3A_24, %dot_general3A_27 {dimension_numbers = #tpu.dot_dimension_numbers<[1], [1], [0], [0], [0, 0, 1, 0], [], []>, transpose_lhs_hint = false} : vector<128x256xf32>, vector<64x256xf32>, vector<128x64xf32> -> vector<128x64xf32>
    %swap3A_29 = arith.constant 128 : index
    %swap3A_30 = arith.constant 0 : index
    %swap3A_31 = vector.load %arg2[%swap3A_29, %swap3A_30] : memref<6400x128xf32, #tpu.memory_space<vmem>>, vector<128x64xf32>
    tpu.vector_store %arg2[%swap3A_29, %swap3A_30], %dot_general3A_26 {strides = array<i32>} : memref<6400x128xf32, #tpu.memory_space<vmem>>, vector<128x64xf32>,
    %swap3A_32 = arith.constant 128 : index
    %swap3A_33 = arith.constant 64 : index
    %swap3A_34 = vector.load %arg2[%swap3A_32, %swap3A_33] : memref<6400x128xf32, #tpu.memory_space<vmem>>, vector<128x64xf32>
    tpu.vector_store %arg2[%swap3A_32, %swap3A_33], %dot_general3A_28 {strides = array<i32>} : memref<6400x128xf32, #tpu.memory_space<vmem>>, vector<128x64xf32>,
    %get3A_35 = arith.constant 0 : index
    %get3A_36 = arith.constant 512 : index
    %get3A_37 = vector.load %arg1[%get3A_35, %get3A_36] : memref<64x12800xf32, #tpu.memory_space<vmem>>, vector<64x256xf32>
    %dot_general3A_38 = arith.constant dense<0.000000e+00> : vector<128x64xf32>
    %dot_general3A_39 = tpu.matmul %convert_element_type3A_3, %get3A_37, %dot_general3A_38 {dimension_numbers = #tpu.dot_dimension_numbers<[1], [1], [0], [0], [0, 0, 1, 0], [], []>, transpose_lhs_hint = false} : vector<128x256xf32>, vector<64x256xf32>, vector<128x64xf32> -> vector<128x64xf32>
    %dot_general3A_40 = arith.constant dense<0.000000e+00> : vector<128x64xf32>
    %dot_general3A_41 = tpu.matmul %convert_element_type3A_11, %get3A_37, %dot_general3A_40 {dimension_numbers = #tpu.dot_dimension_numbers<[1], [1], [0], [0], [0, 0, 1, 0], [], []>, transpose_lhs_hint = false} : vector<128x256xf32>, vector<64x256xf32>, vector<128x64xf32> -> vector<128x64xf32>
    %swap3A_42 = arith.constant 256 : index
    %swap3A_43 = arith.constant 0 : index
    %swap3A_44 = vector.load %arg2[%swap3A_42, %swap3A_43] : memref<6400x128xf32, #tpu.memory_space<vmem>>, vector<128x64xf32>
    tpu.vector_store %arg2[%swap3A_42, %swap3A_43], %dot_general3A_39 {strides = array<i32>} : memref<6400x128xf32, #tpu.memory_space<vmem>>, vector<128x64xf32>,
    %swap3A_45 = arith.constant 256 : index
    %swap3A_46 = arith.constant 64 : index
    %swap3A_47 = vector.load %arg2[%swap3A_45, %swap3A_46] : memref<6400x128xf32, #tpu.memory_space<vmem>>, vector<128x64xf32>
    tpu.vector_store %arg2[%swap3A_45, %swap3A_46], %dot_general3A_41 {strides = array<i32>} : memref<6400x128xf32, #tpu.memory_space<vmem>>, vector<128x64xf32>,
    %get3A_48 = arith.constant 0 : index
    %get3A_49 = arith.constant 768 : index
    %get3A_50 = vector.load %arg1[%get3A_48, %get3A_49] : memref<64x12800xf32, #tpu.memory_space<vmem>>, vector<64x256xf32>
    %dot_general3A_51 = arith.constant dense<0.000000e+00> : vector<128x64xf32>
    %dot_general3A_52 = tpu.matmul %convert_element_type3A_3, %get3A_50, %dot_general3A_51 {dimension_numbers = #tpu.dot_dimension_numbers<[1], [1], [0], [0], [0, 0, 1, 0], [], []>, transpose_lhs_hint = false} : vector<128x256xf32>, vector<64x256xf32>, vector<128x64xf32> -> vector<128x64xf32>
    %dot_general3A_53 = arith.constant dense<0.000000e+00> : vector<128x64xf32>
    %dot_general3A_54 = tpu.matmul %convert_element_type3A_11, %get3A_50, %dot_general3A_53 {dimension_numbers = #tpu.dot_dimension_numbers<[1], [1], [0], [0], [0, 0, 1, 0], [], []>, transpose_lhs_hint = false} : vector<128x256xf32>, vector<64x256xf32>, vector<128x64xf32> -> vector<128x64xf32>
    %swap3A_55 = arith.constant 384 : index
    %swap3A_56 = arith.constant 0 : index
    %swap3A_57 = vector.load %arg2[%swap3A_55, %swap3A_56] : memref<6400x128xf32, #tpu.memory_space<vmem>>, vector<128x64xf32>
    tpu.vector_store %arg2[%swap3A_55, %swap3A_56], %dot_general3A_52 {strides = array<i32>} : memref<6400x128xf32, #tpu.memory_space<vmem>>, vector<128x64xf32>,
    %swap3A_58 = arith.constant 384 : index
    %swap3A_59 = arith.constant 64 : index
    %swap3A_60 = vector.load %arg2[%swap3A_58, %swap3A_59] : memref<6400x128xf32, #tpu.memory_space<vmem>>, vector<128x64xf32>
    tpu.vector_store %arg2[%swap3A_58, %swap3A_59], %dot_general3A_54 {strides = array<i32>} : memref<6400x128xf32, #tpu.memory_space<vmem>>, vector<128x64xf32>,
    %get3A_61 = arith.constant 0 : index
    %get3A_62 = arith.constant 1024 : index
    %get3A_63 = vector.load %arg1[%get3A_61, %get3A_62] : memref<64x12800xf32, #tpu.memory_space<vmem>>, vector<64x256xf32>
    %dot_general3A_64 = arith.constant dense<0.000000e+00> : vector<128x64xf32>
    %dot_general3A_65 = tpu.matmul %convert_element_type3A_3, %get3A_63, %dot_general3A_64 {dimension_numbers = #tpu.dot_dimension_numbers<[1], [1], [0], [0], [0, 0, 1, 0], [], []>, transpose_lhs_hint = false} : vector<128x256xf32>, vector<64x256xf32>, vector<128x64xf32> -> vector<128x64xf32>
    %dot_general3A_66 = arith.constant dense<0.000000e+00> : vector<128x64xf32>
    %dot_general3A_67 = tpu.matmul %convert_element_type3A_11, %get3A_63, %dot_general3A_66 {dimension_numbers = #tpu.dot_dimension_numbers<[1], [1], [0], [0], [0, 0, 1, 0], [], []>, transpose_lhs_hint = false} : vector<128x256xf32>, vector<64x256xf32>, vector<128x64xf32> -> vector<128x64xf32>
    %swap3A_68 = arith.constant 512 : index
    %swap3A_69 = arith.constant 0 : index
    %swap3A_70 = vector.load %arg2[%swap3A_68, %swap3A_69] : memref<6400x128xf32, #tpu.memory_space<vmem>>, vector<128x64xf32>
    tpu.vector_store %arg2[%swap3A_68, %swap3A_69], %dot_general3A_65 {strides = array<i32>} : memref<6400x128xf32, #tpu.memory_space<vmem>>, vector<128x64xf32>,
    %swap3A_71 = arith.constant 512 : index
    %swap3A_72 = arith.constant 64 : index
    %swap3A_73 = vector.load %arg2[%swap3A_71, %swap3A_72] : memref<6400x128xf32, #tpu.memory_space<vmem>>, vector<128x64xf32>
    tpu.vector_store %arg2[%swap3A_71, %swap3A_72], %dot_general3A_67 {strides = array<i32>} : memref<6400x128xf32, #tpu.memory_space<vmem>>, vector<128x64xf32>,
    %get3A_74 = arith.constant 0 : index
    %get3A_75 = arith.constant 1280 : index
    %get3A_76 = vector.load %arg1[%get3A_74, %get3A_75] : memref<64x12800xf32, #tpu.memory_space<vmem>>, vector<64x256xf32>
    %dot_general3A_77 = arith.constant dense<0.000000e+00> : vector<128x64xf32>
    %dot_general3A_78 = tpu.matmul %convert_element_type3A_3, %get3A_76, %dot_general3A_77 {dimension_numbers = #tpu.dot_dimension_numbers<[1], [1], [0], [0], [0, 0, 1, 0], [], []>, transpose_lhs_hint = false} : vector<128x256xf32>, vector<64x256xf32>, vector<128x64xf32> -> vector<128x64xf32>
    %dot_general3A_79 = arith.constant dense<0.000000e+00> : vector<128x64xf32>
    %dot_general3A_80 = tpu.matmul %convert_element_type3A_11, %get3A_76, %dot_general3A_79 {dimension_numbers = #tpu.dot_dimension_numbers<[1], [1], [0], [0], [0, 0, 1, 0], [], []>, transpose_lhs_hint = false} : vector<128x256xf32>, vector<64x256xf32>, vector<128x64xf32> -> vector<128x64xf32>
    %swap3A_81 = arith.constant 640 : index
    %swap3A_82 = arith.constant 0 : index
    %swap3A_83 = vector.load %arg2[%swap3A_81, %swap3A_82] : memref<6400x128xf32, #tpu.memory_space<vmem>>, vector<128x64xf32>
    tpu.vector_store %arg2[%swap3A_81, %swap3A_82], %dot_general3A_78 {strides = array<i32>} : memref<6400x128xf32, #tpu.memory_space<vmem>>, vector<128x64xf32>,
    %swap3A_84 = arith.constant 640 : index
    %swap3A_85 = arith.constant 64 : index
    %swap3A_86 = vector.load %arg2[%swap3A_84, %swap3A_85] : memref<6400x128xf32, #tpu.memory_space<vmem>>, vector<128x64xf32>
    tpu.vector_store %arg2[%swap3A_84, %swap3A_85], %dot_general3A_80 {strides = array<i32>} : memref<6400x128xf32, #tpu.memory_space<vmem>>, vector<128x64xf32>,
    %get3A_87 = arith.constant 0 : index
    %get3A_88 = arith.constant 1536 : index
    %get3A_89 = vector.load %arg1[%get3A_87, %get3A_88] : memref<64x12800xf32, #tpu.memory_space<vmem>>, vector<64x256xf32>
    %dot_general3A_90 = arith.constant dense<0.000000e+00> : vector<128x64xf32>
    %dot_general3A_91 = tpu.matmul %convert_element_type3A_3, %get3A_89, %dot_general3A_90 {dimension_numbers = #tpu.dot_dimension_numbers<[1], [1], [0], [0], [0, 0, 1, 0], [], []>, transpose_lhs_hint = false} : vector<128x256xf32>, vector<64x256xf32>, vector<128x64xf32> -> vector<128x64xf32>
    %dot_general3A_92 = arith.constant dense<0.000000e+00> : vector<128x64xf32>
    %dot_general3A_93 = tpu.matmul %convert_element_type3A_11, %get3A_89, %dot_general3A_92 {dimension_numbers = #tpu.dot_dimension_numbers<[1], [1], [0], [0], [0, 0, 1, 0], [], []>, transpose_lhs_hint = false} : vector<128x256xf32>, vector<64x256xf32>, vector<128x64xf32> -> vector<128x64xf32>
    %swap3A_94 = arith.constant 768 : index
    %swap3A_95 = arith.constant 0 : index
    %swap3A_96 = vector.load %arg2[%swap3A_94, %swap3A_95] : memref<6400x128xf32, #tpu.memory_space<vmem>>, vector<128x64xf32>
    tpu.vector_store %arg2[%swap3A_94, %swap3A_95], %dot_general3A_91 {strides = array<i32>} : memref<6400x128xf32, #tpu.memory_space<vmem>>, vector<128x64xf32>,
    %swap3A_97 = arith.constant 768 : index
    %swap3A_98 = arith.constant 64 : index
    %swap3A_99 = vector.load %arg2[%swap3A_97, %swap3A_98] : memref<6400x128xf32, #tpu.memory_space<vmem>>, vector<128x64xf32>
    tpu.vector_store %arg2[%swap3A_97, %swap3A_98], %dot_general3A_93 {strides = array<i32>} : memref<6400x128xf32, #tpu.memory_space<vmem>>, vector<128x64xf32>,
    %get3A_100 = arith.constant 0 : index
    %get3A_101 = arith.constant 1792 : index
    %get3A_102 = vector.load %arg1[%get3A_100, %get3A_101] : memref<64x12800xf32, #tpu.memory_space<vmem>>, vector<64x256xf32>
    %dot_general3A_103 = arith.constant dense<0.000000e+00> : vector<128x64xf32>
    %dot_general3A_104 = tpu.matmul %convert_element_type3A_3, %get3A_102, %dot_general3A_103 {dimension_numbers = #tpu.dot_dimension_numbers<[1], [1], [0], [0], [0, 0, 1, 0], [], []>, transpose_lhs_hint = false} : vector<128x256xf32>, vector<64x256xf32>, vector<128x64xf32> -> vector<128x64xf32>
    %dot_general3A_105 = arith.constant dense<0.000000e+00> : vector<128x64xf32>
    %dot_general3A_106 = tpu.matmul %convert_element_type3A_11, %get3A_102, %dot_general3A_105 {dimension_numbers = #tpu.dot_dimension_numbers<[1], [1], [0], [0], [0, 0, 1, 0], [], []>, transpose_lhs_hint = false} : vector<128x256xf32>, vector<64x256xf32>, vector<128x64xf32> -> vector<128x64xf32>
    %swap3A_107 = arith.constant 896 : index
    %swap3A_108 = arith.constant 0 : index
    %swap3A_109 = vector.load %arg2[%swap3A_107, %swap3A_108] : memref<6400x128xf32, #tpu.memory_space<vmem>>, vector<128x64xf32>
    tpu.vector_store %arg2[%swap3A_107, %swap3A_108], %dot_general3A_104 {strides = array<i32>} : memref<6400x128xf32, #tpu.memory_space<vmem>>, vector<128x64xf32>,
    %swap3A_110 = arith.constant 896 : index
    %swap3A_111 = arith.constant 64 : index
    %swap3A_112 = vector.load %arg2[%swap3A_110, %swap3A_111] : memref<6400x128xf32, #tpu.memory_space<vmem>>, vector<128x64xf32>
    tpu.vector_store %arg2[%swap3A_110, %swap3A_111], %dot_general3A_106 {strides = array<i32>} : memref<6400x128xf32, #tpu.memory_space<vmem>>, vector<128x64xf32>,
    %get3A_113 = arith.constant 0 : index
    %get3A_114 = arith.constant 2048 : index
    %get3A_115 = vector.load %arg1[%get3A_113, %get3A_114] : memref<64x12800xf32, #tpu.memory_space<vmem>>, vector<64x256xf32>
    %dot_general3A_116 = arith.constant dense<0.000000e+00> : vector<128x64xf32>
    %dot_general3A_117 = tpu.matmul %convert_element_type3A_3, %get3A_115, %dot_general3A_116 {dimension_numbers = #tpu.dot_dimension_numbers<[1], [1], [0], [0], [0, 0, 1, 0], [], []>, transpose_lhs_hint = false} : vector<128x256xf32>, vector<64x256xf32>, vector<128x64xf32> -> vector<128x64xf32>
    %dot_general3A_118 = arith.constant dense<0.000000e+00> : vector<128x64xf32>
    %dot_general3A_119 = tpu.matmul %convert_element_type3A_11, %get3A_115, %dot_general3A_118 {dimension_numbers = #tpu.dot_dimension_numbers<[1], [1], [0], [0], [0, 0, 1, 0], [], []>, transpose_lhs_hint = false} : vector<128x256xf32>, vector<64x256xf32>, vector<128x64xf32> -> vector<128x64xf32>
    %swap3A_120 = arith.constant 1024 : index
    %swap3A_121 = arith.constant 0 : index
    %swap3A_122 = vector.load %arg2[%swap3A_120, %swap3A_121] : memref<6400x128xf32, #tpu.memory_space<vmem>>, vector<128x64xf32>
    tpu.vector_store %arg2[%swap3A_120, %swap3A_121], %dot_general3A_117 {strides = array<i32>} : memref<6400x128xf32, #tpu.memory_space<vmem>>, vector<128x64xf32>,
    %swap3A_123 = arith.constant 1024 : index
    %swap3A_124 = arith.constant 64 : index
    %swap3A_125 = vector.load %arg2[%swap3A_123, %swap3A_124] : memref<6400x128xf32, #tpu.memory_space<vmem>>, vector<128x64xf32>
    tpu.vector_store %arg2[%swap3A_123, %swap3A_124], %dot_general3A_119 {strides = array<i32>} : memref<6400x128xf32, #tpu.memory_space<vmem>>, vector<128x64xf32>,
    %get3A_126 = arith.constant 0 : index
    %get3A_127 = arith.constant 2304 : index
    %get3A_128 = vector.load %arg1[%get3A_126, %get3A_127] : memref<64x12800xf32, #tpu.memory_space<vmem>>, vector<64x256xf32>
    %dot_general3A_129 = arith.constant dense<0.000000e+00> : vector<128x64xf32>
    %dot_general3A_130 = tpu.matmul %convert_element_type3A_3, %get3A_128, %dot_general3A_129 {dimension_numbers = #tpu.dot_dimension_numbers<[1], [1], [0], [0], [0, 0, 1, 0], [], []>, transpose_lhs_hint = false} : vector<128x256xf32>, vector<64x256xf32>, vector<128x64xf32> -> vector<128x64xf32>
    %dot_general3A_131 = arith.constant dense<0.000000e+00> : vector<128x64xf32>
    %dot_general3A_132 = tpu.matmul %convert_element_type3A_11, %get3A_128, %dot_general3A_131 {dimension_numbers = #tpu.dot_dimension_numbers<[1], [1], [0], [0], [0, 0, 1, 0], [], []>, transpose_lhs_hint = false} : vector<128x256xf32>, vector<64x256xf32>, vector<128x64xf32> -> vector<128x64xf32>
    %swap3A_133 = arith.constant 1152 : index
    %swap3A_134 = arith.constant 0 : index
    %swap3A_135 = vector.load %arg2[%swap3A_133, %swap3A_134] : memref<6400x128xf32, #tpu.memory_space<vmem>>, vector<128x64xf32>
    tpu.vector_store %arg2[%swap3A_133, %swap3A_134], %dot_general3A_130 {strides = array<i32>} : memref<6400x128xf32, #tpu.memory_space<vmem>>, vector<128x64xf32>,
    %swap3A_136 = arith.constant 1152 : index
    %swap3A_137 = arith.constant 64 : index
    %swap3A_138 = vector.load %arg2[%swap3A_136, %swap3A_137] : memref<6400x128xf32, #tpu.memory_space<vmem>>, vector<128x64xf32>
    tpu.vector_store %arg2[%swap3A_136, %swap3A_137], %dot_general3A_132 {strides = array<i32>} : memref<6400x128xf32, #tpu.memory_space<vmem>>, vector<128x64xf32>,
    %get3A_139 = arith.constant 0 : index
    %get3A_140 = arith.constant 2560 : index
    %get3A_141 = vector.load %arg1[%get3A_139, %get3A_140] : memref<64x12800xf32, #tpu.memory_space<vmem>>, vector<64x256xf32>
    %dot_general3A_142 = arith.constant dense<0.000000e+00> : vector<128x64xf32>
    %dot_general3A_143 = tpu.matmul %convert_element_type3A_3, %get3A_141, %dot_general3A_142 {dimension_numbers = #tpu.dot_dimension_numbers<[1], [1], [0], [0], [0, 0, 1, 0], [], []>, transpose_lhs_hint = false} : vector<128x256xf32>, vector<64x256xf32>, vector<128x64xf32> -> vector<128x64xf32>
    %dot_general3A_144 = arith.constant dense<0.000000e+00> : vector<128x64xf32>
    %dot_general3A_145 = tpu.matmul %convert_element_type3A_11, %get3A_141, %dot_general3A_144 {dimension_numbers = #tpu.dot_dimension_numbers<[1], [1], [0], [0], [0, 0, 1, 0], [], []>, transpose_lhs_hint = false} : vector<128x256xf32>, vector<64x256xf32>, vector<128x64xf32> -> vector<128x64xf32>
    %swap3A_146 = arith.constant 1280 : index
    %swap3A_147 = arith.constant 0 : index
    %swap3A_148 = vector.load %arg2[%swap3A_146, %swap3A_147] : memref<6400x128xf32, #tpu.memory_space<vmem>>, vector<128x64xf32>
    tpu.vector_store %arg2[%swap3A_146, %swap3A_147], %dot_general3A_143 {strides = array<i32>} : memref<6400x128xf32, #tpu.memory_space<vmem>>, vector<128x64xf32>,
    %swap3A_149 = arith.constant 1280 : index
    %swap3A_150 = arith.constant 64 : index
    %swap3A_151 = vector.load %arg2[%swap3A_149, %swap3A_150] : memref<6400x128xf32, #tpu.memory_space<vmem>>, vector<128x64xf32>
    tpu.vector_store %arg2[%swap3A_149, %swap3A_150], %dot_general3A_145 {strides = array<i32>} : memref<6400x128xf32, #tpu.memory_space<vmem>>, vector<128x64xf32>,
    %get3A_152 = arith.constant 0 : index
    %get3A_153 = arith.constant 2816 : index
    %get3A_154 = vector.load %arg1[%get3A_152, %get3A_153] : memref<64x12800xf32, #tpu.memory_space<vmem>>, vector<64x256xf32>
    %dot_general3A_155 = arith.constant dense<0.000000e+00> : vector<128x64xf32>
    %dot_general3A_156 = tpu.matmul %convert_element_type3A_3, %get3A_154, %dot_general3A_155 {dimension_numbers = #tpu.dot_dimension_numbers<[1], [1], [0], [0], [0, 0, 1, 0], [], []>, transpose_lhs_hint = false} : vector<128x256xf32>, vector<64x256xf32>, vector<128x64xf32> -> vector<128x64xf32>
    %dot_general3A_157 = arith.constant dense<0.000000e+00> : vector<128x64xf32>
    %dot_general3A_158 = tpu.matmul %convert_element_type3A_11, %get3A_154, %dot_general3A_157 {dimension_numbers = #tpu.dot_dimension_numbers<[1], [1], [0], [0], [0, 0, 1, 0], [], []>, transpose_lhs_hint = false} : vector<128x256xf32>, vector<64x256xf32>, vector<128x64xf32> -> vector<128x64xf32>
    %swap3A_159 = arith.constant 1408 : index
    %swap3A_160 = arith.constant 0 : index
    %swap3A_161 = vector.load %arg2[%swap3A_159, %swap3A_160] : memref<6400x128xf32, #tpu.memory_space<vmem>>, vector<128x64xf32>
    tpu.vector_store %arg2[%swap3A_159, %swap3A_160], %dot_general3A_156 {strides = array<i32>} : memref<6400x128xf32, #tpu.memory_space<vmem>>, vector<128x64xf32>,
    %swap3A_162 = arith.constant 1408 : index
    %swap3A_163 = arith.constant 64 : index
    %swap3A_164 = vector.load %arg2[%swap3A_162, %swap3A_163] : memref<6400x128xf32, #tpu.memory_space<vmem>>, vector<128x64xf32>
    tpu.vector_store %arg2[%swap3A_162, %swap3A_163], %dot_general3A_158 {strides = array<i32>} : memref<6400x128xf32, #tpu.memory_space<vmem>>, vector<128x64xf32>,
    %get3A_165 = arith.constant 0 : index
    %get3A_166 = arith.constant 3072 : index
    %get3A_167 = vector.load %arg1[%get3A_165, %get3A_166] : memref<64x12800xf32, #tpu.memory_space<vmem>>, vector<64x256xf32>
    %dot_general3A_168 = arith.constant dense<0.000000e+00> : vector<128x64xf32>
    %dot_general3A_169 = tpu.matmul %convert_element_type3A_3, %get3A_167, %dot_general3A_168 {dimension_numbers = #tpu.dot_dimension_numbers<[1], [1], [0], [0], [0, 0, 1, 0], [], []>, transpose_lhs_hint = false} : vector<128x256xf32>, vector<64x256xf32>, vector<128x64xf32> -> vector<128x64xf32>
    %dot_general3A_170 = arith.constant dense<0.000000e+00> : vector<128x64xf32>
    %dot_general3A_171 = tpu.matmul %convert_element_type3A_11, %get3A_167, %dot_general3A_170 {dimension_numbers = #tpu.dot_dimension_numbers<[1], [1], [0], [0], [0, 0, 1, 0], [], []>, transpose_lhs_hint = false} : vector<128x256xf32>, vector<64x256xf32>, vector<128x64xf32> -> vector<128x64xf32>
    %swap3A_172 = arith.constant 1536 : index
    %swap3A_173 = arith.constant 0 : index
    %swap3A_174 = vector.load %arg2[%swap3A_172, %swap3A_173] : memref<6400x128xf32, #tpu.memory_space<vmem>>, vector<128x64xf32>
    tpu.vector_store %arg2[%swap3A_172, %swap3A_173], %dot_general3A_169 {strides = array<i32>} : memref<6400x128xf32, #tpu.memory_space<vmem>>, vector<128x64xf32>,
    %swap3A_175 = arith.constant 1536 : index
    %swap3A_176 = arith.constant 64 : index
    %swap3A_177 = vector.load %arg2[%swap3A_175, %swap3A_176] : memref<6400x128xf32, #tpu.memory_space<vmem>>, vector<128x64xf32>
    tpu.vector_store %arg2[%swap3A_175, %swap3A_176], %dot_general3A_171 {strides = array<i32>} : memref<6400x128xf32, #tpu.memory_space<vmem>>, vector<128x64xf32>,
    %get3A_178 = arith.constant 0 : index
    %get3A_179 = arith.constant 3328 : index
    %get3A_180 = vector.load %arg1[%get3A_178, %get3A_179] : memref<64x12800xf32, #tpu.memory_space<vmem>>, vector<64x256xf32>
    %dot_general3A_181 = arith.constant dense<0.000000e+00> : vector<128x64xf32>
    %dot_general3A_182 = tpu.matmul %convert_element_type3A_3, %get3A_180, %dot_general3A_181 {dimension_numbers = #tpu.dot_dimension_numbers<[1], [1], [0], [0], [0, 0, 1, 0], [], []>, transpose_lhs_hint = false} : vector<128x256xf32>, vector<64x256xf32>, vector<128x64xf32> -> vector<128x64xf32>
    %dot_general3A_183 = arith.constant dense<0.000000e+00> : vector<128x64xf32>
    %dot_general3A_184 = tpu.matmul %convert_element_type3A_11, %get3A_180, %dot_general3A_183 {dimension_numbers = #tpu.dot_dimension_numbers<[1], [1], [0], [0], [0, 0, 1, 0], [], []>, transpose_lhs_hint = false} : vector<128x256xf32>, vector<64x256xf32>, vector<128x64xf32> -> vector<128x64xf32>
    %swap3A_185 = arith.constant 1664 : index
    %swap3A_186 = arith.constant 0 : index
    %swap3A_187 = vector.load %arg2[%swap3A_185, %swap3A_186] : memref<6400x128xf32, #tpu.memory_space<vmem>>, vector<128x64xf32>
    tpu.vector_store %arg2[%swap3A_185, %swap3A_186], %dot_general3A_182 {strides = array<i32>} : memref<6400x128xf32, #tpu.memory_space<vmem>>, vector<128x64xf32>,
    %swap3A_188 = arith.constant 1664 : index
    %swap3A_189 = arith.constant 64 : index
    %swap3A_190 = vector.load %arg2[%swap3A_188, %swap3A_189] : memref<6400x128xf32, #tpu.memory_space<vmem>>, vector<128x64xf32>
    tpu.vector_store %arg2[%swap3A_188, %swap3A_189], %dot_general3A_184 {strides = array<i32>} : memref<6400x128xf32, #tpu.memory_space<vmem>>, vector<128x64xf32>,
    %get3A_191 = arith.constant 0 : index
    %get3A_192 = arith.constant 3584 : index
    %get3A_193 = vector.load %arg1[%get3A_191, %get3A_192] : memref<64x12800xf32, #tpu.memory_space<vmem>>, vector<64x256xf32>
    %dot_general3A_194 = arith.constant dense<0.000000e+00> : vector<128x64xf32>
    %dot_general3A_195 = tpu.matmul %convert_element_type3A_3, %get3A_193, %dot_general3A_194 {dimension_numbers = #tpu.dot_dimension_numbers<[1], [1], [0], [0], [0, 0, 1, 0], [], []>, transpose_lhs_hint = false} : vector<128x256xf32>, vector<64x256xf32>, vector<128x64xf32> -> vector<128x64xf32>
    %dot_general3A_196 = arith.constant dense<0.000000e+00> : vector<128x64xf32>
    %dot_general3A_197 = tpu.matmul %convert_element_type3A_11, %get3A_193, %dot_general3A_196 {dimension_numbers = #tpu.dot_dimension_numbers<[1], [1], [0], [0], [0, 0, 1, 0], [], []>, transpose_lhs_hint = false} : vector<128x256xf32>, vector<64x256xf32>, vector<128x64xf32> -> vector<128x64xf32>
    %swap3A_198 = arith.constant 1792 : index
    %swap3A_199 = arith.constant 0 : index
    %swap3A_200 = vector.load %arg2[%swap3A_198, %swap3A_199] : memref<6400x128xf32, #tpu.memory_space<vmem>>, vector<128x64xf32>
    tpu.vector_store %arg2[%swap3A_198, %swap3A_199], %dot_general3A_195 {strides = array<i32>} : memref<6400x128xf32, #tpu.memory_space<vmem>>, vector<128x64xf32>,
    %swap3A_201 = arith.constant 1792 : index
    %swap3A_202 = arith.constant 64 : index
    %swap3A_203 = vector.load %arg2[%swap3A_201, %swap3A_202] : memref<6400x128xf32, #tpu.memory_space<vmem>>, vector<128x64xf32>
    tpu.vector_store %arg2[%swap3A_201, %swap3A_202], %dot_general3A_197 {strides = array<i32>} : memref<6400x128xf32, #tpu.memory_space<vmem>>, vector<128x64xf32>,
    %get3A_204 = arith.constant 0 : index
    %get3A_205 = arith.constant 3840 : index
    %get3A_206 = vector.load %arg1[%get3A_204, %get3A_205] : memref<64x12800xf32, #tpu.memory_space<vmem>>, vector<64x256xf32>
    %dot_general3A_207 = arith.constant dense<0.000000e+00> : vector<128x64xf32>
    %dot_general3A_208 = tpu.matmul %convert_element_type3A_3, %get3A_206, %dot_general3A_207 {dimension_numbers = #tpu.dot_dimension_numbers<[1], [1], [0], [0], [0, 0, 1, 0], [], []>, transpose_lhs_hint = false} : vector<128x256xf32>, vector<64x256xf32>, vector<128x64xf32> -> vector<128x64xf32>
    %dot_general3A_209 = arith.constant dense<0.000000e+00> : vector<128x64xf32>
    %dot_general3A_210 = tpu.matmul %convert_element_type3A_11, %get3A_206, %dot_general3A_209 {dimension_numbers = #tpu.dot_dimension_numbers<[1], [1], [0], [0], [0, 0, 1, 0], [], []>, transpose_lhs_hint = false} : vector<128x256xf32>, vector<64x256xf32>, vector<128x64xf32> -> vector<128x64xf32>
    %swap3A_211 = arith.constant 1920 : index
    %swap3A_212 = arith.constant 0 : index
    %swap3A_213 = vector.load %arg2[%swap3A_211, %swap3A_212] : memref<6400x128xf32, #tpu.memory_space<vmem>>, vector<128x64xf32>
    tpu.vector_store %arg2[%swap3A_211, %swap3A_212], %dot_general3A_208 {strides = array<i32>} : memref<6400x128xf32, #tpu.memory_space<vmem>>, vector<128x64xf32>,
    %swap3A_214 = arith.constant 1920 : index
    %swap3A_215 = arith.constant 64 : index
    %swap3A_216 = vector.load %arg2[%swap3A_214, %swap3A_215] : memref<6400x128xf32, #tpu.memory_space<vmem>>, vector<128x64xf32>
    tpu.vector_store %arg2[%swap3A_214, %swap3A_215], %dot_general3A_210 {strides = array<i32>} : memref<6400x128xf32, #tpu.memory_space<vmem>>, vector<128x64xf32>,
    %get3A_217 = arith.constant 0 : index
    %get3A_218 = arith.constant 4096 : index
    %get3A_219 = vector.load %arg1[%get3A_217, %get3A_218] : memref<64x12800xf32, #tpu.memory_space<vmem>>, vector<64x256xf32>
    %dot_general3A_220 = arith.constant dense<0.000000e+00> : vector<128x64xf32>
    %dot_general3A_221 = tpu.matmul %convert_element_type3A_3, %get3A_219, %dot_general3A_220 {dimension_numbers = #tpu.dot_dimension_numbers<[1], [1], [0], [0], [0, 0, 1, 0], [], []>, transpose_lhs_hint = false} : vector<128x256xf32>, vector<64x256xf32>, vector<128x64xf32> -> vector<128x64xf32>
    %dot_general3A_222 = arith.constant dense<0.000000e+00> : vector<128x64xf32>
    %dot_general3A_223 = tpu.matmul %convert_element_type3A_11, %get3A_219, %dot_general3A_222 {dimension_numbers = #tpu.dot_dimension_numbers<[1], [1], [0], [0], [0, 0, 1, 0], [], []>, transpose_lhs_hint = false} : vector<128x256xf32>, vector<64x256xf32>, vector<128x64xf32> -> vector<128x64xf32>
    %swap3A_224 = arith.constant 2048 : index
    %swap3A_225 = arith.constant 0 : index
    %swap3A_226 = vector.load %arg2[%swap3A_224, %swap3A_225] : memref<6400x128xf32, #tpu.memory_space<vmem>>, vector<128x64xf32>
    tpu.vector_store %arg2[%swap3A_224, %swap3A_225], %dot_general3A_221 {strides = array<i32>} : memref<6400x128xf32, #tpu.memory_space<vmem>>, vector<128x64xf32>,
    %swap3A_227 = arith.constant 2048 : index
    %swap3A_228 = arith.constant 64 : index
    %swap3A_229 = vector.load %arg2[%swap3A_227, %swap3A_228] : memref<6400x128xf32, #tpu.memory_space<vmem>>, vector<128x64xf32>
    tpu.vector_store %arg2[%swap3A_227, %swap3A_228], %dot_general3A_223 {strides = array<i32>} : memref<6400x128xf32, #tpu.memory_space<vmem>>, vector<128x64xf32>,
    %get3A_230 = arith.constant 0 : index
    %get3A_231 = arith.constant 4352 : index
    %get3A_232 = vector.load %arg1[%get3A_230, %get3A_231] : memref<64x12800xf32, #tpu.memory_space<vmem>>, vector<64x256xf32>
    %dot_general3A_233 = arith.constant dense<0.000000e+00> : vector<128x64xf32>
    %dot_general3A_234 = tpu.matmul %convert_element_type3A_3, %get3A_232, %dot_general3A_233 {dimension_numbers = #tpu.dot_dimension_numbers<[1], [1], [0], [0], [0, 0, 1, 0], [], []>, transpose_lhs_hint = false} : vector<128x256xf32>, vector<64x256xf32>, vector<128x64xf32> -> vector<128x64xf32>
    %dot_general3A_235 = arith.constant dense<0.000000e+00> : vector<128x64xf32>
    %dot_general3A_236 = tpu.matmul %convert_element_type3A_11, %get3A_232, %dot_general3A_235 {dimension_numbers = #tpu.dot_dimension_numbers<[1], [1], [0], [0], [0, 0, 1, 0], [], []>, transpose_lhs_hint = false} : vector<128x256xf32>, vector<64x256xf32>, vector<128x64xf32> -> vector<128x64xf32>
    %swap3A_237 = arith.constant 2176 : index
    %swap3A_238 = arith.constant 0 : index
    %swap3A_239 = vector.load %arg2[%swap3A_237, %swap3A_238] : memref<6400x128xf32, #tpu.memory_space<vmem>>, vector<128x64xf32>
    tpu.vector_store %arg2[%swap3A_237, %swap3A_238], %dot_general3A_234 {strides = array<i32>} : memref<6400x128xf32, #tpu.memory_space<vmem>>, vector<128x64xf32>,
    %swap3A_240 = arith.constant 2176 : index
    %swap3A_241 = arith.constant 64 : index
    %swap3A_242 = vector.load %arg2[%swap3A_240, %swap3A_241] : memref<6400x128xf32, #tpu.memory_space<vmem>>, vector<128x64xf32>
    tpu.vector_store %arg2[%swap3A_240, %swap3A_241], %dot_general3A_236 {strides = array<i32>} : memref<6400x128xf32, #tpu.memory_space<vmem>>, vector<128x64xf32>,
    %get3A_243 = arith.constant 0 : index
    %get3A_244 = arith.constant 4608 : index
    %get3A_245 = vector.load %arg1[%get3A_243, %get3A_244] : memref<64x12800xf32, #tpu.memory_space<vmem>>, vector<64x256xf32>
    %dot_general3A_246 = arith.constant dense<0.000000e+00> : vector<128x64xf32>
    %dot_general3A_247 = tpu.matmul %convert_element_type3A_3, %get3A_245, %dot_general3A_246 {dimension_numbers = #tpu.dot_dimension_numbers<[1], [1], [0], [0], [0, 0, 1, 0], [], []>, transpose_lhs_hint = false} : vector<128x256xf32>, vector<64x256xf32>, vector<128x64xf32> -> vector<128x64xf32>
    %dot_general3A_248 = arith.constant dense<0.000000e+00> : vector<128x64xf32>
    %dot_general3A_249 = tpu.matmul %convert_element_type3A_11, %get3A_245, %dot_general3A_248 {dimension_numbers = #tpu.dot_dimension_numbers<[1], [1], [0], [0], [0, 0, 1, 0], [], []>, transpose_lhs_hint = false} : vector<128x256xf32>, vector<64x256xf32>, vector<128x64xf32> -> vector<128x64xf32>
    %swap3A_250 = arith.constant 2304 : index
    %swap3A_251 = arith.constant 0 : index
    %swap3A_252 = vector.load %arg2[%swap3A_250, %swap3A_251] : memref<6400x128xf32, #tpu.memory_space<vmem>>, vector<128x64xf32>
    tpu.vector_store %arg2[%swap3A_250, %swap3A_251], %dot_general3A_247 {strides = array<i32>} : memref<6400x128xf32, #tpu.memory_space<vmem>>, vector<128x64xf32>,
    %swap3A_253 = arith.constant 2304 : index
    %swap3A_254 = arith.constant 64 : index
    %swap3A_255 = vector.load %arg2[%swap3A_253, %swap3A_254] : memref<6400x128xf32, #tpu.memory_space<vmem>>, vector<128x64xf32>
    tpu.vector_store %arg2[%swap3A_253, %swap3A_254], %dot_general3A_249 {strides = array<i32>} : memref<6400x128xf32, #tpu.memory_space<vmem>>, vector<128x64xf32>,
    %get3A_256 = arith.constant 0 : index
    %get3A_257 = arith.constant 4864 : index
    %get3A_258 = vector.load %arg1[%get3A_256, %get3A_257] : memref<64x12800xf32, #tpu.memory_space<vmem>>, vector<64x256xf32>
    %dot_general3A_259 = arith.constant dense<0.000000e+00> : vector<128x64xf32>
    %dot_general3A_260 = tpu.matmul %convert_element_type3A_3, %get3A_258, %dot_general3A_259 {dimension_numbers = #tpu.dot_dimension_numbers<[1], [1], [0], [0], [0, 0, 1, 0], [], []>, transpose_lhs_hint = false} : vector<128x256xf32>, vector<64x256xf32>, vector<128x64xf32> -> vector<128x64xf32>
    %dot_general3A_261 = arith.constant dense<0.000000e+00> : vector<128x64xf32>
    %dot_general3A_262 = tpu.matmul %convert_element_type3A_11, %get3A_258, %dot_general3A_261 {dimension_numbers = #tpu.dot_dimension_numbers<[1], [1], [0], [0], [0, 0, 1, 0], [], []>, transpose_lhs_hint = false} : vector<128x256xf32>, vector<64x256xf32>, vector<128x64xf32> -> vector<128x64xf32>
    %swap3A_263 = arith.constant 2432 : index
    %swap3A_264 = arith.constant 0 : index
    %swap3A_265 = vector.load %arg2[%swap3A_263, %swap3A_264] : memref<6400x128xf32, #tpu.memory_space<vmem>>, vector<128x64xf32>
    tpu.vector_store %arg2[%swap3A_263, %swap3A_264], %dot_general3A_260 {strides = array<i32>} : memref<6400x128xf32, #tpu.memory_space<vmem>>, vector<128x64xf32>,
    %swap3A_266 = arith.constant 2432 : index
    %swap3A_267 = arith.constant 64 : index
    %swap3A_268 = vector.load %arg2[%swap3A_266, %swap3A_267] : memref<6400x128xf32, #tpu.memory_space<vmem>>, vector<128x64xf32>
    tpu.vector_store %arg2[%swap3A_266, %swap3A_267], %dot_general3A_262 {strides = array<i32>} : memref<6400x128xf32, #tpu.memory_space<vmem>>, vector<128x64xf32>,
    %get3A_269 = arith.constant 0 : index
    %get3A_270 = arith.constant 5120 : index
    %get3A_271 = vector.load %arg1[%get3A_269, %get3A_270] : memref<64x12800xf32, #tpu.memory_space<vmem>>, vector<64x256xf32>
    %dot_general3A_272 = arith.constant dense<0.000000e+00> : vector<128x64xf32>
    %dot_general3A_273 = tpu.matmul %convert_element_type3A_3, %get3A_271, %dot_general3A_272 {dimension_numbers = #tpu.dot_dimension_numbers<[1], [1], [0], [0], [0, 0, 1, 0], [], []>, transpose_lhs_hint = false} : vector<128x256xf32>, vector<64x256xf32>, vector<128x64xf32> -> vector<128x64xf32>
    %dot_general3A_274 = arith.constant dense<0.000000e+00> : vector<128x64xf32>
    %dot_general3A_275 = tpu.matmul %convert_element_type3A_11, %get3A_271, %dot_general3A_274 {dimension_numbers = #tpu.dot_dimension_numbers<[1], [1], [0], [0], [0, 0, 1, 0], [], []>, transpose_lhs_hint = false} : vector<128x256xf32>, vector<64x256xf32>, vector<128x64xf32> -> vector<128x64xf32>
    %swap3A_276 = arith.constant 2560 : index
    %swap3A_277 = arith.constant 0 : index
    %swap3A_278 = vector.load %arg2[%swap3A_276, %swap3A_277] : memref<6400x128xf32, #tpu.memory_space<vmem>>, vector<128x64xf32>
    tpu.vector_store %arg2[%swap3A_276, %swap3A_277], %dot_general3A_273 {strides = array<i32>} : memref<6400x128xf32, #tpu.memory_space<vmem>>, vector<128x64xf32>,
    %swap3A_279 = arith.constant 2560 : index
    %swap3A_280 = arith.constant 64 : index
    %swap3A_281 = vector.load %arg2[%swap3A_279, %swap3A_280] : memref<6400x128xf32, #tpu.memory_space<vmem>>, vector<128x64xf32>
    tpu.vector_store %arg2[%swap3A_279, %swap3A_280], %dot_general3A_275 {strides = array<i32>} : memref<6400x128xf32, #tpu.memory_space<vmem>>, vector<128x64xf32>,
    %get3A_282 = arith.constant 0 : index
    %get3A_283 = arith.constant 5376 : index
    %get3A_284 = vector.load %arg1[%get3A_282, %get3A_283] : memref<64x12800xf32, #tpu.memory_space<vmem>>, vector<64x256xf32>
    %dot_general3A_285 = arith.constant dense<0.000000e+00> : vector<128x64xf32>
    %dot_general3A_286 = tpu.matmul %convert_element_type3A_3, %get3A_284, %dot_general3A_285 {dimension_numbers = #tpu.dot_dimension_numbers<[1], [1], [0], [0], [0, 0, 1, 0], [], []>, transpose_lhs_hint = false} : vector<128x256xf32>, vector<64x256xf32>, vector<128x64xf32> -> vector<128x64xf32>
    %dot_general3A_287 = arith.constant dense<0.000000e+00> : vector<128x64xf32>
    %dot_general3A_288 = tpu.matmul %convert_element_type3A_11, %get3A_284, %dot_general3A_287 {dimension_numbers = #tpu.dot_dimension_numbers<[1], [1], [0], [0], [0, 0, 1, 0], [], []>, transpose_lhs_hint = false} : vector<128x256xf32>, vector<64x256xf32>, vector<128x64xf32> -> vector<128x64xf32>
    %swap3A_289 = arith.constant 2688 : index
    %swap3A_290 = arith.constant 0 : index
    %swap3A_291 = vector.load %arg2[%swap3A_289, %swap3A_290] : memref<6400x128xf32, #tpu.memory_space<vmem>>, vector<128x64xf32>
    tpu.vector_store %arg2[%swap3A_289, %swap3A_290], %dot_general3A_286 {strides = array<i32>} : memref<6400x128xf32, #tpu.memory_space<vmem>>, vector<128x64xf32>,
    %swap3A_292 = arith.constant 2688 : index
    %swap3A_293 = arith.constant 64 : index
    %swap3A_294 = vector.load %arg2[%swap3A_292, %swap3A_293] : memref<6400x128xf32, #tpu.memory_space<vmem>>, vector<128x64xf32>
    tpu.vector_store %arg2[%swap3A_292, %swap3A_293], %dot_general3A_288 {strides = array<i32>} : memref<6400x128xf32, #tpu.memory_space<vmem>>, vector<128x64xf32>,
    %get3A_295 = arith.constant 0 : index
    %get3A_296 = arith.constant 5632 : index
    %get3A_297 = vector.load %arg1[%get3A_295, %get3A_296] : memref<64x12800xf32, #tpu.memory_space<vmem>>, vector<64x256xf32>
    %dot_general3A_298 = arith.constant dense<0.000000e+00> : vector<128x64xf32>
    %dot_general3A_299 = tpu.matmul %convert_element_type3A_3, %get3A_297, %dot_general3A_298 {dimension_numbers = #tpu.dot_dimension_numbers<[1], [1], [0], [0], [0, 0, 1, 0], [], []>, transpose_lhs_hint = false} : vector<128x256xf32>, vector<64x256xf32>, vector<128x64xf32> -> vector<128x64xf32>
    %dot_general3A_300 = arith.constant dense<0.000000e+00> : vector<128x64xf32>
    %dot_general3A_301 = tpu.matmul %convert_element_type3A_11, %get3A_297, %dot_general3A_300 {dimension_numbers = #tpu.dot_dimension_numbers<[1], [1], [0], [0], [0, 0, 1, 0], [], []>, transpose_lhs_hint = false} : vector<128x256xf32>, vector<64x256xf32>, vector<128x64xf32> -> vector<128x64xf32>
    %swap3A_302 = arith.constant 2816 : index
    %swap3A_303 = arith.constant 0 : index
    %swap3A_304 = vector.load %arg2[%swap3A_302, %swap3A_303] : memref<6400x128xf32, #tpu.memory_space<vmem>>, vector<128x64xf32>
    tpu.vector_store %arg2[%swap3A_302, %swap3A_303], %dot_general3A_299 {strides = array<i32>} : memref<6400x128xf32, #tpu.memory_space<vmem>>, vector<128x64xf32>,
    %swap3A_305 = arith.constant 2816 : index
    %swap3A_306 = arith.constant 64 : index
    %swap3A_307 = vector.load %arg2[%swap3A_305, %swap3A_306] : memref<6400x128xf32, #tpu.memory_space<vmem>>, vector<128x64xf32>
    tpu.vector_store %arg2[%swap3A_305, %swap3A_306], %dot_general3A_301 {strides = array<i32>} : memref<6400x128xf32, #tpu.memory_space<vmem>>, vector<128x64xf32>,
    %get3A_308 = arith.constant 0 : index
    %get3A_309 = arith.constant 5888 : index
    %get3A_310 = vector.load %arg1[%get3A_308, %get3A_309] : memref<64x12800xf32, #tpu.memory_space<vmem>>, vector<64x256xf32>
    %dot_general3A_311 = arith.constant dense<0.000000e+00> : vector<128x64xf32>
    %dot_general3A_312 = tpu.matmul %convert_element_type3A_3, %get3A_310, %dot_general3A_311 {dimension_numbers = #tpu.dot_dimension_numbers<[1], [1], [0], [0], [0, 0, 1, 0], [], []>, transpose_lhs_hint = false} : vector<128x256xf32>, vector<64x256xf32>, vector<128x64xf32> -> vector<128x64xf32>
    %dot_general3A_313 = arith.constant dense<0.000000e+00> : vector<128x64xf32>
    %dot_general3A_314 = tpu.matmul %convert_element_type3A_11, %get3A_310, %dot_general3A_313 {dimension_numbers = #tpu.dot_dimension_numbers<[1], [1], [0], [0], [0, 0, 1, 0], [], []>, transpose_lhs_hint = false} : vector<128x256xf32>, vector<64x256xf32>, vector<128x64xf32> -> vector<128x64xf32>
    %swap3A_315 = arith.constant 2944 : index
    %swap3A_316 = arith.constant 0 : index
    %swap3A_317 = vector.load %arg2[%swap3A_315, %swap3A_316] : memref<6400x128xf32, #tpu.memory_space<vmem>>, vector<128x64xf32>
    tpu.vector_store %arg2[%swap3A_315, %swap3A_316], %dot_general3A_312 {strides = array<i32>} : memref<6400x128xf32, #tpu.memory_space<vmem>>, vector<128x64xf32>,
    %swap3A_318 = arith.constant 2944 : index
    %swap3A_319 = arith.constant 64 : index
    %swap3A_320 = vector.load %arg2[%swap3A_318, %swap3A_319] : memref<6400x128xf32, #tpu.memory_space<vmem>>, vector<128x64xf32>
    tpu.vector_store %arg2[%swap3A_318, %swap3A_319], %dot_general3A_314 {strides = array<i32>} : memref<6400x128xf32, #tpu.memory_space<vmem>>, vector<128x64xf32>,
    %get3A_321 = arith.constant 0 : index
    %get3A_322 = arith.constant 6144 : index
    %get3A_323 = vector.load %arg1[%get3A_321, %get3A_322] : memref<64x12800xf32, #tpu.memory_space<vmem>>, vector<64x256xf32>
    %dot_general3A_324 = arith.constant dense<0.000000e+00> : vector<128x64xf32>
    %dot_general3A_325 = tpu.matmul %convert_element_type3A_3, %get3A_323, %dot_general3A_324 {dimension_numbers = #tpu.dot_dimension_numbers<[1], [1], [0], [0], [0, 0, 1, 0], [], []>, transpose_lhs_hint = false} : vector<128x256xf32>, vector<64x256xf32>, vector<128x64xf32> -> vector<128x64xf32>
    %dot_general3A_326 = arith.constant dense<0.000000e+00> : vector<128x64xf32>
    %dot_general3A_327 = tpu.matmul %convert_element_type3A_11, %get3A_323, %dot_general3A_326 {dimension_numbers = #tpu.dot_dimension_numbers<[1], [1], [0], [0], [0, 0, 1, 0], [], []>, transpose_lhs_hint = false} : vector<128x256xf32>, vector<64x256xf32>, vector<128x64xf32> -> vector<128x64xf32>
    %swap3A_328 = arith.constant 3072 : index
    %swap3A_329 = arith.constant 0 : index
    %swap3A_330 = vector.load %arg2[%swap3A_328, %swap3A_329] : memref<6400x128xf32, #tpu.memory_space<vmem>>, vector<128x64xf32>
    tpu.vector_store %arg2[%swap3A_328, %swap3A_329], %dot_general3A_325 {strides = array<i32>} : memref<6400x128xf32, #tpu.memory_space<vmem>>, vector<128x64xf32>,
    %swap3A_331 = arith.constant 3072 : index
    %swap3A_332 = arith.constant 64 : index
    %swap3A_333 = vector.load %arg2[%swap3A_331, %swap3A_332] : memref<6400x128xf32, #tpu.memory_space<vmem>>, vector<128x64xf32>
    tpu.vector_store %arg2[%swap3A_331, %swap3A_332], %dot_general3A_327 {strides = array<i32>} : memref<6400x128xf32, #tpu.memory_space<vmem>>, vector<128x64xf32>,
    %get3A_334 = arith.constant 0 : index
    %get3A_335 = arith.constant 6400 : index
    %get3A_336 = vector.load %arg1[%get3A_334, %get3A_335] : memref<64x12800xf32, #tpu.memory_space<vmem>>, vector<64x256xf32>
    %dot_general3A_337 = arith.constant dense<0.000000e+00> : vector<128x64xf32>
    %dot_general3A_338 = tpu.matmul %convert_element_type3A_3, %get3A_336, %dot_general3A_337 {dimension_numbers = #tpu.dot_dimension_numbers<[1], [1], [0], [0], [0, 0, 1, 0], [], []>, transpose_lhs_hint = false} : vector<128x256xf32>, vector<64x256xf32>, vector<128x64xf32> -> vector<128x64xf32>
    %dot_general3A_339 = arith.constant dense<0.000000e+00> : vector<128x64xf32>
    %dot_general3A_340 = tpu.matmul %convert_element_type3A_11, %get3A_336, %dot_general3A_339 {dimension_numbers = #tpu.dot_dimension_numbers<[1], [1], [0], [0], [0, 0, 1, 0], [], []>, transpose_lhs_hint = false} : vector<128x256xf32>, vector<64x256xf32>, vector<128x64xf32> -> vector<128x64xf32>
    %swap3A_341 = arith.constant 3200 : index
    %swap3A_342 = arith.constant 0 : index
    %swap3A_343 = vector.load %arg2[%swap3A_341, %swap3A_342] : memref<6400x128xf32, #tpu.memory_space<vmem>>, vector<128x64xf32>
    tpu.vector_store %arg2[%swap3A_341, %swap3A_342], %dot_general3A_338 {strides = array<i32>} : memref<6400x128xf32, #tpu.memory_space<vmem>>, vector<128x64xf32>,
    %swap3A_344 = arith.constant 3200 : index
    %swap3A_345 = arith.constant 64 : index
    %swap3A_346 = vector.load %arg2[%swap3A_344, %swap3A_345] : memref<6400x128xf32, #tpu.memory_space<vmem>>, vector<128x64xf32>
    tpu.vector_store %arg2[%swap3A_344, %swap3A_345], %dot_general3A_340 {strides = array<i32>} : memref<6400x128xf32, #tpu.memory_space<vmem>>, vector<128x64xf32>,
    %get3A_347 = arith.constant 0 : index
    %get3A_348 = arith.constant 6656 : index
    %get3A_349 = vector.load %arg1[%get3A_347, %get3A_348] : memref<64x12800xf32, #tpu.memory_space<vmem>>, vector<64x256xf32>
    %dot_general3A_350 = arith.constant dense<0.000000e+00> : vector<128x64xf32>
    %dot_general3A_351 = tpu.matmul %convert_element_type3A_3, %get3A_349, %dot_general3A_350 {dimension_numbers = #tpu.dot_dimension_numbers<[1], [1], [0], [0], [0, 0, 1, 0], [], []>, transpose_lhs_hint = false} : vector<128x256xf32>, vector<64x256xf32>, vector<128x64xf32> -> vector<128x64xf32>
    %dot_general3A_352 = arith.constant dense<0.000000e+00> : vector<128x64xf32>
    %dot_general3A_353 = tpu.matmul %convert_element_type3A_11, %get3A_349, %dot_general3A_352 {dimension_numbers = #tpu.dot_dimension_numbers<[1], [1], [0], [0], [0, 0, 1, 0], [], []>, transpose_lhs_hint = false} : vector<128x256xf32>, vector<64x256xf32>, vector<128x64xf32> -> vector<128x64xf32>
    %swap3A_354 = arith.constant 3328 : index
    %swap3A_355 = arith.constant 0 : index
    %swap3A_356 = vector.load %arg2[%swap3A_354, %swap3A_355] : memref<6400x128xf32, #tpu.memory_space<vmem>>, vector<128x64xf32>
    tpu.vector_store %arg2[%swap3A_354, %swap3A_355], %dot_general3A_351 {strides = array<i32>} : memref<6400x128xf32, #tpu.memory_space<vmem>>, vector<128x64xf32>,
    %swap3A_357 = arith.constant 3328 : index
    %swap3A_358 = arith.constant 64 : index
    %swap3A_359 = vector.load %arg2[%swap3A_357, %swap3A_358] : memref<6400x128xf32, #tpu.memory_space<vmem>>, vector<128x64xf32>
    tpu.vector_store %arg2[%swap3A_357, %swap3A_358], %dot_general3A_353 {strides = array<i32>} : memref<6400x128xf32, #tpu.memory_space<vmem>>, vector<128x64xf32>,
    %get3A_360 = arith.constant 0 : index
    %get3A_361 = arith.constant 6912 : index
    %get3A_362 = vector.load %arg1[%get3A_360, %get3A_361] : memref<64x12800xf32, #tpu.memory_space<vmem>>, vector<64x256xf32>
    %dot_general3A_363 = arith.constant dense<0.000000e+00> : vector<128x64xf32>
    %dot_general3A_364 = tpu.matmul %convert_element_type3A_3, %get3A_362, %dot_general3A_363 {dimension_numbers = #tpu.dot_dimension_numbers<[1], [1], [0], [0], [0, 0, 1, 0], [], []>, transpose_lhs_hint = false} : vector<128x256xf32>, vector<64x256xf32>, vector<128x64xf32> -> vector<128x64xf32>
    %dot_general3A_365 = arith.constant dense<0.000000e+00> : vector<128x64xf32>
    %dot_general3A_366 = tpu.matmul %convert_element_type3A_11, %get3A_362, %dot_general3A_365 {dimension_numbers = #tpu.dot_dimension_numbers<[1], [1], [0], [0], [0, 0, 1, 0], [], []>, transpose_lhs_hint = false} : vector<128x256xf32>, vector<64x256xf32>, vector<128x64xf32> -> vector<128x64xf32>
    %swap3A_367 = arith.constant 3456 : index
    %swap3A_368 = arith.constant 0 : index
    %swap3A_369 = vector.load %arg2[%swap3A_367, %swap3A_368] : memref<6400x128xf32, #tpu.memory_space<vmem>>, vector<128x64xf32>
    tpu.vector_store %arg2[%swap3A_367, %swap3A_368], %dot_general3A_364 {strides = array<i32>} : memref<6400x128xf32, #tpu.memory_space<vmem>>, vector<128x64xf32>,
    %swap3A_370 = arith.constant 3456 : index
    %swap3A_371 = arith.constant 64 : index
    %swap3A_372 = vector.load %arg2[%swap3A_370, %swap3A_371] : memref<6400x128xf32, #tpu.memory_space<vmem>>, vector<128x64xf32>
    tpu.vector_store %arg2[%swap3A_370, %swap3A_371], %dot_general3A_366 {strides = array<i32>} : memref<6400x128xf32, #tpu.memory_space<vmem>>, vector<128x64xf32>,
    %get3A_373 = arith.constant 0 : index
    %get3A_374 = arith.constant 7168 : index
    %get3A_375 = vector.load %arg1[%get3A_373, %get3A_374] : memref<64x12800xf32, #tpu.memory_space<vmem>>, vector<64x256xf32>
    %dot_general3A_376 = arith.constant dense<0.000000e+00> : vector<128x64xf32>
    %dot_general3A_377 = tpu.matmul %convert_element_type3A_3, %get3A_375, %dot_general3A_376 {dimension_numbers = #tpu.dot_dimension_numbers<[1], [1], [0], [0], [0, 0, 1, 0], [], []>, transpose_lhs_hint = false} : vector<128x256xf32>, vector<64x256xf32>, vector<128x64xf32> -> vector<128x64xf32>
    %dot_general3A_378 = arith.constant dense<0.000000e+00> : vector<128x64xf32>
    %dot_general3A_379 = tpu.matmul %convert_element_type3A_11, %get3A_375, %dot_general3A_378 {dimension_numbers = #tpu.dot_dimension_numbers<[1], [1], [0], [0], [0, 0, 1, 0], [], []>, transpose_lhs_hint = false} : vector<128x256xf32>, vector<64x256xf32>, vector<128x64xf32> -> vector<128x64xf32>
    %swap3A_380 = arith.constant 3584 : index
    %swap3A_381 = arith.constant 0 : index
    %swap3A_382 = vector.load %arg2[%swap3A_380, %swap3A_381] : memref<6400x128xf32, #tpu.memory_space<vmem>>, vector<128x64xf32>
    tpu.vector_store %arg2[%swap3A_380, %swap3A_381], %dot_general3A_377 {strides = array<i32>} : memref<6400x128xf32, #tpu.memory_space<vmem>>, vector<128x64xf32>,
    %swap3A_383 = arith.constant 3584 : index
    %swap3A_384 = arith.constant 64 : index
    %swap3A_385 = vector.load %arg2[%swap3A_383, %swap3A_384] : memref<6400x128xf32, #tpu.memory_space<vmem>>, vector<128x64xf32>
    tpu.vector_store %arg2[%swap3A_383, %swap3A_384], %dot_general3A_379 {strides = array<i32>} : memref<6400x128xf32, #tpu.memory_space<vmem>>, vector<128x64xf32>,
    %get3A_386 = arith.constant 0 : index
    %get3A_387 = arith.constant 7424 : index
    %get3A_388 = vector.load %arg1[%get3A_386, %get3A_387] : memref<64x12800xf32, #tpu.memory_space<vmem>>, vector<64x256xf32>
    %dot_general3A_389 = arith.constant dense<0.000000e+00> : vector<128x64xf32>
    %dot_general3A_390 = tpu.matmul %convert_element_type3A_3, %get3A_388, %dot_general3A_389 {dimension_numbers = #tpu.dot_dimension_numbers<[1], [1], [0], [0], [0, 0, 1, 0], [], []>, transpose_lhs_hint = false} : vector<128x256xf32>, vector<64x256xf32>, vector<128x64xf32> -> vector<128x64xf32>
    %dot_general3A_391 = arith.constant dense<0.000000e+00> : vector<128x64xf32>
    %dot_general3A_392 = tpu.matmul %convert_element_type3A_11, %get3A_388, %dot_general3A_391 {dimension_numbers = #tpu.dot_dimension_numbers<[1], [1], [0], [0], [0, 0, 1, 0], [], []>, transpose_lhs_hint = false} : vector<128x256xf32>, vector<64x256xf32>, vector<128x64xf32> -> vector<128x64xf32>
    %swap3A_393 = arith.constant 3712 : index
    %swap3A_394 = arith.constant 0 : index
    %swap3A_395 = vector.load %arg2[%swap3A_393, %swap3A_394] : memref<6400x128xf32, #tpu.memory_space<vmem>>, vector<128x64xf32>
    tpu.vector_store %arg2[%swap3A_393, %swap3A_394], %dot_general3A_390 {strides = array<i32>} : memref<6400x128xf32, #tpu.memory_space<vmem>>, vector<128x64xf32>,
    %swap3A_396 = arith.constant 3712 : index
    %swap3A_397 = arith.constant 64 : index
    %swap3A_398 = vector.load %arg2[%swap3A_396, %swap3A_397] : memref<6400x128xf32, #tpu.memory_space<vmem>>, vector<128x64xf32>
    tpu.vector_store %arg2[%swap3A_396, %swap3A_397], %dot_general3A_392 {strides = array<i32>} : memref<6400x128xf32, #tpu.memory_space<vmem>>, vector<128x64xf32>,
    %get3A_399 = arith.constant 0 : index
    %get3A_400 = arith.constant 7680 : index
    %get3A_401 = vector.load %arg1[%get3A_399, %get3A_400] : memref<64x12800xf32, #tpu.memory_space<vmem>>, vector<64x256xf32>
    %dot_general3A_402 = arith.constant dense<0.000000e+00> : vector<128x64xf32>
    %dot_general3A_403 = tpu.matmul %convert_element_type3A_3, %get3A_401, %dot_general3A_402 {dimension_numbers = #tpu.dot_dimension_numbers<[1], [1], [0], [0], [0, 0, 1, 0], [], []>, transpose_lhs_hint = false} : vector<128x256xf32>, vector<64x256xf32>, vector<128x64xf32> -> vector<128x64xf32>
    %dot_general3A_404 = arith.constant dense<0.000000e+00> : vector<128x64xf32>
    %dot_general3A_405 = tpu.matmul %convert_element_type3A_11, %get3A_401, %dot_general3A_404 {dimension_numbers = #tpu.dot_dimension_numbers<[1], [1], [0], [0], [0, 0, 1, 0], [], []>, transpose_lhs_hint = false} : vector<128x256xf32>, vector<64x256xf32>, vector<128x64xf32> -> vector<128x64xf32>
    %swap3A_406 = arith.constant 3840 : index
    %swap3A_407 = arith.constant 0 : index
    %swap3A_408 = vector.load %arg2[%swap3A_406, %swap3A_407] : memref<6400x128xf32, #tpu.memory_space<vmem>>, vector<128x64xf32>
    tpu.vector_store %arg2[%swap3A_406, %swap3A_407], %dot_general3A_403 {strides = array<i32>} : memref<6400x128xf32, #tpu.memory_space<vmem>>, vector<128x64xf32>,
    %swap3A_409 = arith.constant 3840 : index
    %swap3A_410 = arith.constant 64 : index
    %swap3A_411 = vector.load %arg2[%swap3A_409, %swap3A_410] : memref<6400x128xf32, #tpu.memory_space<vmem>>, vector<128x64xf32>
    tpu.vector_store %arg2[%swap3A_409, %swap3A_410], %dot_general3A_405 {strides = array<i32>} : memref<6400x128xf32, #tpu.memory_space<vmem>>, vector<128x64xf32>,
    %get3A_412 = arith.constant 0 : index
    %get3A_413 = arith.constant 7936 : index
    %get3A_414 = vector.load %arg1[%get3A_412, %get3A_413] : memref<64x12800xf32, #tpu.memory_space<vmem>>, vector<64x256xf32>
    %dot_general3A_415 = arith.constant dense<0.000000e+00> : vector<128x64xf32>
    %dot_general3A_416 = tpu.matmul %convert_element_type3A_3, %get3A_414, %dot_general3A_415 {dimension_numbers = #tpu.dot_dimension_numbers<[1], [1], [0], [0], [0, 0, 1, 0], [], []>, transpose_lhs_hint = false} : vector<128x256xf32>, vector<64x256xf32>, vector<128x64xf32> -> vector<128x64xf32>
    %dot_general3A_417 = arith.constant dense<0.000000e+00> : vector<128x64xf32>
    %dot_general3A_418 = tpu.matmul %convert_element_type3A_11, %get3A_414, %dot_general3A_417 {dimension_numbers = #tpu.dot_dimension_numbers<[1], [1], [0], [0], [0, 0, 1, 0], [], []>, transpose_lhs_hint = false} : vector<128x256xf32>, vector<64x256xf32>, vector<128x64xf32> -> vector<128x64xf32>
    %swap3A_419 = arith.constant 3968 : index
    %swap3A_420 = arith.constant 0 : index
    %swap3A_421 = vector.load %arg2[%swap3A_419, %swap3A_420] : memref<6400x128xf32, #tpu.memory_space<vmem>>, vector<128x64xf32>
    tpu.vector_store %arg2[%swap3A_419, %swap3A_420], %dot_general3A_416 {strides = array<i32>} : memref<6400x128xf32, #tpu.memory_space<vmem>>, vector<128x64xf32>,
    %swap3A_422 = arith.constant 3968 : index
    %swap3A_423 = arith.constant 64 : index
    %swap3A_424 = vector.load %arg2[%swap3A_422, %swap3A_423] : memref<6400x128xf32, #tpu.memory_space<vmem>>, vector<128x64xf32>
    tpu.vector_store %arg2[%swap3A_422, %swap3A_423], %dot_general3A_418 {strides = array<i32>} : memref<6400x128xf32, #tpu.memory_space<vmem>>, vector<128x64xf32>,
    %get3A_425 = arith.constant 0 : index
    %get3A_426 = arith.constant 8192 : index
    %get3A_427 = vector.load %arg1[%get3A_425, %get3A_426] : memref<64x12800xf32, #tpu.memory_space<vmem>>, vector<64x256xf32>
    %dot_general3A_428 = arith.constant dense<0.000000e+00> : vector<128x64xf32>
    %dot_general3A_429 = tpu.matmul %convert_element_type3A_3, %get3A_427, %dot_general3A_428 {dimension_numbers = #tpu.dot_dimension_numbers<[1], [1], [0], [0], [0, 0, 1, 0], [], []>, transpose_lhs_hint = false} : vector<128x256xf32>, vector<64x256xf32>, vector<128x64xf32> -> vector<128x64xf32>
    %dot_general3A_430 = arith.constant dense<0.000000e+00> : vector<128x64xf32>
    %dot_general3A_431 = tpu.matmul %convert_element_type3A_11, %get3A_427, %dot_general3A_430 {dimension_numbers = #tpu.dot_dimension_numbers<[1], [1], [0], [0], [0, 0, 1, 0], [], []>, transpose_lhs_hint = false} : vector<128x256xf32>, vector<64x256xf32>, vector<128x64xf32> -> vector<128x64xf32>
    %swap3A_432 = arith.constant 4096 : index
    %swap3A_433 = arith.constant 0 : index
    %swap3A_434 = vector.load %arg2[%swap3A_432, %swap3A_433] : memref<6400x128xf32, #tpu.memory_space<vmem>>, vector<128x64xf32>
    tpu.vector_store %arg2[%swap3A_432, %swap3A_433], %dot_general3A_429 {strides = array<i32>} : memref<6400x128xf32, #tpu.memory_space<vmem>>, vector<128x64xf32>,
    %swap3A_435 = arith.constant 4096 : index
    %swap3A_436 = arith.constant 64 : index
    %swap3A_437 = vector.load %arg2[%swap3A_435, %swap3A_436] : memref<6400x128xf32, #tpu.memory_space<vmem>>, vector<128x64xf32>
    tpu.vector_store %arg2[%swap3A_435, %swap3A_436], %dot_general3A_431 {strides = array<i32>} : memref<6400x128xf32, #tpu.memory_space<vmem>>, vector<128x64xf32>,
    %get3A_438 = arith.constant 0 : index
    %get3A_439 = arith.constant 8448 : index
    %get3A_440 = vector.load %arg1[%get3A_438, %get3A_439] : memref<64x12800xf32, #tpu.memory_space<vmem>>, vector<64x256xf32>
    %dot_general3A_441 = arith.constant dense<0.000000e+00> : vector<128x64xf32>
    %dot_general3A_442 = tpu.matmul %convert_element_type3A_3, %get3A_440, %dot_general3A_441 {dimension_numbers = #tpu.dot_dimension_numbers<[1], [1], [0], [0], [0, 0, 1, 0], [], []>, transpose_lhs_hint = false} : vector<128x256xf32>, vector<64x256xf32>, vector<128x64xf32> -> vector<128x64xf32>
    %dot_general3A_443 = arith.constant dense<0.000000e+00> : vector<128x64xf32>
    %dot_general3A_444 = tpu.matmul %convert_element_type3A_11, %get3A_440, %dot_general3A_443 {dimension_numbers = #tpu.dot_dimension_numbers<[1], [1], [0], [0], [0, 0, 1, 0], [], []>, transpose_lhs_hint = false} : vector<128x256xf32>, vector<64x256xf32>, vector<128x64xf32> -> vector<128x64xf32>
    %swap3A_445 = arith.constant 4224 : index
    %swap3A_446 = arith.constant 0 : index
    %swap3A_447 = vector.load %arg2[%swap3A_445, %swap3A_446] : memref<6400x128xf32, #tpu.memory_space<vmem>>, vector<128x64xf32>
    tpu.vector_store %arg2[%swap3A_445, %swap3A_446], %dot_general3A_442 {strides = array<i32>} : memref<6400x128xf32, #tpu.memory_space<vmem>>, vector<128x64xf32>,
    %swap3A_448 = arith.constant 4224 : index
    %swap3A_449 = arith.constant 64 : index
    %swap3A_450 = vector.load %arg2[%swap3A_448, %swap3A_449] : memref<6400x128xf32, #tpu.memory_space<vmem>>, vector<128x64xf32>
    tpu.vector_store %arg2[%swap3A_448, %swap3A_449], %dot_general3A_444 {strides = array<i32>} : memref<6400x128xf32, #tpu.memory_space<vmem>>, vector<128x64xf32>,
    %get3A_451 = arith.constant 0 : index
    %get3A_452 = arith.constant 8704 : index
    %get3A_453 = vector.load %arg1[%get3A_451, %get3A_452] : memref<64x12800xf32, #tpu.memory_space<vmem>>, vector<64x256xf32>
    %dot_general3A_454 = arith.constant dense<0.000000e+00> : vector<128x64xf32>
    %dot_general3A_455 = tpu.matmul %convert_element_type3A_3, %get3A_453, %dot_general3A_454 {dimension_numbers = #tpu.dot_dimension_numbers<[1], [1], [0], [0], [0, 0, 1, 0], [], []>, transpose_lhs_hint = false} : vector<128x256xf32>, vector<64x256xf32>, vector<128x64xf32> -> vector<128x64xf32>
    %dot_general3A_456 = arith.constant dense<0.000000e+00> : vector<128x64xf32>
    %dot_general3A_457 = tpu.matmul %convert_element_type3A_11, %get3A_453, %dot_general3A_456 {dimension_numbers = #tpu.dot_dimension_numbers<[1], [1], [0], [0], [0, 0, 1, 0], [], []>, transpose_lhs_hint = false} : vector<128x256xf32>, vector<64x256xf32>, vector<128x64xf32> -> vector<128x64xf32>
    %swap3A_458 = arith.constant 4352 : index
    %swap3A_459 = arith.constant 0 : index
    %swap3A_460 = vector.load %arg2[%swap3A_458, %swap3A_459] : memref<6400x128xf32, #tpu.memory_space<vmem>>, vector<128x64xf32>
    tpu.vector_store %arg2[%swap3A_458, %swap3A_459], %dot_general3A_455 {strides = array<i32>} : memref<6400x128xf32, #tpu.memory_space<vmem>>, vector<128x64xf32>,
    %swap3A_461 = arith.constant 4352 : index
    %swap3A_462 = arith.constant 64 : index
    %swap3A_463 = vector.load %arg2[%swap3A_461, %swap3A_462] : memref<6400x128xf32, #tpu.memory_space<vmem>>, vector<128x64xf32>
    tpu.vector_store %arg2[%swap3A_461, %swap3A_462], %dot_general3A_457 {strides = array<i32>} : memref<6400x128xf32, #tpu.memory_space<vmem>>, vector<128x64xf32>,
    %get3A_464 = arith.constant 0 : index
    %get3A_465 = arith.constant 8960 : index
    %get3A_466 = vector.load %arg1[%get3A_464, %get3A_465] : memref<64x12800xf32, #tpu.memory_space<vmem>>, vector<64x256xf32>
    %dot_general3A_467 = arith.constant dense<0.000000e+00> : vector<128x64xf32>
    %dot_general3A_468 = tpu.matmul %convert_element_type3A_3, %get3A_466, %dot_general3A_467 {dimension_numbers = #tpu.dot_dimension_numbers<[1], [1], [0], [0], [0, 0, 1, 0], [], []>, transpose_lhs_hint = false} : vector<128x256xf32>, vector<64x256xf32>, vector<128x64xf32> -> vector<128x64xf32>
    %dot_general3A_469 = arith.constant dense<0.000000e+00> : vector<128x64xf32>
    %dot_general3A_470 = tpu.matmul %convert_element_type3A_11, %get3A_466, %dot_general3A_469 {dimension_numbers = #tpu.dot_dimension_numbers<[1], [1], [0], [0], [0, 0, 1, 0], [], []>, transpose_lhs_hint = false} : vector<128x256xf32>, vector<64x256xf32>, vector<128x64xf32> -> vector<128x64xf32>
    %swap3A_471 = arith.constant 4480 : index
    %swap3A_472 = arith.constant 0 : index
    %swap3A_473 = vector.load %arg2[%swap3A_471, %swap3A_472] : memref<6400x128xf32, #tpu.memory_space<vmem>>, vector<128x64xf32>
    tpu.vector_store %arg2[%swap3A_471, %swap3A_472], %dot_general3A_468 {strides = array<i32>} : memref<6400x128xf32, #tpu.memory_space<vmem>>, vector<128x64xf32>,
    %swap3A_474 = arith.constant 4480 : index
    %swap3A_475 = arith.constant 64 : index
    %swap3A_476 = vector.load %arg2[%swap3A_474, %swap3A_475] : memref<6400x128xf32, #tpu.memory_space<vmem>>, vector<128x64xf32>
    tpu.vector_store %arg2[%swap3A_474, %swap3A_475], %dot_general3A_470 {strides = array<i32>} : memref<6400x128xf32, #tpu.memory_space<vmem>>, vector<128x64xf32>,
    %get3A_477 = arith.constant 0 : index
    %get3A_478 = arith.constant 9216 : index
    %get3A_479 = vector.load %arg1[%get3A_477, %get3A_478] : memref<64x12800xf32, #tpu.memory_space<vmem>>, vector<64x256xf32>
    %dot_general3A_480 = arith.constant dense<0.000000e+00> : vector<128x64xf32>
    %dot_general3A_481 = tpu.matmul %convert_element_type3A_3, %get3A_479, %dot_general3A_480 {dimension_numbers = #tpu.dot_dimension_numbers<[1], [1], [0], [0], [0, 0, 1, 0], [], []>, transpose_lhs_hint = false} : vector<128x256xf32>, vector<64x256xf32>, vector<128x64xf32> -> vector<128x64xf32>
    %dot_general3A_482 = arith.constant dense<0.000000e+00> : vector<128x64xf32>
    %dot_general3A_483 = tpu.matmul %convert_element_type3A_11, %get3A_479, %dot_general3A_482 {dimension_numbers = #tpu.dot_dimension_numbers<[1], [1], [0], [0], [0, 0, 1, 0], [], []>, transpose_lhs_hint = false} : vector<128x256xf32>, vector<64x256xf32>, vector<128x64xf32> -> vector<128x64xf32>
    %swap3A_484 = arith.constant 4608 : index
    %swap3A_485 = arith.constant 0 : index
    %swap3A_486 = vector.load %arg2[%swap3A_484, %swap3A_485] : memref<6400x128xf32, #tpu.memory_space<vmem>>, vector<128x64xf32>
    tpu.vector_store %arg2[%swap3A_484, %swap3A_485], %dot_general3A_481 {strides = array<i32>} : memref<6400x128xf32, #tpu.memory_space<vmem>>, vector<128x64xf32>,
    %swap3A_487 = arith.constant 4608 : index
    %swap3A_488 = arith.constant 64 : index
    %swap3A_489 = vector.load %arg2[%swap3A_487, %swap3A_488] : memref<6400x128xf32, #tpu.memory_space<vmem>>, vector<128x64xf32>
    tpu.vector_store %arg2[%swap3A_487, %swap3A_488], %dot_general3A_483 {strides = array<i32>} : memref<6400x128xf32, #tpu.memory_space<vmem>>, vector<128x64xf32>,
    %get3A_490 = arith.constant 0 : index
    %get3A_491 = arith.constant 9472 : index
    %get3A_492 = vector.load %arg1[%get3A_490, %get3A_491] : memref<64x12800xf32, #tpu.memory_space<vmem>>, vector<64x256xf32>
    %dot_general3A_493 = arith.constant dense<0.000000e+00> : vector<128x64xf32>
    %dot_general3A_494 = tpu.matmul %convert_element_type3A_3, %get3A_492, %dot_general3A_493 {dimension_numbers = #tpu.dot_dimension_numbers<[1], [1], [0], [0], [0, 0, 1, 0], [], []>, transpose_lhs_hint = false} : vector<128x256xf32>, vector<64x256xf32>, vector<128x64xf32> -> vector<128x64xf32>
    %dot_general3A_495 = arith.constant dense<0.000000e+00> : vector<128x64xf32>
    %dot_general3A_496 = tpu.matmul %convert_element_type3A_11, %get3A_492, %dot_general3A_495 {dimension_numbers = #tpu.dot_dimension_numbers<[1], [1], [0], [0], [0, 0, 1, 0], [], []>, transpose_lhs_hint = false} : vector<128x256xf32>, vector<64x256xf32>, vector<128x64xf32> -> vector<128x64xf32>
    %swap3A_497 = arith.constant 4736 : index
    %swap3A_498 = arith.constant 0 : index
    %swap3A_499 = vector.load %arg2[%swap3A_497, %swap3A_498] : memref<6400x128xf32, #tpu.memory_space<vmem>>, vector<128x64xf32>
    tpu.vector_store %arg2[%swap3A_497, %swap3A_498], %dot_general3A_494 {strides = array<i32>} : memref<6400x128xf32, #tpu.memory_space<vmem>>, vector<128x64xf32>,
    %swap3A_500 = arith.constant 4736 : index
    %swap3A_501 = arith.constant 64 : index
    %swap3A_502 = vector.load %arg2[%swap3A_500, %swap3A_501] : memref<6400x128xf32, #tpu.memory_space<vmem>>, vector<128x64xf32>
    tpu.vector_store %arg2[%swap3A_500, %swap3A_501], %dot_general3A_496 {strides = array<i32>} : memref<6400x128xf32, #tpu.memory_space<vmem>>, vector<128x64xf32>,
    %get3A_503 = arith.constant 0 : index
    %get3A_504 = arith.constant 9728 : index
    %get3A_505 = vector.load %arg1[%get3A_503, %get3A_504] : memref<64x12800xf32, #tpu.memory_space<vmem>>, vector<64x256xf32>
    %dot_general3A_506 = arith.constant dense<0.000000e+00> : vector<128x64xf32>
    %dot_general3A_507 = tpu.matmul %convert_element_type3A_3, %get3A_505, %dot_general3A_506 {dimension_numbers = #tpu.dot_dimension_numbers<[1], [1], [0], [0], [0, 0, 1, 0], [], []>, transpose_lhs_hint = false} : vector<128x256xf32>, vector<64x256xf32>, vector<128x64xf32> -> vector<128x64xf32>
    %dot_general3A_508 = arith.constant dense<0.000000e+00> : vector<128x64xf32>
    %dot_general3A_509 = tpu.matmul %convert_element_type3A_11, %get3A_505, %dot_general3A_508 {dimension_numbers = #tpu.dot_dimension_numbers<[1], [1], [0], [0], [0, 0, 1, 0], [], []>, transpose_lhs_hint = false} : vector<128x256xf32>, vector<64x256xf32>, vector<128x64xf32> -> vector<128x64xf32>
    %swap3A_510 = arith.constant 4864 : index
    %swap3A_511 = arith.constant 0 : index
    %swap3A_512 = vector.load %arg2[%swap3A_510, %swap3A_511] : memref<6400x128xf32, #tpu.memory_space<vmem>>, vector<128x64xf32>
    tpu.vector_store %arg2[%swap3A_510, %swap3A_511], %dot_general3A_507 {strides = array<i32>} : memref<6400x128xf32, #tpu.memory_space<vmem>>, vector<128x64xf32>,
    %swap3A_513 = arith.constant 4864 : index
    %swap3A_514 = arith.constant 64 : index
    %swap3A_515 = vector.load %arg2[%swap3A_513, %swap3A_514] : memref<6400x128xf32, #tpu.memory_space<vmem>>, vector<128x64xf32>
    tpu.vector_store %arg2[%swap3A_513, %swap3A_514], %dot_general3A_509 {strides = array<i32>} : memref<6400x128xf32, #tpu.memory_space<vmem>>, vector<128x64xf32>,
    %get3A_516 = arith.constant 0 : index
    %get3A_517 = arith.constant 9984 : index
    %get3A_518 = vector.load %arg1[%get3A_516, %get3A_517] : memref<64x12800xf32, #tpu.memory_space<vmem>>, vector<64x256xf32>
    %dot_general3A_519 = arith.constant dense<0.000000e+00> : vector<128x64xf32>
    %dot_general3A_520 = tpu.matmul %convert_element_type3A_3, %get3A_518, %dot_general3A_519 {dimension_numbers = #tpu.dot_dimension_numbers<[1], [1], [0], [0], [0, 0, 1, 0], [], []>, transpose_lhs_hint = false} : vector<128x256xf32>, vector<64x256xf32>, vector<128x64xf32> -> vector<128x64xf32>
    %dot_general3A_521 = arith.constant dense<0.000000e+00> : vector<128x64xf32>
    %dot_general3A_522 = tpu.matmul %convert_element_type3A_11, %get3A_518, %dot_general3A_521 {dimension_numbers = #tpu.dot_dimension_numbers<[1], [1], [0], [0], [0, 0, 1, 0], [], []>, transpose_lhs_hint = false} : vector<128x256xf32>, vector<64x256xf32>, vector<128x64xf32> -> vector<128x64xf32>
    %swap3A_523 = arith.constant 4992 : index
    %swap3A_524 = arith.constant 0 : index
    %swap3A_525 = vector.load %arg2[%swap3A_523, %swap3A_524] : memref<6400x128xf32, #tpu.memory_space<vmem>>, vector<128x64xf32>
    tpu.vector_store %arg2[%swap3A_523, %swap3A_524], %dot_general3A_520 {strides = array<i32>} : memref<6400x128xf32, #tpu.memory_space<vmem>>, vector<128x64xf32>,
    %swap3A_526 = arith.constant 4992 : index
    %swap3A_527 = arith.constant 64 : index
    %swap3A_528 = vector.load %arg2[%swap3A_526, %swap3A_527] : memref<6400x128xf32, #tpu.memory_space<vmem>>, vector<128x64xf32>
    tpu.vector_store %arg2[%swap3A_526, %swap3A_527], %dot_general3A_522 {strides = array<i32>} : memref<6400x128xf32, #tpu.memory_space<vmem>>, vector<128x64xf32>,
    %get3A_529 = arith.constant 0 : index
    %get3A_530 = arith.constant 10240 : index
    %get3A_531 = vector.load %arg1[%get3A_529, %get3A_530] : memref<64x12800xf32, #tpu.memory_space<vmem>>, vector<64x256xf32>
    %dot_general3A_532 = arith.constant dense<0.000000e+00> : vector<128x64xf32>
    %dot_general3A_533 = tpu.matmul %convert_element_type3A_3, %get3A_531, %dot_general3A_532 {dimension_numbers = #tpu.dot_dimension_numbers<[1], [1], [0], [0], [0, 0, 1, 0], [], []>, transpose_lhs_hint = false} : vector<128x256xf32>, vector<64x256xf32>, vector<128x64xf32> -> vector<128x64xf32>
    %dot_general3A_534 = arith.constant dense<0.000000e+00> : vector<128x64xf32>
    %dot_general3A_535 = tpu.matmul %convert_element_type3A_11, %get3A_531, %dot_general3A_534 {dimension_numbers = #tpu.dot_dimension_numbers<[1], [1], [0], [0], [0, 0, 1, 0], [], []>, transpose_lhs_hint = false} : vector<128x256xf32>, vector<64x256xf32>, vector<128x64xf32> -> vector<128x64xf32>
    %swap3A_536 = arith.constant 5120 : index
    %swap3A_537 = arith.constant 0 : index
    %swap3A_538 = vector.load %arg2[%swap3A_536, %swap3A_537] : memref<6400x128xf32, #tpu.memory_space<vmem>>, vector<128x64xf32>
    tpu.vector_store %arg2[%swap3A_536, %swap3A_537], %dot_general3A_533 {strides = array<i32>} : memref<6400x128xf32, #tpu.memory_space<vmem>>, vector<128x64xf32>,
    %swap3A_539 = arith.constant 5120 : index
    %swap3A_540 = arith.constant 64 : index
    %swap3A_541 = vector.load %arg2[%swap3A_539, %swap3A_540] : memref<6400x128xf32, #tpu.memory_space<vmem>>, vector<128x64xf32>
    tpu.vector_store %arg2[%swap3A_539, %swap3A_540], %dot_general3A_535 {strides = array<i32>} : memref<6400x128xf32, #tpu.memory_space<vmem>>, vector<128x64xf32>,
    %get3A_542 = arith.constant 0 : index
    %get3A_543 = arith.constant 10496 : index
    %get3A_544 = vector.load %arg1[%get3A_542, %get3A_543] : memref<64x12800xf32, #tpu.memory_space<vmem>>, vector<64x256xf32>
    %dot_general3A_545 = arith.constant dense<0.000000e+00> : vector<128x64xf32>
    %dot_general3A_546 = tpu.matmul %convert_element_type3A_3, %get3A_544, %dot_general3A_545 {dimension_numbers = #tpu.dot_dimension_numbers<[1], [1], [0], [0], [0, 0, 1, 0], [], []>, transpose_lhs_hint = false} : vector<128x256xf32>, vector<64x256xf32>, vector<128x64xf32> -> vector<128x64xf32>
    %dot_general3A_547 = arith.constant dense<0.000000e+00> : vector<128x64xf32>
    %dot_general3A_548 = tpu.matmul %convert_element_type3A_11, %get3A_544, %dot_general3A_547 {dimension_numbers = #tpu.dot_dimension_numbers<[1], [1], [0], [0], [0, 0, 1, 0], [], []>, transpose_lhs_hint = false} : vector<128x256xf32>, vector<64x256xf32>, vector<128x64xf32> -> vector<128x64xf32>
    %swap3A_549 = arith.constant 5248 : index
    %swap3A_550 = arith.constant 0 : index
    %swap3A_551 = vector.load %arg2[%swap3A_549, %swap3A_550] : memref<6400x128xf32, #tpu.memory_space<vmem>>, vector<128x64xf32>
    tpu.vector_store %arg2[%swap3A_549, %swap3A_550], %dot_general3A_546 {strides = array<i32>} : memref<6400x128xf32, #tpu.memory_space<vmem>>, vector<128x64xf32>,
    %swap3A_552 = arith.constant 5248 : index
    %swap3A_553 = arith.constant 64 : index
    %swap3A_554 = vector.load %arg2[%swap3A_552, %swap3A_553] : memref<6400x128xf32, #tpu.memory_space<vmem>>, vector<128x64xf32>
    tpu.vector_store %arg2[%swap3A_552, %swap3A_553], %dot_general3A_548 {strides = array<i32>} : memref<6400x128xf32, #tpu.memory_space<vmem>>, vector<128x64xf32>,
    %get3A_555 = arith.constant 0 : index
    %get3A_556 = arith.constant 10752 : index
    %get3A_557 = vector.load %arg1[%get3A_555, %get3A_556] : memref<64x12800xf32, #tpu.memory_space<vmem>>, vector<64x256xf32>
    %dot_general3A_558 = arith.constant dense<0.000000e+00> : vector<128x64xf32>
    %dot_general3A_559 = tpu.matmul %convert_element_type3A_3, %get3A_557, %dot_general3A_558 {dimension_numbers = #tpu.dot_dimension_numbers<[1], [1], [0], [0], [0, 0, 1, 0], [], []>, transpose_lhs_hint = false} : vector<128x256xf32>, vector<64x256xf32>, vector<128x64xf32> -> vector<128x64xf32>
    %dot_general3A_560 = arith.constant dense<0.000000e+00> : vector<128x64xf32>
    %dot_general3A_561 = tpu.matmul %convert_element_type3A_11, %get3A_557, %dot_general3A_560 {dimension_numbers = #tpu.dot_dimension_numbers<[1], [1], [0], [0], [0, 0, 1, 0], [], []>, transpose_lhs_hint = false} : vector<128x256xf32>, vector<64x256xf32>, vector<128x64xf32> -> vector<128x64xf32>
    %swap3A_562 = arith.constant 5376 : index
    %swap3A_563 = arith.constant 0 : index
    %swap3A_564 = vector.load %arg2[%swap3A_562, %swap3A_563] : memref<6400x128xf32, #tpu.memory_space<vmem>>, vector<128x64xf32>
    tpu.vector_store %arg2[%swap3A_562, %swap3A_563], %dot_general3A_559 {strides = array<i32>} : memref<6400x128xf32, #tpu.memory_space<vmem>>, vector<128x64xf32>,
    %swap3A_565 = arith.constant 5376 : index
    %swap3A_566 = arith.constant 64 : index
    %swap3A_567 = vector.load %arg2[%swap3A_565, %swap3A_566] : memref<6400x128xf32, #tpu.memory_space<vmem>>, vector<128x64xf32>
    tpu.vector_store %arg2[%swap3A_565, %swap3A_566], %dot_general3A_561 {strides = array<i32>} : memref<6400x128xf32, #tpu.memory_space<vmem>>, vector<128x64xf32>,
    %get3A_568 = arith.constant 0 : index
    %get3A_569 = arith.constant 11008 : index
    %get3A_570 = vector.load %arg1[%get3A_568, %get3A_569] : memref<64x12800xf32, #tpu.memory_space<vmem>>, vector<64x256xf32>
    %dot_general3A_571 = arith.constant dense<0.000000e+00> : vector<128x64xf32>
    %dot_general3A_572 = tpu.matmul %convert_element_type3A_3, %get3A_570, %dot_general3A_571 {dimension_numbers = #tpu.dot_dimension_numbers<[1], [1], [0], [0], [0, 0, 1, 0], [], []>, transpose_lhs_hint = false} : vector<128x256xf32>, vector<64x256xf32>, vector<128x64xf32> -> vector<128x64xf32>
    %dot_general3A_573 = arith.constant dense<0.000000e+00> : vector<128x64xf32>
    %dot_general3A_574 = tpu.matmul %convert_element_type3A_11, %get3A_570, %dot_general3A_573 {dimension_numbers = #tpu.dot_dimension_numbers<[1], [1], [0], [0], [0, 0, 1, 0], [], []>, transpose_lhs_hint = false} : vector<128x256xf32>, vector<64x256xf32>, vector<128x64xf32> -> vector<128x64xf32>
    %swap3A_575 = arith.constant 5504 : index
    %swap3A_576 = arith.constant 0 : index
    %swap3A_577 = vector.load %arg2[%swap3A_575, %swap3A_576] : memref<6400x128xf32, #tpu.memory_space<vmem>>, vector<128x64xf32>
    tpu.vector_store %arg2[%swap3A_575, %swap3A_576], %dot_general3A_572 {strides = array<i32>} : memref<6400x128xf32, #tpu.memory_space<vmem>>, vector<128x64xf32>,
    %swap3A_578 = arith.constant 5504 : index
    %swap3A_579 = arith.constant 64 : index
    %swap3A_580 = vector.load %arg2[%swap3A_578, %swap3A_579] : memref<6400x128xf32, #tpu.memory_space<vmem>>, vector<128x64xf32>
    tpu.vector_store %arg2[%swap3A_578, %swap3A_579], %dot_general3A_574 {strides = array<i32>} : memref<6400x128xf32, #tpu.memory_space<vmem>>, vector<128x64xf32>,
    %get3A_581 = arith.constant 0 : index
    %get3A_582 = arith.constant 11264 : index
    %get3A_583 = vector.load %arg1[%get3A_581, %get3A_582] : memref<64x12800xf32, #tpu.memory_space<vmem>>, vector<64x256xf32>
    %dot_general3A_584 = arith.constant dense<0.000000e+00> : vector<128x64xf32>
    %dot_general3A_585 = tpu.matmul %convert_element_type3A_3, %get3A_583, %dot_general3A_584 {dimension_numbers = #tpu.dot_dimension_numbers<[1], [1], [0], [0], [0, 0, 1, 0], [], []>, transpose_lhs_hint = false} : vector<128x256xf32>, vector<64x256xf32>, vector<128x64xf32> -> vector<128x64xf32>
    %dot_general3A_586 = arith.constant dense<0.000000e+00> : vector<128x64xf32>
    %dot_general3A_587 = tpu.matmul %convert_element_type3A_11, %get3A_583, %dot_general3A_586 {dimension_numbers = #tpu.dot_dimension_numbers<[1], [1], [0], [0], [0, 0, 1, 0], [], []>, transpose_lhs_hint = false} : vector<128x256xf32>, vector<64x256xf32>, vector<128x64xf32> -> vector<128x64xf32>
    %swap3A_588 = arith.constant 5632 : index
    %swap3A_589 = arith.constant 0 : index
    %swap3A_590 = vector.load %arg2[%swap3A_588, %swap3A_589] : memref<6400x128xf32, #tpu.memory_space<vmem>>, vector<128x64xf32>
    tpu.vector_store %arg2[%swap3A_588, %swap3A_589], %dot_general3A_585 {strides = array<i32>} : memref<6400x128xf32, #tpu.memory_space<vmem>>, vector<128x64xf32>,
    %swap3A_591 = arith.constant 5632 : index
    %swap3A_592 = arith.constant 64 : index
    %swap3A_593 = vector.load %arg2[%swap3A_591, %swap3A_592] : memref<6400x128xf32, #tpu.memory_space<vmem>>, vector<128x64xf32>
    tpu.vector_store %arg2[%swap3A_591, %swap3A_592], %dot_general3A_587 {strides = array<i32>} : memref<6400x128xf32, #tpu.memory_space<vmem>>, vector<128x64xf32>,
    %get3A_594 = arith.constant 0 : index
    %get3A_595 = arith.constant 11520 : index
    %get3A_596 = vector.load %arg1[%get3A_594, %get3A_595] : memref<64x12800xf32, #tpu.memory_space<vmem>>, vector<64x256xf32>
    %dot_general3A_597 = arith.constant dense<0.000000e+00> : vector<128x64xf32>
    %dot_general3A_598 = tpu.matmul %convert_element_type3A_3, %get3A_596, %dot_general3A_597 {dimension_numbers = #tpu.dot_dimension_numbers<[1], [1], [0], [0], [0, 0, 1, 0], [], []>, transpose_lhs_hint = false} : vector<128x256xf32>, vector<64x256xf32>, vector<128x64xf32> -> vector<128x64xf32>
    %dot_general3A_599 = arith.constant dense<0.000000e+00> : vector<128x64xf32>
    %dot_general3A_600 = tpu.matmul %convert_element_type3A_11, %get3A_596, %dot_general3A_599 {dimension_numbers = #tpu.dot_dimension_numbers<[1], [1], [0], [0], [0, 0, 1, 0], [], []>, transpose_lhs_hint = false} : vector<128x256xf32>, vector<64x256xf32>, vector<128x64xf32> -> vector<128x64xf32>
    %swap3A_601 = arith.constant 5760 : index
    %swap3A_602 = arith.constant 0 : index
    %swap3A_603 = vector.load %arg2[%swap3A_601, %swap3A_602] : memref<6400x128xf32, #tpu.memory_space<vmem>>, vector<128x64xf32>
    tpu.vector_store %arg2[%swap3A_601, %swap3A_602], %dot_general3A_598 {strides = array<i32>} : memref<6400x128xf32, #tpu.memory_space<vmem>>, vector<128x64xf32>,
    %swap3A_604 = arith.constant 5760 : index
    %swap3A_605 = arith.constant 64 : index
    %swap3A_606 = vector.load %arg2[%swap3A_604, %swap3A_605] : memref<6400x128xf32, #tpu.memory_space<vmem>>, vector<128x64xf32>
    tpu.vector_store %arg2[%swap3A_604, %swap3A_605], %dot_general3A_600 {strides = array<i32>} : memref<6400x128xf32, #tpu.memory_space<vmem>>, vector<128x64xf32>,
    %get3A_607 = arith.constant 0 : index
    %get3A_608 = arith.constant 11776 : index
    %get3A_609 = vector.load %arg1[%get3A_607, %get3A_608] : memref<64x12800xf32, #tpu.memory_space<vmem>>, vector<64x256xf32>
    %dot_general3A_610 = arith.constant dense<0.000000e+00> : vector<128x64xf32>
    %dot_general3A_611 = tpu.matmul %convert_element_type3A_3, %get3A_609, %dot_general3A_610 {dimension_numbers = #tpu.dot_dimension_numbers<[1], [1], [0], [0], [0, 0, 1, 0], [], []>, transpose_lhs_hint = false} : vector<128x256xf32>, vector<64x256xf32>, vector<128x64xf32> -> vector<128x64xf32>
    %dot_general3A_612 = arith.constant dense<0.000000e+00> : vector<128x64xf32>
    %dot_general3A_613 = tpu.matmul %convert_element_type3A_11, %get3A_609, %dot_general3A_612 {dimension_numbers = #tpu.dot_dimension_numbers<[1], [1], [0], [0], [0, 0, 1, 0], [], []>, transpose_lhs_hint = false} : vector<128x256xf32>, vector<64x256xf32>, vector<128x64xf32> -> vector<128x64xf32>
    %swap3A_614 = arith.constant 5888 : index
    %swap3A_615 = arith.constant 0 : index
    %swap3A_616 = vector.load %arg2[%swap3A_614, %swap3A_615] : memref<6400x128xf32, #tpu.memory_space<vmem>>, vector<128x64xf32>
    tpu.vector_store %arg2[%swap3A_614, %swap3A_615], %dot_general3A_611 {strides = array<i32>} : memref<6400x128xf32, #tpu.memory_space<vmem>>, vector<128x64xf32>,
    %swap3A_617 = arith.constant 5888 : index
    %swap3A_618 = arith.constant 64 : index
    %swap3A_619 = vector.load %arg2[%swap3A_617, %swap3A_618] : memref<6400x128xf32, #tpu.memory_space<vmem>>, vector<128x64xf32>
    tpu.vector_store %arg2[%swap3A_617, %swap3A_618], %dot_general3A_613 {strides = array<i32>} : memref<6400x128xf32, #tpu.memory_space<vmem>>, vector<128x64xf32>,
    %get3A_620 = arith.constant 0 : index
    %get3A_621 = arith.constant 12032 : index
    %get3A_622 = vector.load %arg1[%get3A_620, %get3A_621] : memref<64x12800xf32, #tpu.memory_space<vmem>>, vector<64x256xf32>
    %dot_general3A_623 = arith.constant dense<0.000000e+00> : vector<128x64xf32>
    %dot_general3A_624 = tpu.matmul %convert_element_type3A_3, %get3A_622, %dot_general3A_623 {dimension_numbers = #tpu.dot_dimension_numbers<[1], [1], [0], [0], [0, 0, 1, 0], [], []>, transpose_lhs_hint = false} : vector<128x256xf32>, vector<64x256xf32>, vector<128x64xf32> -> vector<128x64xf32>
    %dot_general3A_625 = arith.constant dense<0.000000e+00> : vector<128x64xf32>
    %dot_general3A_626 = tpu.matmul %convert_element_type3A_11, %get3A_622, %dot_general3A_625 {dimension_numbers = #tpu.dot_dimension_numbers<[1], [1], [0], [0], [0, 0, 1, 0], [], []>, transpose_lhs_hint = false} : vector<128x256xf32>, vector<64x256xf32>, vector<128x64xf32> -> vector<128x64xf32>
    %swap3A_627 = arith.constant 6016 : index
    %swap3A_628 = arith.constant 0 : index
    %swap3A_629 = vector.load %arg2[%swap3A_627, %swap3A_628] : memref<6400x128xf32, #tpu.memory_space<vmem>>, vector<128x64xf32>
    tpu.vector_store %arg2[%swap3A_627, %swap3A_628], %dot_general3A_624 {strides = array<i32>} : memref<6400x128xf32, #tpu.memory_space<vmem>>, vector<128x64xf32>,
    %swap3A_630 = arith.constant 6016 : index
    %swap3A_631 = arith.constant 64 : index
    %swap3A_632 = vector.load %arg2[%swap3A_630, %swap3A_631] : memref<6400x128xf32, #tpu.memory_space<vmem>>, vector<128x64xf32>
    tpu.vector_store %arg2[%swap3A_630, %swap3A_631], %dot_general3A_626 {strides = array<i32>} : memref<6400x128xf32, #tpu.memory_space<vmem>>, vector<128x64xf32>,
    %get3A_633 = arith.constant 0 : index
    %get3A_634 = arith.constant 12288 : index
    %get3A_635 = vector.load %arg1[%get3A_633, %get3A_634] : memref<64x12800xf32, #tpu.memory_space<vmem>>, vector<64x256xf32>
    %dot_general3A_636 = arith.constant dense<0.000000e+00> : vector<128x64xf32>
    %dot_general3A_637 = tpu.matmul %convert_element_type3A_3, %get3A_635, %dot_general3A_636 {dimension_numbers = #tpu.dot_dimension_numbers<[1], [1], [0], [0], [0, 0, 1, 0], [], []>, transpose_lhs_hint = false} : vector<128x256xf32>, vector<64x256xf32>, vector<128x64xf32> -> vector<128x64xf32>
    %dot_general3A_638 = arith.constant dense<0.000000e+00> : vector<128x64xf32>
    %dot_general3A_639 = tpu.matmul %convert_element_type3A_11, %get3A_635, %dot_general3A_638 {dimension_numbers = #tpu.dot_dimension_numbers<[1], [1], [0], [0], [0, 0, 1, 0], [], []>, transpose_lhs_hint = false} : vector<128x256xf32>, vector<64x256xf32>, vector<128x64xf32> -> vector<128x64xf32>
    %swap3A_640 = arith.constant 6144 : index
    %swap3A_641 = arith.constant 0 : index
    %swap3A_642 = vector.load %arg2[%swap3A_640, %swap3A_641] : memref<6400x128xf32, #tpu.memory_space<vmem>>, vector<128x64xf32>
    tpu.vector_store %arg2[%swap3A_640, %swap3A_641], %dot_general3A_637 {strides = array<i32>} : memref<6400x128xf32, #tpu.memory_space<vmem>>, vector<128x64xf32>,
    %swap3A_643 = arith.constant 6144 : index
    %swap3A_644 = arith.constant 64 : index
    %swap3A_645 = vector.load %arg2[%swap3A_643, %swap3A_644] : memref<6400x128xf32, #tpu.memory_space<vmem>>, vector<128x64xf32>
    tpu.vector_store %arg2[%swap3A_643, %swap3A_644], %dot_general3A_639 {strides = array<i32>} : memref<6400x128xf32, #tpu.memory_space<vmem>>, vector<128x64xf32>,
    %get3A_646 = arith.constant 0 : index
    %get3A_647 = arith.constant 12544 : index
    %get3A_648 = vector.load %arg1[%get3A_646, %get3A_647] : memref<64x12800xf32, #tpu.memory_space<vmem>>, vector<64x256xf32>
    %dot_general3A_649 = arith.constant dense<0.000000e+00> : vector<128x64xf32>
    %dot_general3A_650 = tpu.matmul %convert_element_type3A_3, %get3A_648, %dot_general3A_649 {dimension_numbers = #tpu.dot_dimension_numbers<[1], [1], [0], [0], [0, 0, 1, 0], [], []>, transpose_lhs_hint = false} : vector<128x256xf32>, vector<64x256xf32>, vector<128x64xf32> -> vector<128x64xf32>
    %dot_general3A_651 = arith.constant dense<0.000000e+00> : vector<128x64xf32>
    %dot_general3A_652 = tpu.matmul %convert_element_type3A_11, %get3A_648, %dot_general3A_651 {dimension_numbers = #tpu.dot_dimension_numbers<[1], [1], [0], [0], [0, 0, 1, 0], [], []>, transpose_lhs_hint = false} : vector<128x256xf32>, vector<64x256xf32>, vector<128x64xf32> -> vector<128x64xf32>
    %swap3A_653 = arith.constant 6272 : index
    %swap3A_654 = arith.constant 0 : index
    %swap3A_655 = vector.load %arg2[%swap3A_653, %swap3A_654] : memref<6400x128xf32, #tpu.memory_space<vmem>>, vector<128x64xf32>
    tpu.vector_store %arg2[%swap3A_653, %swap3A_654], %dot_general3A_650 {strides = array<i32>} : memref<6400x128xf32, #tpu.memory_space<vmem>>, vector<128x64xf32>,
    %swap3A_656 = arith.constant 6272 : index
    %swap3A_657 = arith.constant 64 : index
    %swap3A_658 = vector.load %arg2[%swap3A_656, %swap3A_657] : memref<6400x128xf32, #tpu.memory_space<vmem>>, vector<128x64xf32>
    tpu.vector_store %arg2[%swap3A_656, %swap3A_657], %dot_general3A_652 {strides = array<i32>} : memref<6400x128xf32, #tpu.memory_space<vmem>>, vector<128x64xf32>,
    return
  }
  func.func @transform_0(%arg0: i32) -> (i32, i32) {
    %c0_i32 = arith.constant 0 : i32
    %c0_i32_0 = arith.constant 0 : i32
    return %c0_i32, %arg0 : i32, i32
  }
  func.func @transform_1(%arg0: i32) -> (i32, i32) {
    %c0_i32 = arith.constant 0 : i32
    %c0_i32_0 = arith.constant 0 : i32
    return %arg0, %c0_i32 : i32, i32
  }
}

module attributes {stable_mosaic.version = 14 : i64} {
  func.func @_mlp_body(%arg0: i32, %arg1: memref<512x64xf32, #tpu.memory_space<vmem>>, %arg2: memref<512x64xf32, #tpu.memory_space<vmem>>, %arg3: memref<4x64x256xf32, #tpu.memory_space<vmem>>, %arg4: memref<4x64x256xf32, #tpu.memory_space<vmem>>, %arg5: memref<4x256xf32, #tpu.memory_space<vmem>>, %arg6: memref<4x256x64xf32, #tpu.memory_space<vmem>>, %arg7: memref<4x64xf32, #tpu.memory_space<vmem>>, %arg8: memref<512x64xf32, #tpu.memory_space<vmem>>) attributes {dimension_semantics = [#tpu.dimension_semantics<arbitrary>], iteration_bounds = array<i64: 8>, scalar_prefetch = 0 : i64, scratch_operands = 0 : i64, tpu.core_type = #tpu.core_type<tc>, window_params = [{transform_indices = @transform_0, window_bounds = array<i64: 512, 64>}, {transform_indices = @transform_1, window_bounds = array<i64: 512, 64>}, {pipeline_mode = #tpu.pipeline_mode<synchronous>, transform_indices = @transform_2, window_bounds = array<i64: 4, 64, 256>}, {pipeline_mode = #tpu.pipeline_mode<synchronous>, transform_indices = @transform_3, window_bounds = array<i64: 4, 64, 256>}, {pipeline_mode = #tpu.pipeline_mode<synchronous>, transform_indices = @transform_4, window_bounds = array<i64: 4, 256>}, {pipeline_mode = #tpu.pipeline_mode<synchronous>, transform_indices = @transform_5, window_bounds = array<i64: 4, 256, 64>}, {pipeline_mode = #tpu.pipeline_mode<synchronous>, transform_indices = @transform_6, window_bounds = array<i64: 4, 64>}, {transform_indices = @transform_7, window_bounds = array<i64: 512, 64>}]} {
    %get3A = arith.constant 0 : index
    %get3A_0 = arith.constant 0 : index
    %get3A_1 = vector.load %arg1[%get3A, %get3A_0] : memref<512x64xf32, #tpu.memory_space<vmem>>, vector<512x64xf32>
    %get3A_2 = arith.constant 0 : index
    %get3A_3 = arith.constant 0 : index
    %get3A_4 = vector.load %arg2[%get3A_2, %get3A_3] : memref<512x64xf32, #tpu.memory_space<vmem>>, vector<512x64xf32>
    %get3A_5 = arith.constant 0 : index
    %get3A_6 = arith.constant 0 : index
    %get3A_7 = arith.constant 0 : index
    %get3A_8 = vector.load %arg3[%get3A_5, %get3A_6, %get3A_7] : memref<4x64x256xf32, #tpu.memory_space<vmem>>, vector<1x64x256xf32>
    %get3A_9 = vector.shape_cast %get3A_8 : vector<1x64x256xf32> to vector<64x256xf32>
    %dot_general3A = arith.constant dense<0.000000e+00> : vector<512x256xf32>
    %dot_general3A_10 = tpu.matmul %get3A_1, %get3A_9, %dot_general3A {dimension_numbers = #tpu.dot_dimension_numbers<[1], [0], [0], [1], [0, 0, 1, 1], [], []>, transpose_lhs_hint = false} : vector<512x64xf32>, vector<64x256xf32>, vector<512x256xf32> -> vector<512x256xf32>
    %get3A_11 = arith.constant 0 : index
    %get3A_12 = arith.constant 0 : index
    %get3A_13 = arith.constant 0 : index
    %get3A_14 = vector.load %arg4[%get3A_11, %get3A_12, %get3A_13] : memref<4x64x256xf32, #tpu.memory_space<vmem>>, vector<1x64x256xf32>
    %get3A_15 = vector.shape_cast %get3A_14 : vector<1x64x256xf32> to vector<64x256xf32>
    %dot_general3A_16 = arith.constant dense<0.000000e+00> : vector<512x256xf32>
    %dot_general3A_17 = tpu.matmul %get3A_4, %get3A_15, %dot_general3A_16 {dimension_numbers = #tpu.dot_dimension_numbers<[1], [0], [0], [1], [0, 0, 1, 1], [], []>, transpose_lhs_hint = false} : vector<512x64xf32>, vector<64x256xf32>, vector<512x256xf32> -> vector<512x256xf32>
    %add3A = arith.addf %dot_general3A_10, %dot_general3A_17 : vector<512x256xf32>
    %get3A_18 = arith.constant 0 : index
    %get3A_19 = arith.constant 0 : index
    %get3A_20 = vector.load %arg5[%get3A_18, %get3A_19] : memref<4x256xf32, #tpu.memory_space<vmem>>, vector<1x256xf32>
    %get3A_21 = vector.shape_cast %get3A_20 : vector<1x256xf32> to vector<256xf32>
    %broadcast_in_dim3A = vector.shape_cast %get3A_21 : vector<256xf32> to vector<1x256xf32>
    %add3A_22 = vector.broadcast %broadcast_in_dim3A : vector<1x256xf32> to vector<512x256xf32>
    %add3A_23 = arith.addf %add3A, %add3A_22 : vector<512x256xf32>
    %max3A = arith.constant 0.000000e+00 : f32
    %max3A_24 = vector.broadcast %max3A : f32 to vector<512x256xf32>
    %max3A_25 = arith.maximumf %add3A_23, %max3A_24 : vector<512x256xf32>
    %get3A_26 = arith.constant 0 : index
    %get3A_27 = arith.constant 0 : index
    %get3A_28 = arith.constant 0 : index
    %get3A_29 = vector.load %arg6[%get3A_26, %get3A_27, %get3A_28] : memref<4x256x64xf32, #tpu.memory_space<vmem>>, vector<1x256x64xf32>
    %get3A_30 = vector.shape_cast %get3A_29 : vector<1x256x64xf32> to vector<256x64xf32>
    %dot_general3A_31 = arith.constant dense<0.000000e+00> : vector<512x64xf32>
    %dot_general3A_32 = tpu.matmul %max3A_25, %get3A_30, %dot_general3A_31 {dimension_numbers = #tpu.dot_dimension_numbers<[1], [0], [0], [1], [0, 0, 1, 1], [], []>, transpose_lhs_hint = false} : vector<512x256xf32>, vector<256x64xf32>, vector<512x64xf32> -> vector<512x64xf32>
    %add3A_33 = arith.addf %get3A_1, %dot_general3A_32 : vector<512x64xf32>
    %get3A_34 = arith.constant 0 : index
    %get3A_35 = arith.constant 0 : index
    %get3A_36 = vector.load %arg7[%get3A_34, %get3A_35] : memref<4x64xf32, #tpu.memory_space<vmem>>, vector<1x64xf32>
    %get3A_37 = vector.shape_cast %get3A_36 : vector<1x64xf32> to vector<64xf32>
    %broadcast_in_dim3A_38 = vector.shape_cast %get3A_37 : vector<64xf32> to vector<1x64xf32>
    %add3A_39 = vector.broadcast %broadcast_in_dim3A_38 : vector<1x64xf32> to vector<512x64xf32>
    %add3A_40 = arith.addf %add3A_33, %add3A_39 : vector<512x64xf32>
    %get3A_41 = arith.constant 1 : index
    %get3A_42 = arith.constant 0 : index
    %get3A_43 = arith.constant 0 : index
    %get3A_44 = vector.load %arg3[%get3A_41, %get3A_42, %get3A_43] : memref<4x64x256xf32, #tpu.memory_space<vmem>>, vector<1x64x256xf32>
    %get3A_45 = vector.shape_cast %get3A_44 : vector<1x64x256xf32> to vector<64x256xf32>
    %dot_general3A_46 = arith.constant dense<0.000000e+00> : vector<512x256xf32>
    %dot_general3A_47 = tpu.matmul %add3A_40, %get3A_45, %dot_general3A_46 {dimension_numbers = #tpu.dot_dimension_numbers<[1], [0], [0], [1], [0, 0, 1, 1], [], []>, transpose_lhs_hint = false} : vector<512x64xf32>, vector<64x256xf32>, vector<512x256xf32> -> vector<512x256xf32>
    %get3A_48 = arith.constant 1 : index
    %get3A_49 = arith.constant 0 : index
    %get3A_50 = arith.constant 0 : index
    %get3A_51 = vector.load %arg4[%get3A_48, %get3A_49, %get3A_50] : memref<4x64x256xf32, #tpu.memory_space<vmem>>, vector<1x64x256xf32>
    %get3A_52 = vector.shape_cast %get3A_51 : vector<1x64x256xf32> to vector<64x256xf32>
    %dot_general3A_53 = arith.constant dense<0.000000e+00> : vector<512x256xf32>
    %dot_general3A_54 = tpu.matmul %get3A_4, %get3A_52, %dot_general3A_53 {dimension_numbers = #tpu.dot_dimension_numbers<[1], [0], [0], [1], [0, 0, 1, 1], [], []>, transpose_lhs_hint = false} : vector<512x64xf32>, vector<64x256xf32>, vector<512x256xf32> -> vector<512x256xf32>
    %add3A_55 = arith.addf %dot_general3A_47, %dot_general3A_54 : vector<512x256xf32>
    %get3A_56 = arith.constant 1 : index
    %get3A_57 = arith.constant 0 : index
    %get3A_58 = vector.load %arg5[%get3A_56, %get3A_57] : memref<4x256xf32, #tpu.memory_space<vmem>>, vector<1x256xf32>
    %get3A_59 = vector.shape_cast %get3A_58 : vector<1x256xf32> to vector<256xf32>
    %broadcast_in_dim3A_60 = vector.shape_cast %get3A_59 : vector<256xf32> to vector<1x256xf32>
    %add3A_61 = vector.broadcast %broadcast_in_dim3A_60 : vector<1x256xf32> to vector<512x256xf32>
    %add3A_62 = arith.addf %add3A_55, %add3A_61 : vector<512x256xf32>
    %max3A_63 = arith.constant 0.000000e+00 : f32
    %max3A_64 = vector.broadcast %max3A_63 : f32 to vector<512x256xf32>
    %max3A_65 = arith.maximumf %add3A_62, %max3A_64 : vector<512x256xf32>
    %get3A_66 = arith.constant 1 : index
    %get3A_67 = arith.constant 0 : index
    %get3A_68 = arith.constant 0 : index
    %get3A_69 = vector.load %arg6[%get3A_66, %get3A_67, %get3A_68] : memref<4x256x64xf32, #tpu.memory_space<vmem>>, vector<1x256x64xf32>
    %get3A_70 = vector.shape_cast %get3A_69 : vector<1x256x64xf32> to vector<256x64xf32>
    %dot_general3A_71 = arith.constant dense<0.000000e+00> : vector<512x64xf32>
    %dot_general3A_72 = tpu.matmul %max3A_65, %get3A_70, %dot_general3A_71 {dimension_numbers = #tpu.dot_dimension_numbers<[1], [0], [0], [1], [0, 0, 1, 1], [], []>, transpose_lhs_hint = false} : vector<512x256xf32>, vector<256x64xf32>, vector<512x64xf32> -> vector<512x64xf32>
    %add3A_73 = arith.addf %add3A_40, %dot_general3A_72 : vector<512x64xf32>
    %get3A_74 = arith.constant 1 : index
    %get3A_75 = arith.constant 0 : index
    %get3A_76 = vector.load %arg7[%get3A_74, %get3A_75] : memref<4x64xf32, #tpu.memory_space<vmem>>, vector<1x64xf32>
    %get3A_77 = vector.shape_cast %get3A_76 : vector<1x64xf32> to vector<64xf32>
    %broadcast_in_dim3A_78 = vector.shape_cast %get3A_77 : vector<64xf32> to vector<1x64xf32>
    %add3A_79 = vector.broadcast %broadcast_in_dim3A_78 : vector<1x64xf32> to vector<512x64xf32>
    %add3A_80 = arith.addf %add3A_73, %add3A_79 : vector<512x64xf32>
    %get3A_81 = arith.constant 2 : index
    %get3A_82 = arith.constant 0 : index
    %get3A_83 = arith.constant 0 : index
    %get3A_84 = vector.load %arg3[%get3A_81, %get3A_82, %get3A_83] : memref<4x64x256xf32, #tpu.memory_space<vmem>>, vector<1x64x256xf32>
    %get3A_85 = vector.shape_cast %get3A_84 : vector<1x64x256xf32> to vector<64x256xf32>
    %dot_general3A_86 = arith.constant dense<0.000000e+00> : vector<512x256xf32>
    %dot_general3A_87 = tpu.matmul %add3A_80, %get3A_85, %dot_general3A_86 {dimension_numbers = #tpu.dot_dimension_numbers<[1], [0], [0], [1], [0, 0, 1, 1], [], []>, transpose_lhs_hint = false} : vector<512x64xf32>, vector<64x256xf32>, vector<512x256xf32> -> vector<512x256xf32>
    %get3A_88 = arith.constant 2 : index
    %get3A_89 = arith.constant 0 : index
    %get3A_90 = arith.constant 0 : index
    %get3A_91 = vector.load %arg4[%get3A_88, %get3A_89, %get3A_90] : memref<4x64x256xf32, #tpu.memory_space<vmem>>, vector<1x64x256xf32>
    %get3A_92 = vector.shape_cast %get3A_91 : vector<1x64x256xf32> to vector<64x256xf32>
    %dot_general3A_93 = arith.constant dense<0.000000e+00> : vector<512x256xf32>
    %dot_general3A_94 = tpu.matmul %get3A_4, %get3A_92, %dot_general3A_93 {dimension_numbers = #tpu.dot_dimension_numbers<[1], [0], [0], [1], [0, 0, 1, 1], [], []>, transpose_lhs_hint = false} : vector<512x64xf32>, vector<64x256xf32>, vector<512x256xf32> -> vector<512x256xf32>
    %add3A_95 = arith.addf %dot_general3A_87, %dot_general3A_94 : vector<512x256xf32>
    %get3A_96 = arith.constant 2 : index
    %get3A_97 = arith.constant 0 : index
    %get3A_98 = vector.load %arg5[%get3A_96, %get3A_97] : memref<4x256xf32, #tpu.memory_space<vmem>>, vector<1x256xf32>
    %get3A_99 = vector.shape_cast %get3A_98 : vector<1x256xf32> to vector<256xf32>
    %broadcast_in_dim3A_100 = vector.shape_cast %get3A_99 : vector<256xf32> to vector<1x256xf32>
    %add3A_101 = vector.broadcast %broadcast_in_dim3A_100 : vector<1x256xf32> to vector<512x256xf32>
    %add3A_102 = arith.addf %add3A_95, %add3A_101 : vector<512x256xf32>
    %max3A_103 = arith.constant 0.000000e+00 : f32
    %max3A_104 = vector.broadcast %max3A_103 : f32 to vector<512x256xf32>
    %max3A_105 = arith.maximumf %add3A_102, %max3A_104 : vector<512x256xf32>
    %get3A_106 = arith.constant 2 : index
    %get3A_107 = arith.constant 0 : index
    %get3A_108 = arith.constant 0 : index
    %get3A_109 = vector.load %arg6[%get3A_106, %get3A_107, %get3A_108] : memref<4x256x64xf32, #tpu.memory_space<vmem>>, vector<1x256x64xf32>
    %get3A_110 = vector.shape_cast %get3A_109 : vector<1x256x64xf32> to vector<256x64xf32>
    %dot_general3A_111 = arith.constant dense<0.000000e+00> : vector<512x64xf32>
    %dot_general3A_112 = tpu.matmul %max3A_105, %get3A_110, %dot_general3A_111 {dimension_numbers = #tpu.dot_dimension_numbers<[1], [0], [0], [1], [0, 0, 1, 1], [], []>, transpose_lhs_hint = false} : vector<512x256xf32>, vector<256x64xf32>, vector<512x64xf32> -> vector<512x64xf32>
    %add3A_113 = arith.addf %add3A_80, %dot_general3A_112 : vector<512x64xf32>
    %get3A_114 = arith.constant 2 : index
    %get3A_115 = arith.constant 0 : index
    %get3A_116 = vector.load %arg7[%get3A_114, %get3A_115] : memref<4x64xf32, #tpu.memory_space<vmem>>, vector<1x64xf32>
    %get3A_117 = vector.shape_cast %get3A_116 : vector<1x64xf32> to vector<64xf32>
    %broadcast_in_dim3A_118 = vector.shape_cast %get3A_117 : vector<64xf32> to vector<1x64xf32>
    %add3A_119 = vector.broadcast %broadcast_in_dim3A_118 : vector<1x64xf32> to vector<512x64xf32>
    %add3A_120 = arith.addf %add3A_113, %add3A_119 : vector<512x64xf32>
    %get3A_121 = arith.constant 3 : index
    %get3A_122 = arith.constant 0 : index
    %get3A_123 = arith.constant 0 : index
    %get3A_124 = vector.load %arg3[%get3A_121, %get3A_122, %get3A_123] : memref<4x64x256xf32, #tpu.memory_space<vmem>>, vector<1x64x256xf32>
    %get3A_125 = vector.shape_cast %get3A_124 : vector<1x64x256xf32> to vector<64x256xf32>
    %dot_general3A_126 = arith.constant dense<0.000000e+00> : vector<512x256xf32>
    %dot_general3A_127 = tpu.matmul %add3A_120, %get3A_125, %dot_general3A_126 {dimension_numbers = #tpu.dot_dimension_numbers<[1], [0], [0], [1], [0, 0, 1, 1], [], []>, transpose_lhs_hint = false} : vector<512x64xf32>, vector<64x256xf32>, vector<512x256xf32> -> vector<512x256xf32>
    %get3A_128 = arith.constant 3 : index
    %get3A_129 = arith.constant 0 : index
    %get3A_130 = arith.constant 0 : index
    %get3A_131 = vector.load %arg4[%get3A_128, %get3A_129, %get3A_130] : memref<4x64x256xf32, #tpu.memory_space<vmem>>, vector<1x64x256xf32>
    %get3A_132 = vector.shape_cast %get3A_131 : vector<1x64x256xf32> to vector<64x256xf32>
    %dot_general3A_133 = arith.constant dense<0.000000e+00> : vector<512x256xf32>
    %dot_general3A_134 = tpu.matmul %get3A_4, %get3A_132, %dot_general3A_133 {dimension_numbers = #tpu.dot_dimension_numbers<[1], [0], [0], [1], [0, 0, 1, 1], [], []>, transpose_lhs_hint = false} : vector<512x64xf32>, vector<64x256xf32>, vector<512x256xf32> -> vector<512x256xf32>
    %add3A_135 = arith.addf %dot_general3A_127, %dot_general3A_134 : vector<512x256xf32>
    %get3A_136 = arith.constant 3 : index
    %get3A_137 = arith.constant 0 : index
    %get3A_138 = vector.load %arg5[%get3A_136, %get3A_137] : memref<4x256xf32, #tpu.memory_space<vmem>>, vector<1x256xf32>
    %get3A_139 = vector.shape_cast %get3A_138 : vector<1x256xf32> to vector<256xf32>
    %broadcast_in_dim3A_140 = vector.shape_cast %get3A_139 : vector<256xf32> to vector<1x256xf32>
    %add3A_141 = vector.broadcast %broadcast_in_dim3A_140 : vector<1x256xf32> to vector<512x256xf32>
    %add3A_142 = arith.addf %add3A_135, %add3A_141 : vector<512x256xf32>
    %max3A_143 = arith.constant 0.000000e+00 : f32
    %max3A_144 = vector.broadcast %max3A_143 : f32 to vector<512x256xf32>
    %max3A_145 = arith.maximumf %add3A_142, %max3A_144 : vector<512x256xf32>
    %get3A_146 = arith.constant 3 : index
    %get3A_147 = arith.constant 0 : index
    %get3A_148 = arith.constant 0 : index
    %get3A_149 = vector.load %arg6[%get3A_146, %get3A_147, %get3A_148] : memref<4x256x64xf32, #tpu.memory_space<vmem>>, vector<1x256x64xf32>
    %get3A_150 = vector.shape_cast %get3A_149 : vector<1x256x64xf32> to vector<256x64xf32>
    %dot_general3A_151 = arith.constant dense<0.000000e+00> : vector<512x64xf32>
    %dot_general3A_152 = tpu.matmul %max3A_145, %get3A_150, %dot_general3A_151 {dimension_numbers = #tpu.dot_dimension_numbers<[1], [0], [0], [1], [0, 0, 1, 1], [], []>, transpose_lhs_hint = false} : vector<512x256xf32>, vector<256x64xf32>, vector<512x64xf32> -> vector<512x64xf32>
    %add3A_153 = arith.addf %add3A_120, %dot_general3A_152 : vector<512x64xf32>
    %get3A_154 = arith.constant 3 : index
    %get3A_155 = arith.constant 0 : index
    %get3A_156 = vector.load %arg7[%get3A_154, %get3A_155] : memref<4x64xf32, #tpu.memory_space<vmem>>, vector<1x64xf32>
    %get3A_157 = vector.shape_cast %get3A_156 : vector<1x64xf32> to vector<64xf32>
    %broadcast_in_dim3A_158 = vector.shape_cast %get3A_157 : vector<64xf32> to vector<1x64xf32>
    %add3A_159 = vector.broadcast %broadcast_in_dim3A_158 : vector<1x64xf32> to vector<512x64xf32>
    %add3A_160 = arith.addf %add3A_153, %add3A_159 : vector<512x64xf32>
    %swap3A = arith.constant 0 : index
    %swap3A_161 = arith.constant 0 : index
    %swap3A_162 = vector.load %arg8[%swap3A, %swap3A_161] : memref<512x64xf32, #tpu.memory_space<vmem>>, vector<512x64xf32>
    tpu.vector_store %arg8[%swap3A, %swap3A_161], %add3A_160 {strides = array<i32>} : memref<512x64xf32, #tpu.memory_space<vmem>>, vector<512x64xf32>,
    return
  }
  func.func @transform_0(%arg0: i32) -> (i32, i32) {
    %c0_i32 = arith.constant 0 : i32
    %c0_i32_0 = arith.constant 0 : i32
    return %arg0, %c0_i32 : i32, i32
  }
  func.func @transform_1(%arg0: i32) -> (i32, i32) {
    %c0_i32 = arith.constant 0 : i32
    %c0_i32_0 = arith.constant 0 : i32
    return %arg0, %c0_i32 : i32, i32
  }
  func.func @transform_2(%arg0: i32) -> (i32, i32, i32) {
    %c0_i32 = arith.constant 0 : i32
    %c0_i32_0 = arith.constant 0 : i32
    %c0_i32_1 = arith.constant 0 : i32
    %c0_i32_2 = arith.constant 0 : i32
    return %c0_i32, %c0_i32_0, %c0_i32_1 : i32, i32, i32
  }
  func.func @transform_3(%arg0: i32) -> (i32, i32, i32) {
    %c0_i32 = arith.constant 0 : i32
    %c0_i32_0 = arith.constant 0 : i32
    %c0_i32_1 = arith.constant 0 : i32
    %c0_i32_2 = arith.constant 0 : i32
    return %c0_i32, %c0_i32_0, %c0_i32_1 : i32, i32, i32
  }
  func.func @transform_4(%arg0: i32) -> (i32, i32) {
    %c0_i32 = arith.constant 0 : i32
    %c0_i32_0 = arith.constant 0 : i32
    %c0_i32_1 = arith.constant 0 : i32
    return %c0_i32, %c0_i32_0 : i32, i32
  }
  func.func @transform_5(%arg0: i32) -> (i32, i32, i32) {
    %c0_i32 = arith.constant 0 : i32
    %c0_i32_0 = arith.constant 0 : i32
    %c0_i32_1 = arith.constant 0 : i32
    %c0_i32_2 = arith.constant 0 : i32
    return %c0_i32, %c0_i32_0, %c0_i32_1 : i32, i32, i32
  }
  func.func @transform_6(%arg0: i32) -> (i32, i32) {
    %c0_i32 = arith.constant 0 : i32
    %c0_i32_0 = arith.constant 0 : i32
    %c0_i32_1 = arith.constant 0 : i32
    return %c0_i32, %c0_i32_0 : i32, i32
  }
  func.func @transform_7(%arg0: i32) -> (i32, i32) {
    %c0_i32 = arith.constant 0 : i32
    %c0_i32_0 = arith.constant 0 : i32
    return %arg0, %c0_i32 : i32, i32
  }
}

</mosaic_0001>

<sc_bundles>
// kernel: kernel.5.cloned.1.call-start
scs
__scs_entry_jumppad:
0x0: {  	(pc) =	sbr.rel $0x88, $3  }
0x1: {  	(tag) =	ssettag $0x0;
	lr =	simm.s32 $0x1  }
0x2: {  	[smem:$0x3F9A] =	sst lr;
	_ =	strace $0xD0000000  }
0x3: {  	_ = 	snop  }
0x4: {  	_ = 	snop  }
0x5: {  	_ = 	snop  }
0x6: {  	_ = 	snop  }
0x7: {  	_ = 	snop  }
__scs_overlays_trampoline_lowered:
0x8: {  	[smem:$0x3FA9] =	sst s0  }
0x9: {  	[smem:$0x3FAA] =	sst s1  }
0xa: {  	[smem:$0x3FAB] =	sst s2  }
0xb: {  	[smem:$0x3FAC] =	sst s3  }
0xc: {  	[smem:$0x3FAD] =	sst s4  }
0xd: {  	[smem:$0x3FAE] =	sst s5  }
0xe: {  	[smem:$0x3FAF] =	sst s6  }
0xf: {  	[smem:$0x3FB0] =	sst s7  }
0x10: {  	[smem:$0x3FB1] =	sst s8  }
0x11: {  	[smem:$0x3FB2] =	sst s9;
	s0 =	simm.s32 @!p0 $0x0  }
0x12: {  	s1 =	sld [smem:$0x3F98];
	s0 =	simm.s32 @p0 $0x1  }
0x13: {  	[smem:$0x3FB3] =	sst s0;
	s0 =	simm.s32 @!p1 $0x0  }
0x14: {  	s2 =	sld [smem:$0x3F97];
	s0 =	simm.s32 @p1 $0x1  }
0x15: {  	[smem:$0x3FB4] =	sst s0;
	s0 =	simm.s32 @!p2 $0x0  }
0x16: {  	s3 =	sld [smem:$0x3FDB];
	s0 =	simm.s32 @p2 $0x1  }
0x17: {  	s4 =	simm.s32 $0x1BF5;
	[smem:$0x3FB6] =	sst s0  }
0x18: {  	s0 =	sld [smem:$0x3F99];
	_ =	swait.ge [sflag:s4], $0x0  }
0x19: {  	s7 =	sld [smem:$0x3F9A]  }
0x1a: {  	s8 =	sadd.s32 $0xFFFFE003, lr  }
0x1b: {  	s9 =	sadd.s32 $0xFFFFFEF7, lr;
	s5 =	simm.s32 $0xFFFFFFFF;
	p2 =	slt.u32 s8, $0xFFFFF086  }
0x1c: {  	p1 =	slt.u32 s9, $0xF7A;
	s5 =	simm.s32 @!p2 $0x0  }
0x1d: {  	s5 =	simm.s32 @p1 $0x1;
	p0 =	seq.s32 s7, s2  }
0x1e: {  	s7 =	smul.u32 @!p0 $0xF7A, s2;
	p2 =	seq.s32 @!p0 s5, $0x0  }
0x1f: {  	s9 =	smul.u32 $0xF7A, s1;
	s8 =	simm.s32 @!p0 $0x1BF5;
	p2 =	por !p2, p0  }
0x20: {  	[sflag:s8] =	ssyncset.s32 @!p0 $0xFFFFF086;
	s6 =	sadd.s32 @!p0 s3, s7;
	s7 =	simm.s32 @!p0 $0x108  }
0x21: {  	s3 =	sadd.s32 s3, s9;
	s6 =	sadd.s32 @!p0 $0x88, s6;
	s7 =	simm.s32 @p2 $0x1082  }
0x22: {  	[simem:s7], [sflag:s8] =	dma.local @!p0 [hbm:s6], $0xF7A  }
0x23: {  	s9 =	sor.u32 $0xD0000000, s2;
	s6 =	simm.s32 $0x108;
	_ =	swait.ge @!p0 [sflag:s8], $0x0  }
0x24: {  	s3 =	sadd.s32 $0x88, s3;
	s6 =	simm.s32 @!p1 $0x1082;
	[sflag:s4] =	ssyncset.s32 $0xFFFFF086  }
0x25: {  	[simem:s6], [sflag:s4] =	dma.local [hbm:s3], $0xF7A  }
0x26: {  	[smem:$0x3F9A] =	sst s1;
	(tag) =	ssettag s2;
	_ =	strace s9  }
0x27: {  	s1 =	sld [smem:$0x3FAA]  }
0x28: {  	s2 =	sld [smem:$0x3FAB]  }
0x29: {  	s4 =	sld [smem:$0x3FAD]  }
0x2a: {  	p0 =	seq.s32 s5, $0x0;
	s5 =	sld [smem:$0x3FAE]  }
0x2b: {  	s6 =	sld [smem:$0x3FAF]  }
0x2c: {  	s7 =	sld [smem:$0x3FB0]  }
0x2d: {  	s3 =	simm.s32 $0x108;
	s8 =	sld [smem:$0x3FB1]  }
0x2e: {  	s3 =	simm.s32 @!p0 $0x1082;
	s9 =	sld [smem:$0x3FB2]  }
0x2f: {  	lr =	sadd.s32 s0, s3;
	s0 =	sld [smem:$0x3FA9]  }
0x30: {  	s3 =	sld [smem:$0x3FAC]  }
0x31: {  	[smem:$0x3FB5] =	sst s10  }
0x32: {  	s10 =	sld [smem:$0x3FB3];
	_ =	sdelay $0x3  }
0x33: {  	p0 =	seq.s32 s10, $0x1;
	s10 =	sld [smem:$0x3FB5];
	_ =	sdelay $0x3  }
0x34: {  	[smem:$0x3FB5] =	sst s10  }
0x35: {  	s10 =	sld [smem:$0x3FB4];
	_ =	sdelay $0x3  }
0x36: {  	p1 =	seq.s32 s10, $0x1;
	s10 =	sld [smem:$0x3FB5];
	_ =	sdelay $0x3  }
0x37: {  	[smem:$0x3FB5] =	sst s10  }
0x38: {  	s10 =	sld [smem:$0x3FB6]  }
0x39: {  	_ = 	snop;
	(pc) =	sbr.ind lr, $3  }
0x3a: {  	_ = 	snop  }
0x3b: {  	_ = 	snop  }
0x3c: {  	p2 =	seq.s32 s10, $0x1;
	s10 =	sld [smem:$0x3FB5]  }
0x3d: {  	_ =	shalt  }
0x3e: {  	_ =	shalt  }
0x3f: {  	_ =	shalt  }
0x40: {  	_ =	shalt  }
0x41: {  	_ =	shalt  }
0x42: {  	_ =	shalt  }
0x43: {  	_ =	shalt  }
0x44: {  	_ =	shalt  }
0x45: {  	_ =	shalt  }
0x46: {  	_ =	shalt  }
0x47: {  	_ =	shalt  }
0x48: {  	_ =	shalt  }
0x49: {  	_ =	shalt  }
0x4a: {  	_ =	shalt  }
0x4b: {  	_ =	shalt  }
0x4c: {  	_ =	shalt  }
0x4d: {  	_ =	shalt  }
0x4e: {  	_ =	shalt  }
0x4f: {  	_ =	shalt  }
0x50: {  	_ =	shalt  }
0x51: {  	_ =	shalt  }
0x52: {  	_ =	shalt  }
0x53: {  	_ =	shalt  }
0x54: {  	_ =	shalt  }
0x55: {  	_ =	shalt  }
0x56: {  	_ =	shalt  }
0x57: {  	_ =	shalt  }
0x58: {  	_ =	shalt  }
0x59: {  	_ =	shalt  }
0x5a: {  	_ =	shalt  }
0x5b: {  	_ =	shalt  }
0x5c: {  	_ =	shalt  }
0x5d: {  	_ =	shalt  }
0x5e: {  	_ =	shalt  }
0x5f: {  	_ =	shalt  }
0x60: {  	_ =	shalt  }
0x61: {  	_ =	shalt  }
0x62: {  	_ =	shalt  }
0x63: {  	_ =	shalt  }
0x64: {  	_ =	shalt  }
0x65: {  	_ =	shalt  }
0x66: {  	_ =	shalt  }
0x67: {  	_ =	shalt  }
0x68: {  	_ =	shalt  }
0x69: {  	_ =	shalt  }
0x6a: {  	_ =	shalt  }
0x6b: {  	_ =	shalt  }
0x6c: {  	_ =	shalt  }
0x6d: {  	_ =	shalt  }
0x6e: {  	_ =	shalt  }
0x6f: {  	_ =	shalt  }
0x70: {  	_ =	shalt  }
0x71: {  	_ =	shalt  }
0x72: {  	_ =	shalt  }
0x73: {  	_ =	shalt  }
0x74: {  	_ =	shalt  }
0x75: {  	_ =	shalt  }
0x76: {  	_ =	shalt  }
0x77: {  	_ =	shalt  }
0x78: {  	_ =	shalt  }
0x79: {  	_ =	shalt  }
0x7a: {  	_ =	shalt  }
0x7b: {  	_ =	shalt  }
0x7c: {  	_ =	shalt  }
0x7d: {  	_ =	shalt  }
0x7e: {  	_ =	shalt  }
0x7f: {  	_ =	shalt  }
0x80: {  	_ =	shalt  }
0x81: {  	_ =	shalt  }
0x82: {  	_ =	shalt  }
0x83: {  	_ =	shalt  }
0x84: {  	_ =	shalt  }
0x85: {  	_ =	shalt  }
0x86: {  	_ =	shalt  }
0x87: {  	_ =	shalt  }
.Lfunc_end0:
.L_simem_size_0:
called_computation_lowered:
.L_overlay_start_0:
0x88: {  	s2 =	sld [smem:$0x3FD9]  }
0x89: {  	s3 =	sld [smem:$0x3FFE];
	_ =	sdelay $0x1  }
0x8a: {  	s1 =	srdreg.scid  }
0x8b: {  	s0 =	sand.u32 $0x1, s1  }
0x8c: {  	s17 =	sshll.u32 s0, $0xA;
	s2 =	sadd.s32 s3, s2  }
0x8d: {  	s2 =	sadd.s32 s2, s17  }
0x8e: {  	[smem:$0x3FC1] =	sst s2  }
0x8f: {  	_ = 	snop  }
0x90: {  	s2 =	sld [smem:$0x3FD0];
	(tm) =	ssettm $0x1  }
0x91: {  	s18 =	sld [smem:$0x3FFB];
	_ =	sdelay $0x3  }
0x92: {  	_ =	strace s18  }
0x93: {  	s3 =	sld [smem:$0x3FFC];
	_ =	sdelay $0x3  }
0x94: {  	_ =	strace s3  }
0x95: {  	s3 =	sld [smem:$0x3FFD];
	_ =	sdelay $0x3  }
0x96: {  	_ =	strace s3  }
0x97: {  	_ =	strace $0x8FFFFFFF  }
0x98: {  	s19 =	sld [smem:$0x3FDB];
	_ =	sdelay $0x1  }
0x99: {  	s4 =	simm.s32 $_scs_section_size  }
0x9a: {  	s5 =	simm.s32 $_size__tile_overlayer_lowered;
	s6 =	simm.s32 $_tile_overlayer_lowered  }
0x9b: {  	s22 =	simm.s32 $0x1BFF;
	s21 =	sshll.u32 s6, $0x1;
	s3 =	sadd.s32 s4, s19  }
0x9c: {  	s7 =	simm.s32 $0x0;
	s20 =	sshll.u32 s5, $0x1;
	s5 =	sadd.s32 s21, s3  }
0x9d: {  	[timem:s7], [sflag:s22] =	dma.local [hbm:s5], s20  }
0x9e: {  	_ =	swait.ge [sflag:s22], s20  }
0x9f: {  	s4 =	ssub.s32 $0x0, s20;
	[sflag:s22] =	ssyncset.done $0x0  }
0xa0: {  	[sflag:s22] =	ssyncadd.s32 s4;
	_ =	sdelay $0x1  }
0xa1: {  	s23 =	simm.s32 $0x1B8B  }
0xa2: {  	_ =	swait.ge [sflag:s23], $0x1  }
0xa3: {  	[sflag:s23] =	ssyncset.done $0x0  }
0xa4: {  	s25 =	simm.s32 $0x1B8E;
	s24 =	sld [smem:$0x3FFE];
	[sflag:s23] =	ssyncadd.s32 $0xFFFFFFFF  }
0xa5: {  	s26 =	simm.s32 $execute0_lowered;
	[smem:$0x3FD2] =	sst s25  }
0xa6: {  	s5 =	sshll.u32 s26, $0x1;
	_ =	strace $0x80000046;
	[dreg:$0x1] =	wrdreg $0xFFFFFFFF  }
0xa7: {  	s28 =	simm.s32 $_size_execute0_lowered;
	s3 =	sadd.s32 s3, s5;
	[dreg:$0x0] =	wrdreg $0x0  }
0xa8: {  	s5 =	sshll.u32 s28, $0x1;
	[dreg:$0x2] =	wrdreg s3  }
0xa9: {  	[dreg:$0x3] =	wrdreg s5  }
0xaa: {  	[dreg:$0x4] =	wrdreg $0xC0  }
0xab: {  	_ =	task [dreg:s7], $0x5FFFF  }
0xac: {  	[dreg:$0x1] =	wrdreg $0xFFFFFFFF  }
0xad: {  	[dreg:$0x0] =	wrdreg $0x60  }
0xae: {  	[dreg:$0x2] =	wrdreg s24  }
0xaf: {  	[dreg:$0x3] =	wrdreg s2  }
0xb0: {  	[dreg:$0x4] =	wrdreg $0x9  }
0xb1: {  	_ =	task.clear_ibuf [dreg:s7], $0x5FFFF;
	_ =	strace $0x90000046  }
0xb2: {  	s29 =	simm.s32 $0x9;
	_ =	strace $0x80000048  }
0xb3: {  	_ =	swait.ge [sflag:s29], $0x1  }
0xb4: {  	[sflag:s29] =	ssyncadd.s32 $0xFFFFFFFF  }
0xb5: {  	_ =	strace $0x90000048  }
0xb6: {  	_ =	sfence  }
0xb7: {  	s30 =	sld [smem:$0x0];
	_ =	sdelay $0x2  }
0xb8: {  	s31 =	sshll.u32 s1, $0xD;
	s1 =	sshrl.u32 s1, $0x2  }
0xb9: {  	s3 =	sand.u32 $0x4000, s31;
	s1 =	sadd.s32 s1, s30  }
0xba: {  	s0 =	sor.u32 s3, s0;
	s1 =	sshll.u32 s1, $0x11  }
0xbb: {  	s0 =	sor.u32 s1, s0  }
0xbc: {  	s0 =	sadd.s32 $0x8F2B, s0  }
0xbd: {  	[sflag:s0] =	ssyncadd.remote.s32 $0x1  }
0xbe: {  	_ =	sfence.sel $0xFFFF  }
0xbf: {  	[dreg:$0x0] =	wrdreg $0xFFFFFFFF;
	(pc) =	sbr.abs _section_cstart, $3  }
0xc0: {  	[dreg:$0x1] =	wrdreg $0xFFFFFFFF  }
0xc1: {  	_ =	task.clear_ibuf [dreg:s7], $0x2FFFF;
	_ =	strace $0x9FFFFFFF  }
0xc2: {  	(tm) =	ssettm $0x7FFFFFFF  }
0xc3: {  	_ =	shalt  }
tec
execute0_lowered:
.L_overlay_start_1:
0x0: {  	(tag) =	ssettag $0x1  }
0x1: {  	s0 =	srdreg.scid;
	s1 =	rddreg [dreg:$0x0]  }
0x2: {  	s2 =	stileid.u32;
	s5 =	rddreg [dreg:$0x1];
	s8 =	simm.s32 $0x64  }
0x3: {  	s12 =	simm.s32 $0xD0;
	s13 =	simm.s32 $0x9A00;
	s14 =	simm.s32 $0x138  }
0x4: {  	s15 =	simm.s32 $0xB300;
	s16 =	simm.s32 $0x1A0;
	s17 =	simm.s32 $0xCC00  }
0x5: {  	s18 =	simm.s32 $0x208;
	s19 =	simm.s32 $0xE500;
	s20 =	simm.s32 $0x270  }
0x6: {  	s21 =	simm.s32 $0xFE00;
	s22 =	simm.s32 $0x2D8;
	s23 =	simm.s32 $0x11700  }
0x7: {  	s24 =	simm.s32 $0x1;
	s25 =	simm.s32 $0x2;
	s26 =	simm.s32 $0x3  }
0x8: {  	s28 =	simm.s32 $0x4;
	s0 =	sand.u32 $0x1, s0;
	s2 =	sshll.u32 s2, $0x1  }
0x9: {  	s29 =	simm.s32 $0x13000;
	s30 =	simm.s32 $0x0;
	s4 =	sor.u32 s0, s2  }
.Ltmp0:
0xa: {  	s2 =	simm.s32 $0x0;
	s0 =	ssub.s32 $0x2, s0;
	(pc) =	sbr.rel .LBB2_1-.Ltmp0, $4  }
0xb: {  	s3 =	smul.u32 $0xD00, s4;
	[smem:$0x7FF] =	sst s2;
	s31 =	sshrl.u32 s0, $0x1  }
0xc: {  	s7 =	sshll.u32 s4, $0xA;
	_ =	strace $0x80000047;
	s0 =	ssub.s32 s0, s31  }
0xd: {  	s5 =	sadd.s32 s5, s7;
	s7 =	simm.s32 $0x5;
	s6 =	sadd.s32 s3, s1  }
0xe: {  	s3 =	sadd.s32 $0x1B000, s1;
	s4 =	sadd.s32 $0x1000, s6;
	s6 =	smax.u32 s0, $0x1  }
.LBB2_12:
0xf: {  	s30 =	sadd.s32 $0x1, s30  }
0x10: {  	p0 =	sne.s32 s30, s6  }
.Ltmp1:
0x11: {  	_ = 	snop;
	(pc) =	sbr.rel @!p0 .LBB2_13-.Ltmp1, $4  }
0x12: {  	[hbm4b:s5+s2] =	stream.linear.scatter [tilespmem:s29], [sflag:$0x5], $0x2000, $0x38;
	[tilespmem:$0x15000] =	vst v63  }
0x13: {  	_ =	swait.ge [sflag:s7], $0x2000  }
0x14: {  	[sflag:s7] =	ssyncset.done $0x0  }
0x15: {  	[sflag:s7] =	ssyncadd.s32 $0xFFFFE000  }
.LBB2_1:
0x16: {  	[tilespmem:s2], [sflag:$0x5] =	stream.linear.gather [hbm4b:s4+s2], $0x6800, $0x38;
	[tilespmem:$0x15000] =	vst v63  }
0x17: {  	_ =	swait.ge [sflag:s7], $0x6800  }
0x18: {  	[sflag:s7] =	ssyncset.done $0x0  }
0x19: {  	s0 =	simm.s32 $0x6800;
	[sflag:s7] =	ssyncadd.s32 $0xFFFF9800  }
0x1a: {  	[tilespmem:s0], [sflag:$0x1] =	stream.indirect.gather [hbm4b:s3+s8], $0x40, s2, s8, $0xb8;
	[tilespmem:$0x15000] =	vst v63  }
0x1b: {  	s11 =	simm.s32 $0x68;
	s1 =	simm.s32 $0x8100  }
0x1c: {  	[tilespmem:s1], [sflag:$0x1] =	stream.indirect.gather [hbm4b:s3+s8], $0x40, s11, s8, $0xb8;
	[tilespmem:$0x15000] =	vst v63  }
0x1d: {  	_ = 	snop  }
0x1e: {  	[tilespmem:s13], [sflag:$0x2] =	stream.indirect.gather [hbm4b:s3+s8], $0x40, s12, s8, $0xb8;
	[tilespmem:$0x15000] =	vst v63  }
0x1f: {  	_ = 	snop  }
0x20: {  	[tilespmem:s15], [sflag:$0x2] =	stream.indirect.gather [hbm4b:s3+s8], $0x40, s14, s8, $0xb8;
	[tilespmem:$0x15000] =	vst v63  }
0x21: {  	_ = 	snop  }
0x22: {  	[tilespmem:s17], [sflag:$0x3] =	stream.indirect.gather [hbm4b:s3+s8], $0x40, s16, s8, $0xb8;
	[tilespmem:$0x15000] =	vst v63  }
0x23: {  	_ = 	snop  }
0x24: {  	[tilespmem:s19], [sflag:$0x3] =	stream.indirect.gather [hbm4b:s3+s8], $0x40, s18, s8, $0xb8;
	[tilespmem:$0x15000] =	vst v63  }
0x25: {  	_ = 	snop  }
0x26: {  	[tilespmem:s21], [sflag:$0x4] =	stream.indirect.gather [hbm4b:s3+s8], $0x40, s20, s8, $0xb8;
	[tilespmem:$0x15000] =	vst v63  }
0x27: {  	s31 =	simm.s32 $0x0  }
0x28: {  	[tilespmem:s23], [sflag:$0x4] =	stream.indirect.gather [hbm4b:s3+s8], $0x40, s22, s8, $0xb8;
	[tilespmem:$0x15000] =	vst v63  }
.LBB2_2:
0x29: {  	_ =	swait.ge [sflag:s24], $0x1900  }
0x2a: {  	[sflag:s24] =	ssyncset.done $0x0  }
0x2b: {  	[sflag:s24] =	ssyncadd.s32 $0xFFFFE700  }
0x2c: {  	_ =	swait.ge [sflag:s24], $0x1900  }
0x2d: {  	[sflag:s24] =	ssyncset.done $0x0  }
0x2e: {  	s0 =	simm.s32 $0x40;
	[sflag:s24] =	ssyncadd.s32 $0xFFFFE700  }
0x2f: {  	v2 =	vld [tilespmem:s0+$0x6800]  }
0x30: {  	v4 =	vld [tilespmem:s0+$0x6810]  }
0x31: {  	v3 =	vld [tilespmem:s0+$0x6820]  }
0x32: {  	v5 =	vld [tilespmem:s0+$0x6830]  }
0x33: {  	v0 =	vld [tilespmem:s0+$0x8100]  }
0x34: {  	v1 =	vld [tilespmem:s0+$0x8110]  }
0x35: {  	v18 =	vld [tilespmem:s0+$0x67C0]  }
0x36: {  	v20 =	vld [tilespmem:s0+$0x67D0]  }
0x37: {  	v17 =	vld [tilespmem:s0+$0x67E0]  }
0x38: {  	v19 =	vld [tilespmem:s0+$0x67F0]  }
0x39: {  	v10 =	vimm.f32 $0.0e+00;
	v11 =	vimm.f32 $0.0e+00;
	v14 =	vld [tilespmem:s0+$0x80C0]  }
0x3a: {  	v12 =	vimm.f32 $0.0e+00;
	v13 =	vimm.f32 $0.0e+00;
	v6 =	vimm.f32 $0.0e+00;
	v15 =	vld [tilespmem:s0+$0x80D0]  }
0x3b: {  	s1 =	simm.s32 $0x300;
	v8 =	vimm.f32 $0.0e+00;
	v9 =	vimm.f32 $0.0e+00;
	v7 =	vimm.f32 $0.0e+00;
	v16 =	vld [tilespmem:s0+$0x80E0]  }
.LBB2_3:
0x3c: {  	p0 =	sne.s32 s1, $0x6300;
	v10 =	vadd.f32 v18, v10;
	v11 =	vadd.f32 v20, v11;
	v18 =	vld [tilespmem:s0+$0x80F0]  }
0x3d: {  	v12 =	vadd.f32 v17, v12;
	v13 =	vadd.f32 v19, v13;
	v17 =	vld [tilespmem:s0+$0x8120]  }
0x3e: {  	v10 =	vadd.f32 v2, v10;
	v11 =	vadd.f32 v4, v11;
	v19 =	vld [tilespmem:s0+$0x8130];
	s0 =	sshra.s32 s1, $0x2  }
0x3f: {  	v12 =	vadd.f32 v3, v12;
	v2 =	vld [tilespmem:s0+$0x6800];
	v13 =	vadd.f32 v5, v13  }
0x40: {  	v6 =	vadd.f32 v14, v6;
	v8 =	vadd.f32 v15, v8;
	v4 =	vld [tilespmem:s0+$0x6810]  }
0x41: {  	v9 =	vadd.f32 v16, v9;
	v3 =	vld [tilespmem:s0+$0x6820];
	v7 =	vadd.f32 v18, v7  }
0x42: {  	v6 =	vadd.f32 v0, v6;
	v8 =	vadd.f32 v1, v8;
	v5 =	vld [tilespmem:s0+$0x6830]  }
0x43: {  	v9 =	vadd.f32 v17, v9;
	v0 =	vld [tilespmem:s0+$0x8100];
	v7 =	vadd.f32 v19, v7  }
0x44: {  	v1 =	vld [tilespmem:s0+$0x8110]  }
0x45: {  	v18 =	vld [tilespmem:s0+$0x67C0]  }
0x46: {  	v20 =	vld [tilespmem:s0+$0x67D0]  }
.Ltmp2:
0x47: {  	v17 =	vld [tilespmem:s0+$0x67E0];
	(pc) =	sbr.rel @p0 .LBB2_3-.Ltmp2, $4  }
0x48: {  	v19 =	vld [tilespmem:s0+$0x67F0]  }
0x49: {  	v14 =	vld [tilespmem:s0+$0x80C0]  }
0x4a: {  	v15 =	vld [tilespmem:s0+$0x80D0]  }
0x4b: {  	s1 =	sadd.s32 $0x200, s1;
	v16 =	vld [tilespmem:s0+$0x80E0]  }
0x4c: {  	v10 =	vadd.f32 v18, v10;
	v11 =	vadd.f32 v20, v11  }
0x4d: {  	v18 =	vld [tilespmem:s0+$0x80F0];
	v12 =	vadd.f32 v17, v12;
	v13 =	vadd.f32 v19, v13  }
0x4e: {  	v17 =	vld [tilespmem:s0+$0x8120];
	v2 =	vadd.f32 v2, v10;
	v4 =	vadd.f32 v4, v11  }
0x4f: {  	v10 =	vld [tilespmem:s0+$0x8130];
	v3 =	vadd.f32 v3, v12;
	v6 =	vadd.f32 v14, v6  }
0x50: {  	v5 =	vadd.f32 v5, v13;
	v8 =	vadd.f32 v15, v8  }
0x51: {  	v9 =	vadd.f32 v16, v9;
	v0 =	vadd.f32 v0, v6  }
0x52: {  	v6 =	vadd.f32 v18, v7;
	v1 =	vadd.f32 v1, v8  }
0x53: {  	v7 =	vadd.f32 v17, v9;
	v0 =	vadd.f32 v0, v2  }
0x54: {  	v2 =	vadd.f32 v10, v6;
	v1 =	vadd.f32 v1, v4  }
0x55: {  	s11 =	sshll.u32 s31, $0x8;
	v0 =	vmul.f32 $4.999999890e-03, v0;
	v3 =	vadd.f32 v7, v3  }
0x56: {  	p0 =	seq.s32 s31, $0x1F;
	s1 =	sand.u32 $0x3FFFFF00, s11;
	v1 =	vmul.f32 $4.999999890e-03, v1;
	v2 =	vadd.f32 v2, v5  }
0x57: {  	s0 =	smul.u32 @!p0 $0xD00, s31;
	[tilespmem:s1+$0x13000] =	vst v0;
	v0 =	vmul.f32 $4.999999890e-03, v3  }
0x58: {  	[tilespmem:s1+$0x13010] =	vst v1;
	v1 =	vmul.f32 $4.999999890e-03, v2  }
0x59: {  	s0 =	sshra.s32 @!p0 s0, $0x2;
	[tilespmem:s1+$0x13020] =	vst v0  }
0x5a: {  	s10 =	simm.s32 @!p0 $0x64;
	s11 =	simm.s32 @!p0 $0x6800;
	s9 =	sadd.s32 @!p0 $0x340, s0;
	[tilespmem:s1+$0x13030] =	vst v1  }
0x5b: {  	[tilespmem:s11], [sflag:$0x1] =	stream.indirect.gather @!p0 [hbm4b:s3+s10], $0x40, s9, s10, $0xb8;
	[tilespmem:$0x15000] =	vst v63  }
0x5c: {  	s9 =	sadd.s32 @!p0 $0x3A8, s0;
	s11 =	simm.s32 @!p0 $0x8100  }
0x5d: {  	[tilespmem:s11], [sflag:$0x1] =	stream.indirect.gather @!p0 [hbm4b:s3+s10], $0x40, s9, s10, $0xb8;
	[tilespmem:$0x15000] =	vst v63  }
0x5e: {  	_ =	swait.ge [sflag:s25], $0x1900  }
0x5f: {  	[sflag:s25] =	ssyncset.done $0x0  }
0x60: {  	[sflag:s25] =	ssyncadd.s32 $0xFFFFE700  }
0x61: {  	_ =	swait.ge [sflag:s25], $0x1900  }
0x62: {  	[sflag:s25] =	ssyncset.done $0x0  }
0x63: {  	s9 =	simm.s32 $0x0;
	[sflag:s25] =	ssyncadd.s32 $0xFFFFE700  }
0x64: {  	v2 =	vld [tilespmem:s9+$0x9A40]  }
0x65: {  	v4 =	vld [tilespmem:s9+$0x9A50]  }
0x66: {  	v3 =	vld [tilespmem:s9+$0x9A60]  }
0x67: {  	v5 =	vld [tilespmem:s9+$0x9A70]  }
0x68: {  	v0 =	vld [tilespmem:s9+$0xB340]  }
0x69: {  	v1 =	vld [tilespmem:s9+$0xB350]  }
0x6a: {  	v18 =	vld [tilespmem:s9+$0x9A00]  }
0x6b: {  	v20 =	vld [tilespmem:s9+$0x9A10]  }
0x6c: {  	v17 =	vld [tilespmem:s9+$0x9A20]  }
0x6d: {  	v19 =	vld [tilespmem:s9+$0x9A30]  }
0x6e: {  	v11 =	vimm.f32 $0.0e+00;
	v12 =	vimm.f32 $0.0e+00;
	v14 =	vld [tilespmem:s9+$0xB300]  }
0x6f: {  	v13 =	vimm.f32 $0.0e+00;
	v8 =	vimm.f32 $0.0e+00;
	v9 =	vimm.f32 $0.0e+00;
	v15 =	vld [tilespmem:s9+$0xB310]  }
0x70: {  	v10 =	vimm.f32 $0.0e+00;
	v6 =	vimm.f32 $0.0e+00;
	v7 =	vimm.f32 $0.0e+00;
	s10 =	simm.s32 $0x200;
	v16 =	vld [tilespmem:s9+$0xB320]  }
.LBB2_5:
0x71: {  	p1 =	sne.s32 s10, $0x6200;
	v10 =	vadd.f32 v18, v10;
	v11 =	vadd.f32 v20, v11;
	v18 =	vld [tilespmem:s9+$0xB330]  }
0x72: {  	v12 =	vadd.f32 v17, v12;
	v13 =	vadd.f32 v19, v13;
	v17 =	vld [tilespmem:s9+$0xB360]  }
0x73: {  	v10 =	vadd.f32 v2, v10;
	v11 =	vadd.f32 v4, v11;
	v19 =	vld [tilespmem:s9+$0xB370];
	s9 =	sshra.s32 s10, $0x2  }
0x74: {  	v12 =	vadd.f32 v3, v12;
	v2 =	vld [tilespmem:s9+$0x9A40];
	v13 =	vadd.f32 v5, v13  }
0x75: {  	v6 =	vadd.f32 v14, v6;
	v8 =	vadd.f32 v15, v8;
	v4 =	vld [tilespmem:s9+$0x9A50]  }
0x76: {  	v9 =	vadd.f32 v16, v9;
	v3 =	vld [tilespmem:s9+$0x9A60];
	v7 =	vadd.f32 v18, v7  }
0x77: {  	v6 =	vadd.f32 v0, v6;
	v8 =	vadd.f32 v1, v8;
	v5 =	vld [tilespmem:s9+$0x9A70]  }
0x78: {  	v9 =	vadd.f32 v17, v9;
	v0 =	vld [tilespmem:s9+$0xB340];
	v7 =	vadd.f32 v19, v7  }
0x79: {  	v1 =	vld [tilespmem:s9+$0xB350]  }
0x7a: {  	v18 =	vld [tilespmem:s9+$0x9A00]  }
0x7b: {  	v20 =	vld [tilespmem:s9+$0x9A10]  }
.Ltmp3:
0x7c: {  	v17 =	vld [tilespmem:s9+$0x9A20];
	(pc) =	sbr.rel @p1 .LBB2_5-.Ltmp3, $4  }
0x7d: {  	v19 =	vld [tilespmem:s9+$0x9A30]  }
0x7e: {  	v14 =	vld [tilespmem:s9+$0xB300]  }
0x7f: {  	v15 =	vld [tilespmem:s9+$0xB310]  }
0x80: {  	s10 =	sadd.s32 $0x200, s10;
	v16 =	vld [tilespmem:s9+$0xB320]  }
0x81: {  	v10 =	vadd.f32 v18, v10;
	v11 =	vadd.f32 v20, v11  }
0x82: {  	v18 =	vld [tilespmem:s9+$0xB330];
	v12 =	vadd.f32 v17, v12;
	v13 =	vadd.f32 v19, v13  }
0x83: {  	v17 =	vld [tilespmem:s9+$0xB360];
	v2 =	vadd.f32 v2, v10;
	v4 =	vadd.f32 v4, v11  }
0x84: {  	v10 =	vld [tilespmem:s9+$0xB370];
	v3 =	vadd.f32 v3, v12;
	v6 =	vadd.f32 v14, v6  }
0x85: {  	v5 =	vadd.f32 v5, v13;
	v8 =	vadd.f32 v15, v8  }
0x86: {  	v9 =	vadd.f32 v16, v9;
	v0 =	vadd.f32 v0, v6  }
0x87: {  	v6 =	vadd.f32 v18, v7;
	v1 =	vadd.f32 v1, v8  }
0x88: {  	v7 =	vadd.f32 v17, v9;
	v0 =	vadd.f32 v0, v2  }
0x89: {  	v2 =	vadd.f32 v10, v6;
	v1 =	vadd.f32 v1, v4  }
0x8a: {  	v0 =	vmul.f32 $4.999999890e-03, v0;
	v3 =	vadd.f32 v7, v3  }
0x8b: {  	v1 =	vmul.f32 $4.999999890e-03, v1;
	v2 =	vadd.f32 v2, v5  }
0x8c: {  	[tilespmem:s1+$0x13040] =	vst v0;
	v0 =	vmul.f32 $4.999999890e-03, v3  }
0x8d: {  	[tilespmem:s1+$0x13050] =	vst v1;
	v1 =	vmul.f32 $4.999999890e-03, v2  }
0x8e: {  	[tilespmem:s1+$0x13060] =	vst v0  }
0x8f: {  	s10 =	simm.s32 @!p0 $0x64;
	s11 =	simm.s32 @!p0 $0x9A00;
	s9 =	sadd.s32 @!p0 $0x410, s0;
	[tilespmem:s1+$0x13070] =	vst v1  }
0x90: {  	[tilespmem:s11], [sflag:$0x2] =	stream.indirect.gather @!p0 [hbm4b:s3+s10], $0x40, s9, s10, $0xb8;
	[tilespmem:$0x15000] =	vst v63  }
0x91: {  	s9 =	sadd.s32 @!p0 $0x478, s0;
	s11 =	simm.s32 @!p0 $0xB300  }
0x92: {  	[tilespmem:s11], [sflag:$0x2] =	stream.indirect.gather @!p0 [hbm4b:s3+s10], $0x40, s9, s10, $0xb8;
	[tilespmem:$0x15000] =	vst v63  }
0x93: {  	_ =	swait.ge [sflag:s26], $0x1900  }
0x94: {  	[sflag:s26] =	ssyncset.done $0x0  }
0x95: {  	[sflag:s26] =	ssyncadd.s32 $0xFFFFE700  }
0x96: {  	_ =	swait.ge [sflag:s26], $0x1900  }
0x97: {  	[sflag:s26] =	ssyncset.done $0x0  }
0x98: {  	s9 =	simm.s32 $0x0;
	[sflag:s26] =	ssyncadd.s32 $0xFFFFE700  }
0x99: {  	v2 =	vld [tilespmem:s9+$0xCC40]  }
0x9a: {  	v4 =	vld [tilespmem:s9+$0xCC50]  }
0x9b: {  	v3 =	vld [tilespmem:s9+$0xCC60]  }
0x9c: {  	v5 =	vld [tilespmem:s9+$0xCC70]  }
0x9d: {  	v0 =	vld [tilespmem:s9+$0xE540]  }
0x9e: {  	v1 =	vld [tilespmem:s9+$0xE550]  }
0x9f: {  	v18 =	vld [tilespmem:s9+$0xCC00]  }
0xa0: {  	v20 =	vld [tilespmem:s9+$0xCC10]  }
0xa1: {  	v17 =	vld [tilespmem:s9+$0xCC20]  }
0xa2: {  	v19 =	vld [tilespmem:s9+$0xCC30]  }
0xa3: {  	v11 =	vimm.f32 $0.0e+00;
	v12 =	vimm.f32 $0.0e+00;
	v14 =	vld [tilespmem:s9+$0xE500]  }
0xa4: {  	v13 =	vimm.f32 $0.0e+00;
	v8 =	vimm.f32 $0.0e+00;
	v9 =	vimm.f32 $0.0e+00;
	v15 =	vld [tilespmem:s9+$0xE510]  }
0xa5: {  	v10 =	vimm.f32 $0.0e+00;
	v6 =	vimm.f32 $0.0e+00;
	v7 =	vimm.f32 $0.0e+00;
	s10 =	simm.s32 $0x200;
	v16 =	vld [tilespmem:s9+$0xE520]  }
.LBB2_7:
0xa6: {  	p1 =	sne.s32 s10, $0x6200;
	v10 =	vadd.f32 v18, v10;
	v11 =	vadd.f32 v20, v11;
	v18 =	vld [tilespmem:s9+$0xE530]  }
0xa7: {  	v12 =	vadd.f32 v17, v12;
	v13 =	vadd.f32 v19, v13;
	v17 =	vld [tilespmem:s9+$0xE560]  }
0xa8: {  	v10 =	vadd.f32 v2, v10;
	v11 =	vadd.f32 v4, v11;
	v19 =	vld [tilespmem:s9+$0xE570];
	s9 =	sshra.s32 s10, $0x2  }
0xa9: {  	v12 =	vadd.f32 v3, v12;
	v2 =	vld [tilespmem:s9+$0xCC40];
	v13 =	vadd.f32 v5, v13  }
0xaa: {  	v6 =	vadd.f32 v14, v6;
	v8 =	vadd.f32 v15, v8;
	v4 =	vld [tilespmem:s9+$0xCC50]  }
0xab: {  	v9 =	vadd.f32 v16, v9;
	v3 =	vld [tilespmem:s9+$0xCC60];
	v7 =	vadd.f32 v18, v7  }
0xac: {  	v6 =	vadd.f32 v0, v6;
	v8 =	vadd.f32 v1, v8;
	v5 =	vld [tilespmem:s9+$0xCC70]  }
0xad: {  	v9 =	vadd.f32 v17, v9;
	v0 =	vld [tilespmem:s9+$0xE540];
	v7 =	vadd.f32 v19, v7  }
0xae: {  	v1 =	vld [tilespmem:s9+$0xE550]  }
0xaf: {  	v18 =	vld [tilespmem:s9+$0xCC00]  }
0xb0: {  	v20 =	vld [tilespmem:s9+$0xCC10]  }
.Ltmp4:
0xb1: {  	v17 =	vld [tilespmem:s9+$0xCC20];
	(pc) =	sbr.rel @p1 .LBB2_7-.Ltmp4, $4  }
0xb2: {  	v19 =	vld [tilespmem:s9+$0xCC30]  }
0xb3: {  	v14 =	vld [tilespmem:s9+$0xE500]  }
0xb4: {  	v15 =	vld [tilespmem:s9+$0xE510]  }
0xb5: {  	s10 =	sadd.s32 $0x200, s10;
	v16 =	vld [tilespmem:s9+$0xE520]  }
0xb6: {  	v10 =	vadd.f32 v18, v10;
	v11 =	vadd.f32 v20, v11  }
0xb7: {  	v18 =	vld [tilespmem:s9+$0xE530];
	v12 =	vadd.f32 v17, v12;
	v13 =	vadd.f32 v19, v13  }
0xb8: {  	v17 =	vld [tilespmem:s9+$0xE560];
	v2 =	vadd.f32 v2, v10;
	v4 =	vadd.f32 v4, v11  }
0xb9: {  	v10 =	vld [tilespmem:s9+$0xE570];
	v3 =	vadd.f32 v3, v12;
	v6 =	vadd.f32 v14, v6  }
0xba: {  	v5 =	vadd.f32 v5, v13;
	v8 =	vadd.f32 v15, v8  }
0xbb: {  	v9 =	vadd.f32 v16, v9;
	v0 =	vadd.f32 v0, v6  }
0xbc: {  	v6 =	vadd.f32 v18, v7;
	v1 =	vadd.f32 v1, v8  }
0xbd: {  	v7 =	vadd.f32 v17, v9;
	v0 =	vadd.f32 v0, v2  }
0xbe: {  	v2 =	vadd.f32 v10, v6;
	v1 =	vadd.f32 v1, v4  }
0xbf: {  	v0 =	vmul.f32 $4.999999890e-03, v0;
	v3 =	vadd.f32 v7, v3  }
0xc0: {  	v1 =	vmul.f32 $4.999999890e-03, v1;
	v2 =	vadd.f32 v2, v5  }
0xc1: {  	[tilespmem:s1+$0x13080] =	vst v0;
	v0 =	vmul.f32 $4.999999890e-03, v3  }
0xc2: {  	[tilespmem:s1+$0x13090] =	vst v1;
	v1 =	vmul.f32 $4.999999890e-03, v2  }
0xc3: {  	[tilespmem:s1+$0x130A0] =	vst v0  }
0xc4: {  	s10 =	simm.s32 @!p0 $0x64;
	s11 =	simm.s32 @!p0 $0xCC00;
	s9 =	sadd.s32 @!p0 $0x4E0, s0;
	[tilespmem:s1+$0x130B0] =	vst v1  }
0xc5: {  	[tilespmem:s11], [sflag:$0x3] =	stream.indirect.gather @!p0 [hbm4b:s3+s10], $0x40, s9, s10, $0xb8;
	[tilespmem:$0x15000] =	vst v63  }
0xc6: {  	s0 =	sadd.s32 @!p0 $0x548, s0;
	s9 =	simm.s32 @!p0 $0xE500  }
0xc7: {  	[tilespmem:s9], [sflag:$0x3] =	stream.indirect.gather @!p0 [hbm4b:s3+s10], $0x40, s0, s10, $0xb8;
	[tilespmem:$0x15000] =	vst v63  }
0xc8: {  	_ =	swait.ge [sflag:s28], $0x1900  }
0xc9: {  	[sflag:s28] =	ssyncset.done $0x0  }
0xca: {  	[sflag:s28] =	ssyncadd.s32 $0xFFFFE700  }
0xcb: {  	_ =	swait.ge [sflag:s28], $0x1900  }
0xcc: {  	[sflag:s28] =	ssyncset.done $0x0  }
0xcd: {  	s0 =	simm.s32 $0x0;
	[sflag:s28] =	ssyncadd.s32 $0xFFFFE700  }
0xce: {  	v2 =	vld [tilespmem:s0+$0xFE40]  }
0xcf: {  	v4 =	vld [tilespmem:s0+$0xFE50]  }
0xd0: {  	v3 =	vld [tilespmem:s0+$0xFE60]  }
0xd1: {  	v5 =	vld [tilespmem:s0+$0xFE70]  }
0xd2: {  	v0 =	vld [tilespmem:s0+$0x11740]  }
0xd3: {  	v1 =	vld [tilespmem:s0+$0x11750]  }
0xd4: {  	v18 =	vld [tilespmem:s0+$0xFE00]  }
0xd5: {  	v20 =	vld [tilespmem:s0+$0xFE10]  }
0xd6: {  	v17 =	vld [tilespmem:s0+$0xFE20]  }
0xd7: {  	v19 =	vld [tilespmem:s0+$0xFE30]  }
0xd8: {  	v11 =	vimm.f32 $0.0e+00;
	v12 =	vimm.f32 $0.0e+00;
	v14 =	vld [tilespmem:s0+$0x11700]  }
0xd9: {  	v13 =	vimm.f32 $0.0e+00;
	v8 =	vimm.f32 $0.0e+00;
	v9 =	vimm.f32 $0.0e+00;
	v15 =	vld [tilespmem:s0+$0x11710]  }
0xda: {  	v10 =	vimm.f32 $0.0e+00;
	v6 =	vimm.f32 $0.0e+00;
	v7 =	vimm.f32 $0.0e+00;
	s9 =	simm.s32 $0x200;
	v16 =	vld [tilespmem:s0+$0x11720]  }
.LBB2_9:
0xdb: {  	p1 =	sne.s32 s9, $0x6200;
	v10 =	vadd.f32 v18, v10;
	v11 =	vadd.f32 v20, v11;
	v18 =	vld [tilespmem:s0+$0x11730]  }
0xdc: {  	v12 =	vadd.f32 v17, v12;
	v13 =	vadd.f32 v19, v13;
	v17 =	vld [tilespmem:s0+$0x11760]  }
0xdd: {  	v10 =	vadd.f32 v2, v10;
	v11 =	vadd.f32 v4, v11;
	v19 =	vld [tilespmem:s0+$0x11770];
	s0 =	sshra.s32 s9, $0x2  }
0xde: {  	v12 =	vadd.f32 v3, v12;
	v2 =	vld [tilespmem:s0+$0xFE40];
	v13 =	vadd.f32 v5, v13  }
0xdf: {  	v6 =	vadd.f32 v14, v6;
	v8 =	vadd.f32 v15, v8;
	v4 =	vld [tilespmem:s0+$0xFE50]  }
0xe0: {  	v9 =	vadd.f32 v16, v9;
	v3 =	vld [tilespmem:s0+$0xFE60];
	v7 =	vadd.f32 v18, v7  }
0xe1: {  	v6 =	vadd.f32 v0, v6;
	v8 =	vadd.f32 v1, v8;
	v5 =	vld [tilespmem:s0+$0xFE70]  }
0xe2: {  	v9 =	vadd.f32 v17, v9;
	v0 =	vld [tilespmem:s0+$0x11740];
	v7 =	vadd.f32 v19, v7  }
0xe3: {  	v1 =	vld [tilespmem:s0+$0x11750]  }
0xe4: {  	v18 =	vld [tilespmem:s0+$0xFE00]  }
0xe5: {  	v20 =	vld [tilespmem:s0+$0xFE10]  }
.Ltmp5:
0xe6: {  	v17 =	vld [tilespmem:s0+$0xFE20];
	(pc) =	sbr.rel @p1 .LBB2_9-.Ltmp5, $4  }
0xe7: {  	v19 =	vld [tilespmem:s0+$0xFE30]  }
0xe8: {  	v14 =	vld [tilespmem:s0+$0x11700]  }
0xe9: {  	v15 =	vld [tilespmem:s0+$0x11710]  }
0xea: {  	s9 =	sadd.s32 $0x200, s9;
	v16 =	vld [tilespmem:s0+$0x11720]  }
0xeb: {  	v10 =	vadd.f32 v18, v10;
	v11 =	vadd.f32 v20, v11  }
0xec: {  	v56 =	vld [tilespmem:s0+$0x11730];
	v12 =	vadd.f32 v17, v12;
	v13 =	vadd.f32 v19, v13  }
0xed: {  	v57 =	vld [tilespmem:s0+$0x11760];
	v2 =	vadd.f32 v2, v10;
	v4 =	vadd.f32 v4, v11  }
0xee: {  	v58 =	vld [tilespmem:s0+$0x11770];
	v3 =	vadd.f32 v3, v12;
	v6 =	vadd.f32 v14, v6  }
0xef: {  	v5 =	vadd.f32 v5, v13;
	v8 =	vadd.f32 v15, v8  }
0xf0: {  	v9 =	vadd.f32 v16, v9;
	v0 =	vadd.f32 v0, v6  }
0xf1: {  	v59 =	vadd.f32 v56, v7;
	v1 =	vadd.f32 v1, v8  }
0xf2: {  	v60 =	vadd.f32 v57, v9;
	v0 =	vadd.f32 v0, v2  }
0xf3: {  	v61 =	vadd.f32 v58, v59;
	v1 =	vadd.f32 v1, v4  }
0xf4: {  	v0 =	vmul.f32 $4.999999890e-03, v0;
	v3 =	vadd.f32 v60, v3  }
.Ltmp6:
0xf5: {  	v1 =	vmul.f32 $4.999999890e-03, v1;
	v2 =	vadd.f32 v61, v5;
	(pc) =	sbr.rel @p0 .LBB2_12-.Ltmp6, $4  }
0xf6: {  	[tilespmem:s1+$0x130C0] =	vst v0;
	v62 =	vmul.f32 $4.999999890e-03, v3  }
0xf7: {  	[tilespmem:s1+$0x130D0] =	vst v1;
	v63 =	vmul.f32 $4.999999890e-03, v2  }
0xf8: {  	[tilespmem:s1+$0x130E0] =	vst v62  }
0xf9: {  	[tilespmem:s1+$0x130F0] =	vst v63  }
0xfa: {  	s0 =	smul.u32 $0xD00, s31;
	_ =	sdelay $0x1  }
.Ltmp7:
0xfb: {  	s0 =	sshra.s32 s0, $0x2;
	(pc) =	sbr.rel .LBB2_2-.Ltmp7, $4  }
0xfc: {  	s1 =	sadd.s32 $0x5B0, s0  }
0xfd: {  	[tilespmem:s21], [sflag:$0x4] =	stream.indirect.gather [hbm4b:s3+s8], $0x40, s1, s8, $0xb8;
	[tilespmem:$0x15000] =	vst v63  }
0xfe: {  	s31 =	sadd.s32 $0x1, s31;
	s0 =	sadd.s32 $0x618, s0  }
0xff: {  	[tilespmem:s23], [sflag:$0x4] =	stream.indirect.gather [hbm4b:s3+s8], $0x40, s0, s8, $0xb8;
	[tilespmem:$0x15000] =	vst v63  }
.LBB2_13:
0x100: {  	_ =	sfence.sel $0x180000  }
0x101: {  	[bflag:$0x0] =	sbarrier.arrive $0xFFFF  }
0x102: {  	_ =	strace $0x90000047  }
0x103: {  	s0 =	stileid.u32;
	[bflag:$0x2] =	sbarrier.arrive $0xFFFF  }
0x104: {  	p0 =	sne.s32 s0, $0x0;
	s0 =	rddreg [dreg:$0x2]  }
0x105: {  	s0 =	sadd.s32 @!p0 $0x100000, s0  }
0x106: {  	[sflag:s0] =	ssyncadd.tile.s32 @!p0 $0x1;
	_ =	shalt  }
.Lfunc_end2:
_tile_overlayer_lowered:
.L_overlay_start_2:
0x107: {  	(tag) =	ssettag $0x2  }
0x108: {  	s0 =	rddreg [dreg:$0x0];
	s2 =	stileid.u32  }
0x109: {  	s1 =	rddreg [dreg:$0x1];
	p0 =	sne.s32 s2, $0x0  }
0x10a: {  	s3 =	rddreg [dreg:$0x2];
	[bflag:$0x3] =	sbarrier.arrive $0xFFFF;
	s2 =	simm.s32 @!p0 $0x1C05  }
0x10b: {  	[timem:s3], [sflag:s2] =	dma.local @!p0 [hbm:s0], s1  }
0x10c: {  	s0 =	simm.s32 @!p0 $0x5  }
0x10d: {  	_ =	swait.ge @!p0 [sflag:s0], s1  }
0x10e: {  	s1 =	ssub.s32 @!p0 $0x0, s1;
	[sflag:s0] =	ssyncset.done @!p0 $0x0  }
0x10f: {  	[sflag:s0] =	ssyncadd.s32 @!p0 s1  }
0x110: {  	[bflag:$0x3] =	sbarrier.arrive $0xFFFF  }
0x111: {  	_ =	shalt  }

</sc_bundles>
